<compile_context>
chip_gen: v7x
topology: tpu7x:2x2x1
jax: 0.10.2.dev20260603
libtpu: 0.0.44.dev20260713+nightly
codegen_flags: <defaults>
</compile_context>

<pallas_src>
import functools

import jax
import jax.numpy as jnp
from jax import lax
from jax.experimental import pallas as pl
from jax.experimental.pallas import tpu as pltpu
from jax.experimental.pallas import tpu_sc as plsc

N = 10000
E = 320000
HID = 128
NB = 2000
EB = 2000
CH = 128
NCH = E // CH
NC = 2
NS = 16
NW = NC * NS
GLOOPS = -(-NCH // NW)
SLOOPS = -(-NCH // NS)
N_PAD = 10240
ROWS_PER_TILE = N_PAD // NS


def _silu(v):
    return v * jax.nn.sigmoid(v)


def _pack(h, x):
    hb = lax.bitcast_convert_type(h.astype(jnp.bfloat16).astype(jnp.float32),
                                  jnp.int32)
    xb = lax.bitcast_convert_type(x.astype(jnp.bfloat16).astype(jnp.float32),
                                  jnp.int32)
    return jnp.bitwise_or(hb, lax.shift_right_logical(xb, 16))


def _unpack_hi(p):
    return lax.bitcast_convert_type(
        jnp.bitwise_and(p, jnp.int32(-65536)), jnp.float32)


def _unpack_lo(p):
    return lax.bitcast_convert_type(lax.shift_left(p, 16), jnp.float32)


def _embed_body(h0_ref, beta_ref, z_ref, wea_ref, we8_ref, we9_ref,
                we10_ref, be_ref, out_ref, obf_ref):
    b = beta_ref[...]
    h = jnp.dot(h0_ref[...], wea_ref[...], preferred_element_type=jnp.float32)
    h = h + b * we8_ref[...] + jnp.sin(b) * we9_ref[...] \
        + jnp.cos(b) * we10_ref[...] + be_ref[...]
    out_ref[...] = h
    x = jnp.concatenate([z_ref[...], jnp.zeros((NB, HID - 16), jnp.float32)],
                        axis=1)
    obf_ref[...] = _pack(h, x)


def _embed(H0, beta2, z16, WeA, we8, we9, we10, be_row):
    return pl.pallas_call(
        _embed_body,
        grid=(N // NB,),
        in_specs=[
            pl.BlockSpec((NB, 8), lambda i: (i, 0)),
            pl.BlockSpec((NB, 1), lambda i: (i, 0)),
            pl.BlockSpec((NB, 16), lambda i: (i, 0)),
            pl.BlockSpec((8, HID), lambda i: (0, 0)),
            pl.BlockSpec((1, HID), lambda i: (0, 0)),
            pl.BlockSpec((1, HID), lambda i: (0, 0)),
            pl.BlockSpec((1, HID), lambda i: (0, 0)),
            pl.BlockSpec((1, HID), lambda i: (0, 0)),
        ],
        out_specs=[
            pl.BlockSpec((NB, HID), lambda i: (i, 0)),
            pl.BlockSpec((NB, HID), lambda i: (i, 0)),
        ],
        out_shape=[
            jax.ShapeDtypeStruct((N, HID), jnp.float32),
            jax.ShapeDtypeStruct((N, HID), jnp.int32),
        ],
    )(H0, beta2, z16, WeA, we8, we9, we10, be_row)


def _sc_mesh():
    return plsc.VectorSubcoreMesh(core_axis_name="c", subcore_axis_name="s")


def _gather_kernel(tbf_hbm, src_hbm, dst_hbm, hs_out, hd_out,
                   idx_v, rows_v, sem):
    c = lax.axis_index("c")
    s = lax.axis_index("s")
    wid = s * NC + c

    def body(i, carry):
        ch = wid + i * NW

        @pl.when(ch < NCH)
        def _():
            base = ch * CH
            pltpu.sync_copy(src_hbm.at[pl.ds(base, CH)], idx_v)
            pltpu.async_copy(tbf_hbm.at[idx_v], rows_v, sem).wait()
            pltpu.sync_copy(rows_v, hs_out.at[pl.ds(base, CH)])
            pltpu.sync_copy(dst_hbm.at[pl.ds(base, CH)], idx_v)
            pltpu.async_copy(tbf_hbm.at[idx_v], rows_v, sem).wait()
            pltpu.sync_copy(rows_v, hd_out.at[pl.ds(base, CH)])

        return carry

    lax.fori_loop(0, GLOOPS, body, 0)


def _gather(Tbf, src, dst):
    fn = functools.partial(
        pl.kernel,
        mesh=_sc_mesh(),
        out_type=[jax.ShapeDtypeStruct((E, HID), jnp.int32)] * 2,
        scratch_types=[
            pltpu.VMEM((CH,), jnp.int32),
            pltpu.VMEM((CH, HID), jnp.int32),
            pltpu.SemaphoreType.DMA,
        ],
    )(_gather_kernel)
    return fn(Tbf, src, dst)


def _edge_body(hs_ref, hd_ref, wa_ref, wb_ref, wr2_ref,
               b1_ref, w2_ref, b2_ref, wx_ref, mh_ref, mx_ref):
    ps = hs_ref[...]
    pd = hd_ref[...]
    dx = _unpack_lo(ps) - _unpack_lo(pd)
    r2 = jnp.sum(dx * dx, axis=1, keepdims=True)
    hsh = _unpack_hi(ps)
    hdh = _unpack_hi(pd)
    m = jnp.dot(hsh, wa_ref[...], preferred_element_type=jnp.float32)
    m = m + jnp.dot(hdh, wb_ref[...], preferred_element_type=jnp.float32)
    m = _silu(m + r2 * wr2_ref[...] + b1_ref[...])
    m = _silu(jnp.dot(m, w2_ref[...], preferred_element_type=jnp.float32)
              + b2_ref[...])
    coef = jnp.sum(m * wx_ref[...], axis=1, keepdims=True)
    lane = lax.broadcasted_iota(jnp.int32, (EB, HID), 1)
    mh_ref[...] = m
    mx_ref[...] = dx * coef + (lane == 3).astype(jnp.float32)


def _edge(HS, HD, WA, WB, wr2, b1r, W2, b2r, wxr):
    full = lambda i: (0, 0)
    edge_spec = pl.BlockSpec((EB, HID), lambda i: (i, 0))
    return pl.pallas_call(
        _edge_body,
        grid=(E // EB,),
        in_specs=[
            edge_spec, edge_spec,
            pl.BlockSpec((HID, HID), full),
            pl.BlockSpec((HID, HID), full),
            pl.BlockSpec((1, HID), full),
            pl.BlockSpec((1, HID), full),
            pl.BlockSpec((HID, HID), full),
            pl.BlockSpec((1, HID), full),
            pl.BlockSpec((1, HID), full),
        ],
        out_specs=[edge_spec, edge_spec],
        out_shape=[jax.ShapeDtypeStruct((E, HID), jnp.float32)] * 2,
    )(HS, HD, WA, WB, wr2, b1r, W2, b2r, wxr)


def _scatter_kernel(mh_hbm, mx_hbm, dst_hbm, zeros_hbm, acc_out,
                    idx_v, rows_v, acc_sh, sem):
    c = lax.axis_index("c")
    s = lax.axis_index("s")
    pltpu.sync_copy(zeros_hbm,
                    acc_sh.at[pl.ds(s * ROWS_PER_TILE, ROWS_PER_TILE)])
    plsc.subcore_barrier()

    def add_chunks(m_hbm):
        def body(i, carry):
            ch = s + i * NS

            @pl.when(ch < NCH)
            def _():
                base = ch * CH
                pltpu.sync_copy(dst_hbm.at[pl.ds(base, CH)], idx_v)
                pltpu.sync_copy(m_hbm.at[pl.ds(base, CH)], rows_v)
                pltpu.sync_copy(rows_v, acc_sh.at[idx_v], add=True)

            return carry

        lax.fori_loop(0, SLOOPS, body, 0)

    @pl.when(c == 0)
    def _():
        add_chunks(mh_hbm)

    @pl.when(c == 1)
    def _():
        add_chunks(mx_hbm)

    plsc.subcore_barrier()
    pltpu.sync_copy(acc_sh.at[pl.ds(s * ROWS_PER_TILE, ROWS_PER_TILE)],
                    acc_out.at[c, pl.ds(s * ROWS_PER_TILE, ROWS_PER_TILE)])


def _scatter(MH, MX, dst, zeros_tile):
    fn = functools.partial(
        pl.kernel,
        mesh=_sc_mesh(),
        out_type=jax.ShapeDtypeStruct((NC, N_PAD, HID), jnp.float32),
        scratch_types=[
            pltpu.VMEM((CH,), jnp.int32),
            pltpu.VMEM((CH, HID), jnp.float32),
            pltpu.VMEM_SHARED((N_PAD, HID), jnp.float32),
            pltpu.SemaphoreType.DMA,
        ],
    )(_scatter_kernel)
    return fn(MH, MX, dst, zeros_tile)


def _node_body(th_ref, tx_ref, acc_ref, wua_ref, wub_ref, bu_ref,
               oh_ref, ox_ref, obf_ref):
    h = th_ref[...]
    x = tx_ref[...]
    agg = acc_ref[0]
    xa = acc_ref[1]
    lane = lax.broadcasted_iota(jnp.int32, (NB, HID), 1)
    deg = jnp.sum(jnp.where(lane == 3, xa, 0.0), axis=1, keepdims=True) + 1.0
    u = jnp.dot(h, wua_ref[...], preferred_element_type=jnp.float32)
    u = u + jnp.dot(agg, wub_ref[...], preferred_element_type=jnp.float32)
    hn = h + _silu(u + bu_ref[...])
    xn = x + jnp.where(lane < 3, xa, 0.0) / deg
    oh_ref[...] = hn
    ox_ref[...] = xn
    obf_ref[...] = _pack(hn, xn)


def _node(Th, Tx, ACC, WuA, WuB, bur):
    full = lambda i: (0, 0)
    node_spec = pl.BlockSpec((NB, HID), lambda i: (i, 0))
    return pl.pallas_call(
        _node_body,
        grid=(N // NB,),
        in_specs=[
            node_spec, node_spec,
            pl.BlockSpec((NC, NB, HID), lambda i: (0, i, 0)),
            pl.BlockSpec((HID, HID), full),
            pl.BlockSpec((HID, HID), full),
            pl.BlockSpec((1, HID), full),
        ],
        out_specs=[node_spec, node_spec, node_spec],
        out_shape=[
            jax.ShapeDtypeStruct((N, HID), jnp.float32),
            jax.ShapeDtypeStruct((N, HID), jnp.float32),
            jax.ShapeDtypeStruct((N, HID), jnp.int32),
        ],
    )(Th, Tx, ACC, WuA, WuB, bur)


def _pool_body(th_ref, bid_ref, w1_ref, b1_ref, w2_ref, b2_ref, out_ref):
    bid = bid_ref[...]
    row = lax.broadcasted_iota(jnp.int32, (64, N), 0)
    oht = jnp.where(row == bid, 1.0, 0.0)
    val = jnp.dot(oht, th_ref[...], preferred_element_type=jnp.float32)
    n = jnp.sum(oht, axis=1, keepdims=True)
    val = val * lax.rsqrt(jnp.maximum(n, 1.0))
    o = jnp.dot(_silu(val), w1_ref[...], preferred_element_type=jnp.float32) \
        + b1_ref[...]
    o = jnp.dot(_silu(o), w2_ref[...], preferred_element_type=jnp.float32) \
        + b2_ref[...]
    out_ref[...] = o


def _pool(Th, bid_row, W1, b1r, W2, b2r):
    return pl.pallas_call(
        _pool_body,
        in_specs=[
            pl.BlockSpec((N, HID), lambda: (0, 0)),
            pl.BlockSpec((1, N), lambda: (0, 0)),
            pl.BlockSpec((HID, HID), lambda: (0, 0)),
            pl.BlockSpec((1, HID), lambda: (0, 0)),
            pl.BlockSpec((HID, 128), lambda: (0, 0)),
            pl.BlockSpec((1, 128), lambda: (0, 0)),
        ],
        out_specs=pl.BlockSpec((64, 128), lambda: (0, 0)),
        out_shape=jax.ShapeDtypeStruct((64, 128), jnp.float32),
    )(Th, bid_row, W1, b1r, W2, b2r)


def kernel(H0, Z0, beta, batch_ids, edge_index, W_embed, b_embed, Wm1, bm1,
           Wm2, bm2, Wx, Wu, bu, W1, b1, W2, b2):
    f32 = jnp.float32
    src = edge_index[0].astype(jnp.int32)
    dst = edge_index[1].astype(jnp.int32)
    bid_row = batch_ids.astype(jnp.int32).reshape(1, N)
    beta2 = beta.reshape(N, 1)
    zeros_tile = jnp.zeros((ROWS_PER_TILE, HID), f32)

    z16 = jnp.concatenate([Z0[:, 0, :], jnp.zeros((N, 13), f32)], axis=1)
    Th, Tbf = _embed(H0, beta2, z16, W_embed[:8], W_embed[8:9], W_embed[9:10],
                     W_embed[10:11], b_embed.reshape(1, HID))
    Tx = jnp.concatenate([Z0[:, 0, :], jnp.zeros((N, HID - 3), f32)], axis=1)

    for l in range(3):
        HS, HD = _gather(Tbf, src, dst)
        MH, MX = _edge(HS, HD,
                       Wm1[l, :HID], Wm1[l, HID:2 * HID],
                       Wm1[l, 2 * HID:2 * HID + 1],
                       bm1[l].reshape(1, HID), Wm2[l], bm2[l].reshape(1, HID),
                       Wx[l, :, 0].reshape(1, HID))
        ACC = _scatter(MH, MX, dst, zeros_tile)
        Th, Tx, Tbf = _node(Th, Tx, ACC, Wu[l, :HID], Wu[l, HID:],
                            bu[l].reshape(1, HID))

    return _pool(Th, bid_row, W1, b1.reshape(1, HID), W2, b2.reshape(1, 128))

# --- scband reference (transcript-rebuilt; emitter-appended) ---
"""Pipeline reference for scband-ifencoder-75763223101607 (READ-ONLY COPY).

The authoritative reference and input builder live on the scoring server;
editing this copy changes nothing except your own understanding.
"""

import jax, jax.numpy as jnp
import numpy as np

N = 10000
E = 320000
D_LAT = 8
HID = 128
OUT = 128
B = 64
NL = 3


def setup_inputs(seed: int = 0) -> dict:
    key = jax.random.key(seed)
    ks = jax.random.split(key, 24)
    inp = {}
    inp['H0'] = jax.random.normal(ks[0], (N, D_LAT), dtype=jnp.float32)
    inp['Z0'] = jax.random.normal(ks[1], (N, 1, 3), dtype=jnp.float32)
    inp['beta'] = jax.random.uniform(ks[2], (N,), dtype=jnp.float32)
    inp['batch_ids'] = jnp.sort(jax.random.randint(ks[3], (N,), 0, B, dtype=jnp.int64))
    inp['edge_index'] = jax.random.randint(ks[4], (2, E), 0, N, dtype=jnp.int64)
    # learned params
    inp['W_embed'] = jax.random.normal(ks[5], (D_LAT + 3, HID), dtype=jnp.float32) * 0.05
    inp['b_embed'] = jnp.zeros((HID,), dtype=jnp.float32)
    inp['Wm1'] = jax.random.normal(ks[6], (NL, 2 * HID + 1, HID), dtype=jnp.float32) * 0.05
    inp['bm1'] = jnp.zeros((NL, HID), dtype=jnp.float32)
    inp['Wm2'] = jax.random.normal(ks[7], (NL, HID, HID), dtype=jnp.float32) * 0.05
    inp['bm2'] = jnp.zeros((NL, HID), dtype=jnp.float32)
    inp['Wx'] = jax.random.normal(ks[8], (NL, HID, 1), dtype=jnp.float32) * 0.05
    inp['Wu'] = jax.random.normal(ks[9], (NL, 2 * HID, HID), dtype=jnp.float32) * 0.05
    inp['bu'] = jnp.zeros((NL, HID), dtype=jnp.float32)
    inp['W1'] = jax.random.normal(ks[10], (HID, HID), dtype=jnp.float32) * 0.05
    inp['b1'] = jnp.zeros((HID,), dtype=jnp.float32)
    inp['W2'] = jax.random.normal(ks[11], (HID, OUT), dtype=jnp.float32) * 0.05
    inp['b2'] = jnp.zeros((OUT,), dtype=jnp.float32)
    return inp


def reference(H0, Z0, beta, batch_ids, edge_index, W_embed, b_embed, Wm1, bm1, Wm2, bm2, Wx, Wu, bu, W1, b1, W2, b2):
    # t embedding: beta = trans_x.get_timestamp(t)[batch_ids]; t_embed = [beta, sin, cos]
    t_embed = jnp.stack([beta, jnp.sin(beta), jnp.cos(beta)], axis=-1)
    H = jnp.concatenate([H0, t_embed], axis=-1)
    h = H @ W_embed + b_embed  # self.embedding(H)
    x = Z0[:, 0, :]  # [N, 3], n_channel = 1
    src = edge_index[0]
    dst = edge_index[1]
    # EGNN/EPT-style equivariant message passing layers
    for l in range(NL):
        diff = x[src] - x[dst]
        r2 = jnp.sum(diff * diff, axis=-1, keepdims=True)
        m_in = jnp.concatenate([h[src], h[dst], r2], axis=-1)
        m = jax.nn.silu(m_in @ Wm1[l] + bm1[l])
        m = jax.nn.silu(m @ Wm2[l] + bm2[l])
        agg = jax.ops.segment_sum(m, dst, num_segments=N)
        h = h + jax.nn.silu(jnp.concatenate([h, agg], axis=-1) @ Wu[l] + bu[l])
        coef = m @ Wx[l]  # [E, 1]
        deg = jax.ops.segment_sum(jnp.ones((E, 1), dtype=x.dtype), dst, num_segments=N) + 1.0
        x = x + jax.ops.segment_sum(diff * coef, dst, num_segments=N) / deg
    # std_conserve_scatter_sum over batch_ids
    n = jax.ops.segment_sum(jnp.ones((N,), dtype=h.dtype), batch_ids, num_segments=B)
    val = jax.ops.segment_sum(h, batch_ids, num_segments=B)
    val = val / jnp.sqrt(jnp.maximum(n, 1.0))[:, None]
    # linear_out: SiLU -> Linear -> SiLU -> Linear
    out = jax.nn.silu(val) @ W1 + b1
    out = jax.nn.silu(out) @ W2 + b2
    return out

if __name__ == "__main__":
    import jax
    _d = setup_inputs()
    print(jax.jit(kernel)(*tuple(_d.values())))

</pallas_src>

<mosaic_0001>
#map = affine_map<(d0, d1) -> (0, 0)>
#map1 = affine_map<(d0, d1) -> (0)>
module attributes {stable_mosaic.version = 14 : i64} {
  func.func @_gather_kernel(%arg0: i32, %arg1: i32, %arg2: memref<10000x128xi32, #tpu.memory_space<hbm>>, %arg3: memref<320000xi32, #tpu.memory_space<hbm>>, %arg4: memref<320000xi32, #tpu.memory_space<hbm>>, %arg5: memref<320000x128xi32, #tpu.memory_space<hbm>>, %arg6: memref<320000x128xi32, #tpu.memory_space<hbm>>, %arg7: memref<128xi32, #tpu.memory_space<vmem>>, %arg8: memref<128x128xi32, #tpu.memory_space<vmem>>, %arg9: memref<!tpu.dma_semaphore, #tpu.memory_space<semaphore_mem>>) attributes {dimension_semantics = [#tpu.dimension_semantics<core_parallel>, #tpu.dimension_semantics<subcore_parallel>], iteration_bounds = array<i64: 2, 16>, scalar_prefetch = 0 : i64, scratch_operands = 3 : i64, tpu.core_type = #tpu.core_type<sc_vector_subcore>, window_params = [{transform_indices = #map}, {transform_indices = #map1}, {transform_indices = #map1}, {transform_indices = #map}, {transform_indices = #map}]} {
    %mul3A = arith.constant 2 : i32
    %mul3A_0 = arith.muli %arg1, %mul3A : i32
    %add3A = arith.addi %mul3A_0, %arg0 : i32
    %scan3A = arith.constant 0 : i32
    %scan3A_1 = arith.constant 0 : i32
    %scan3A_2 = arith.constant 79 : i32
    %scan3A_3 = arith.addi %scan3A_1, %scan3A_2 : i32
    %scan3A_4 = arith.constant 1 : i32
    scf.for %scan3A_6 = %scan3A_1 to %scan3A_3 step %scan3A_4  : i32 {
      %mul3A_7 = arith.constant 32 : i32
      %mul3A_8 = arith.muli %scan3A_6, %mul3A_7 : i32
      %add3A_9 = arith.addi %add3A, %mul3A_8 : i32
      %lt3A = arith.constant 2500 : i32
      %lt3A_10 = arith.cmpi slt, %add3A_9, %lt3A : i32
      %convert_element_type3A = arith.extui %lt3A_10 : i1 to i32
      %cond3A = arith.constant 0 : i32
      %cond3A_11 = arith.cmpi ne, %convert_element_type3A, %cond3A : i32
      scf.if %cond3A_11 {
        %mul3A_12 = arith.constant 128 : i32
        %mul3A_13 = arith.muli %add3A_9, %mul3A_12 : i32
        "tpu.region"() ({
          %run_scoped3A = tpu.sem_alloc : memref<!tpu.dma_semaphore, #tpu.memory_space<semaphore_mem>>
          %dma_start3A_24 = tpu.memref_slice %arg3[%mul3A_13] : memref<320000xi32, #tpu.memory_space<hbm>> -> memref<128xi32, #tpu.memory_space<hbm>>
          %dma_start3A_25 = tpu.memref_slice %arg3[%mul3A_13] : memref<320000xi32, #tpu.memory_space<hbm>> -> memref<128xi32, #tpu.memory_space<hbm>>
          tpu.enqueue_dma source(%dma_start3A_25 : memref<128xi32, #tpu.memory_space<hbm>>) target(%arg7 : memref<128xi32, #tpu.memory_space<vmem>>) target_semaphore(%run_scoped3A : memref<!tpu.dma_semaphore, #tpu.memory_space<semaphore_mem>>)
          %dma_wait3A_26 = tpu.memref_slice %arg3[%mul3A_13] : memref<320000xi32, #tpu.memory_space<hbm>> -> memref<128xi32, #tpu.memory_space<hbm>>
          %dma_wait3A_27 = tpu.memref_slice %arg3[%mul3A_13] : memref<320000xi32, #tpu.memory_space<hbm>> -> memref<128xi32, #tpu.memory_space<hbm>>
          tpu.wait_dma2 semaphore(%run_scoped3A : memref<!tpu.dma_semaphore, #tpu.memory_space<semaphore_mem>>) src(%dma_wait3A_27 : memref<128xi32, #tpu.memory_space<hbm>>) dst(%arg7 : memref<128xi32, #tpu.memory_space<vmem>>)
          tpu.yield
        }) : () -> ()
        %dma_start3A = arith.constant 0 : i32
        %dma_start3A_14 = arith.constant 0 : i32
        %dma_start3A_15 = tpu.memref_slice %arg2[%dma_start3A, %dma_start3A_14] : memref<10000x128xi32, #tpu.memory_space<hbm>> -> memref<10000x128xi32, #tpu.memory_space<hbm>>
        tpu.enqueue_indirect_dma source(%dma_start3A_15 : memref<10000x128xi32, #tpu.memory_space<hbm>>) target(%arg8 : memref<128x128xi32, #tpu.memory_space<vmem>>) offsets(%arg7 : memref<128xi32, #tpu.memory_space<vmem>>) semaphore(%arg9 : memref<!tpu.dma_semaphore, #tpu.memory_space<semaphore_mem>>)
        %dma_wait3A = arith.constant 0 : i32
        %dma_wait3A_16 = arith.constant 0 : i32
        %dma_wait3A_17 = tpu.memref_slice %arg2[%dma_wait3A, %dma_wait3A_16] : memref<10000x128xi32, #tpu.memory_space<hbm>> -> memref<10000x128xi32, #tpu.memory_space<hbm>>
        tpu.wait_indirect_dma semaphore(%arg9 : memref<!tpu.dma_semaphore, #tpu.memory_space<semaphore_mem>>) src(%dma_wait3A_17 : memref<10000x128xi32, #tpu.memory_space<hbm>>) dst(%arg8 : memref<128x128xi32, #tpu.memory_space<vmem>>)
        "tpu.region"() ({
          %run_scoped3A = tpu.sem_alloc : memref<!tpu.dma_semaphore, #tpu.memory_space<semaphore_mem>>
          %dma_start3A_24 = arith.constant 0 : i32
          %dma_start3A_25 = tpu.memref_slice %arg5[%mul3A_13, %dma_start3A_24] : memref<320000x128xi32, #tpu.memory_space<hbm>> -> memref<128x128xi32, #tpu.memory_space<hbm>>
          %dma_start3A_26 = arith.constant 0 : i32
          %dma_start3A_27 = tpu.memref_slice %arg5[%mul3A_13, %dma_start3A_26] : memref<320000x128xi32, #tpu.memory_space<hbm>> -> memref<128x128xi32, #tpu.memory_space<hbm>>
          tpu.enqueue_dma source(%arg8 : memref<128x128xi32, #tpu.memory_space<vmem>>) target(%dma_start3A_27 : memref<128x128xi32, #tpu.memory_space<hbm>>) target_semaphore(%run_scoped3A : memref<!tpu.dma_semaphore, #tpu.memory_space<semaphore_mem>>)
          %dma_wait3A_28 = arith.constant 0 : i32
          %dma_wait3A_29 = tpu.memref_slice %arg5[%mul3A_13, %dma_wait3A_28] : memref<320000x128xi32, #tpu.memory_space<hbm>> -> memref<128x128xi32, #tpu.memory_space<hbm>>
          %dma_wait3A_30 = arith.constant 0 : i32
          %dma_wait3A_31 = tpu.memref_slice %arg5[%mul3A_13, %dma_wait3A_30] : memref<320000x128xi32, #tpu.memory_space<hbm>> -> memref<128x128xi32, #tpu.memory_space<hbm>>
          tpu.wait_dma2 semaphore(%run_scoped3A : memref<!tpu.dma_semaphore, #tpu.memory_space<semaphore_mem>>) src(%arg8 : memref<128x128xi32, #tpu.memory_space<vmem>>) dst(%dma_wait3A_31 : memref<128x128xi32, #tpu.memory_space<hbm>>)
          tpu.yield
        }) : () -> ()
        "tpu.region"() ({
          %run_scoped3A = tpu.sem_alloc : memref<!tpu.dma_semaphore, #tpu.memory_space<semaphore_mem>>
          %dma_start3A_24 = tpu.memref_slice %arg4[%mul3A_13] : memref<320000xi32, #tpu.memory_space<hbm>> -> memref<128xi32, #tpu.memory_space<hbm>>
          %dma_start3A_25 = tpu.memref_slice %arg4[%mul3A_13] : memref<320000xi32, #tpu.memory_space<hbm>> -> memref<128xi32, #tpu.memory_space<hbm>>
          tpu.enqueue_dma source(%dma_start3A_25 : memref<128xi32, #tpu.memory_space<hbm>>) target(%arg7 : memref<128xi32, #tpu.memory_space<vmem>>) target_semaphore(%run_scoped3A : memref<!tpu.dma_semaphore, #tpu.memory_space<semaphore_mem>>)
          %dma_wait3A_26 = tpu.memref_slice %arg4[%mul3A_13] : memref<320000xi32, #tpu.memory_space<hbm>> -> memref<128xi32, #tpu.memory_space<hbm>>
          %dma_wait3A_27 = tpu.memref_slice %arg4[%mul3A_13] : memref<320000xi32, #tpu.memory_space<hbm>> -> memref<128xi32, #tpu.memory_space<hbm>>
          tpu.wait_dma2 semaphore(%run_scoped3A : memref<!tpu.dma_semaphore, #tpu.memory_space<semaphore_mem>>) src(%dma_wait3A_27 : memref<128xi32, #tpu.memory_space<hbm>>) dst(%arg7 : memref<128xi32, #tpu.memory_space<vmem>>)
          tpu.yield
        }) : () -> ()
        %dma_start3A_18 = arith.constant 0 : i32
        %dma_start3A_19 = arith.constant 0 : i32
        %dma_start3A_20 = tpu.memref_slice %arg2[%dma_start3A_18, %dma_start3A_19] : memref<10000x128xi32, #tpu.memory_space<hbm>> -> memref<10000x128xi32, #tpu.memory_space<hbm>>
        tpu.enqueue_indirect_dma source(%dma_start3A_20 : memref<10000x128xi32, #tpu.memory_space<hbm>>) target(%arg8 : memref<128x128xi32, #tpu.memory_space<vmem>>) offsets(%arg7 : memref<128xi32, #tpu.memory_space<vmem>>) semaphore(%arg9 : memref<!tpu.dma_semaphore, #tpu.memory_space<semaphore_mem>>)
        %dma_wait3A_21 = arith.constant 0 : i32
        %dma_wait3A_22 = arith.constant 0 : i32
        %dma_wait3A_23 = tpu.memref_slice %arg2[%dma_wait3A_21, %dma_wait3A_22] : memref<10000x128xi32, #tpu.memory_space<hbm>> -> memref<10000x128xi32, #tpu.memory_space<hbm>>
        tpu.wait_indirect_dma semaphore(%arg9 : memref<!tpu.dma_semaphore, #tpu.memory_space<semaphore_mem>>) src(%dma_wait3A_23 : memref<10000x128xi32, #tpu.memory_space<hbm>>) dst(%arg8 : memref<128x128xi32, #tpu.memory_space<vmem>>)
        "tpu.region"() ({
          %run_scoped3A = tpu.sem_alloc : memref<!tpu.dma_semaphore, #tpu.memory_space<semaphore_mem>>
          %dma_start3A_24 = arith.constant 0 : i32
          %dma_start3A_25 = tpu.memref_slice %arg6[%mul3A_13, %dma_start3A_24] : memref<320000x128xi32, #tpu.memory_space<hbm>> -> memref<128x128xi32, #tpu.memory_space<hbm>>
          %dma_start3A_26 = arith.constant 0 : i32
          %dma_start3A_27 = tpu.memref_slice %arg6[%mul3A_13, %dma_start3A_26] : memref<320000x128xi32, #tpu.memory_space<hbm>> -> memref<128x128xi32, #tpu.memory_space<hbm>>
          tpu.enqueue_dma source(%arg8 : memref<128x128xi32, #tpu.memory_space<vmem>>) target(%dma_start3A_27 : memref<128x128xi32, #tpu.memory_space<hbm>>) target_semaphore(%run_scoped3A : memref<!tpu.dma_semaphore, #tpu.memory_space<semaphore_mem>>)
          %dma_wait3A_28 = arith.constant 0 : i32
          %dma_wait3A_29 = tpu.memref_slice %arg6[%mul3A_13, %dma_wait3A_28] : memref<320000x128xi32, #tpu.memory_space<hbm>> -> memref<128x128xi32, #tpu.memory_space<hbm>>
          %dma_wait3A_30 = arith.constant 0 : i32
          %dma_wait3A_31 = tpu.memref_slice %arg6[%mul3A_13, %dma_wait3A_30] : memref<320000x128xi32, #tpu.memory_space<hbm>> -> memref<128x128xi32, #tpu.memory_space<hbm>>
          tpu.wait_dma2 semaphore(%run_scoped3A : memref<!tpu.dma_semaphore, #tpu.memory_space<semaphore_mem>>) src(%arg8 : memref<128x128xi32, #tpu.memory_space<vmem>>) dst(%dma_wait3A_31 : memref<128x128xi32, #tpu.memory_space<hbm>>)
          tpu.yield
        }) : () -> ()
      } else {
      }
    }
    %scan3A_5 = arith.constant 79 : i32
    return
  }
}

#map = affine_map<(d0, d1) -> (0, 0)>
#map1 = affine_map<(d0, d1) -> (0)>
module attributes {stable_mosaic.version = 14 : i64} {
  func.func @_gather_kernel(%arg0: i32, %arg1: i32, %arg2: memref<10000x128xi32, #tpu.memory_space<hbm>>, %arg3: memref<320000xi32, #tpu.memory_space<hbm>>, %arg4: memref<320000xi32, #tpu.memory_space<hbm>>, %arg5: memref<320000x128xi32, #tpu.memory_space<hbm>>, %arg6: memref<320000x128xi32, #tpu.memory_space<hbm>>, %arg7: memref<128xi32, #tpu.memory_space<vmem>>, %arg8: memref<128x128xi32, #tpu.memory_space<vmem>>, %arg9: memref<!tpu.dma_semaphore, #tpu.memory_space<semaphore_mem>>) attributes {dimension_semantics = [#tpu.dimension_semantics<core_parallel>, #tpu.dimension_semantics<subcore_parallel>], iteration_bounds = array<i64: 2, 16>, scalar_prefetch = 0 : i64, scratch_operands = 3 : i64, tpu.core_type = #tpu.core_type<sc_vector_subcore>, window_params = [{transform_indices = #map}, {transform_indices = #map1}, {transform_indices = #map1}, {transform_indices = #map}, {transform_indices = #map}]} {
    %mul3A = arith.constant 2 : i32
    %mul3A_0 = arith.muli %arg1, %mul3A : i32
    %add3A = arith.addi %mul3A_0, %arg0 : i32
    %scan3A = arith.constant 0 : i32
    %scan3A_1 = arith.constant 0 : i32
    %scan3A_2 = arith.constant 79 : i32
    %scan3A_3 = arith.addi %scan3A_1, %scan3A_2 : i32
    %scan3A_4 = arith.constant 1 : i32
    scf.for %scan3A_6 = %scan3A_1 to %scan3A_3 step %scan3A_4  : i32 {
      %mul3A_7 = arith.constant 32 : i32
      %mul3A_8 = arith.muli %scan3A_6, %mul3A_7 : i32
      %add3A_9 = arith.addi %add3A, %mul3A_8 : i32
      %lt3A = arith.constant 2500 : i32
      %lt3A_10 = arith.cmpi slt, %add3A_9, %lt3A : i32
      %convert_element_type3A = arith.extui %lt3A_10 : i1 to i32
      %cond3A = arith.constant 0 : i32
      %cond3A_11 = arith.cmpi ne, %convert_element_type3A, %cond3A : i32
      scf.if %cond3A_11 {
        %mul3A_12 = arith.constant 128 : i32
        %mul3A_13 = arith.muli %add3A_9, %mul3A_12 : i32
        "tpu.region"() ({
          %run_scoped3A = tpu.sem_alloc : memref<!tpu.dma_semaphore, #tpu.memory_space<semaphore_mem>>
          %dma_start3A_24 = tpu.memref_slice %arg3[%mul3A_13] : memref<320000xi32, #tpu.memory_space<hbm>> -> memref<128xi32, #tpu.memory_space<hbm>>
          %dma_start3A_25 = tpu.memref_slice %arg3[%mul3A_13] : memref<320000xi32, #tpu.memory_space<hbm>> -> memref<128xi32, #tpu.memory_space<hbm>>
          tpu.enqueue_dma source(%dma_start3A_25 : memref<128xi32, #tpu.memory_space<hbm>>) target(%arg7 : memref<128xi32, #tpu.memory_space<vmem>>) target_semaphore(%run_scoped3A : memref<!tpu.dma_semaphore, #tpu.memory_space<semaphore_mem>>)
          %dma_wait3A_26 = tpu.memref_slice %arg3[%mul3A_13] : memref<320000xi32, #tpu.memory_space<hbm>> -> memref<128xi32, #tpu.memory_space<hbm>>
          %dma_wait3A_27 = tpu.memref_slice %arg3[%mul3A_13] : memref<320000xi32, #tpu.memory_space<hbm>> -> memref<128xi32, #tpu.memory_space<hbm>>
          tpu.wait_dma2 semaphore(%run_scoped3A : memref<!tpu.dma_semaphore, #tpu.memory_space<semaphore_mem>>) src(%dma_wait3A_27 : memref<128xi32, #tpu.memory_space<hbm>>) dst(%arg7 : memref<128xi32, #tpu.memory_space<vmem>>)
          tpu.yield
        }) : () -> ()
        %dma_start3A = arith.constant 0 : i32
        %dma_start3A_14 = arith.constant 0 : i32
        %dma_start3A_15 = tpu.memref_slice %arg2[%dma_start3A, %dma_start3A_14] : memref<10000x128xi32, #tpu.memory_space<hbm>> -> memref<10000x128xi32, #tpu.memory_space<hbm>>
        tpu.enqueue_indirect_dma source(%dma_start3A_15 : memref<10000x128xi32, #tpu.memory_space<hbm>>) target(%arg8 : memref<128x128xi32, #tpu.memory_space<vmem>>) offsets(%arg7 : memref<128xi32, #tpu.memory_space<vmem>>) semaphore(%arg9 : memref<!tpu.dma_semaphore, #tpu.memory_space<semaphore_mem>>)
        %dma_wait3A = arith.constant 0 : i32
        %dma_wait3A_16 = arith.constant 0 : i32
        %dma_wait3A_17 = tpu.memref_slice %arg2[%dma_wait3A, %dma_wait3A_16] : memref<10000x128xi32, #tpu.memory_space<hbm>> -> memref<10000x128xi32, #tpu.memory_space<hbm>>
        tpu.wait_indirect_dma semaphore(%arg9 : memref<!tpu.dma_semaphore, #tpu.memory_space<semaphore_mem>>) src(%dma_wait3A_17 : memref<10000x128xi32, #tpu.memory_space<hbm>>) dst(%arg8 : memref<128x128xi32, #tpu.memory_space<vmem>>)
        "tpu.region"() ({
          %run_scoped3A = tpu.sem_alloc : memref<!tpu.dma_semaphore, #tpu.memory_space<semaphore_mem>>
          %dma_start3A_24 = arith.constant 0 : i32
          %dma_start3A_25 = tpu.memref_slice %arg5[%mul3A_13, %dma_start3A_24] : memref<320000x128xi32, #tpu.memory_space<hbm>> -> memref<128x128xi32, #tpu.memory_space<hbm>>
          %dma_start3A_26 = arith.constant 0 : i32
          %dma_start3A_27 = tpu.memref_slice %arg5[%mul3A_13, %dma_start3A_26] : memref<320000x128xi32, #tpu.memory_space<hbm>> -> memref<128x128xi32, #tpu.memory_space<hbm>>
          tpu.enqueue_dma source(%arg8 : memref<128x128xi32, #tpu.memory_space<vmem>>) target(%dma_start3A_27 : memref<128x128xi32, #tpu.memory_space<hbm>>) target_semaphore(%run_scoped3A : memref<!tpu.dma_semaphore, #tpu.memory_space<semaphore_mem>>)
          %dma_wait3A_28 = arith.constant 0 : i32
          %dma_wait3A_29 = tpu.memref_slice %arg5[%mul3A_13, %dma_wait3A_28] : memref<320000x128xi32, #tpu.memory_space<hbm>> -> memref<128x128xi32, #tpu.memory_space<hbm>>
          %dma_wait3A_30 = arith.constant 0 : i32
          %dma_wait3A_31 = tpu.memref_slice %arg5[%mul3A_13, %dma_wait3A_30] : memref<320000x128xi32, #tpu.memory_space<hbm>> -> memref<128x128xi32, #tpu.memory_space<hbm>>
          tpu.wait_dma2 semaphore(%run_scoped3A : memref<!tpu.dma_semaphore, #tpu.memory_space<semaphore_mem>>) src(%arg8 : memref<128x128xi32, #tpu.memory_space<vmem>>) dst(%dma_wait3A_31 : memref<128x128xi32, #tpu.memory_space<hbm>>)
          tpu.yield
        }) : () -> ()
        "tpu.region"() ({
          %run_scoped3A = tpu.sem_alloc : memref<!tpu.dma_semaphore, #tpu.memory_space<semaphore_mem>>
          %dma_start3A_24 = tpu.memref_slice %arg4[%mul3A_13] : memref<320000xi32, #tpu.memory_space<hbm>> -> memref<128xi32, #tpu.memory_space<hbm>>
          %dma_start3A_25 = tpu.memref_slice %arg4[%mul3A_13] : memref<320000xi32, #tpu.memory_space<hbm>> -> memref<128xi32, #tpu.memory_space<hbm>>
          tpu.enqueue_dma source(%dma_start3A_25 : memref<128xi32, #tpu.memory_space<hbm>>) target(%arg7 : memref<128xi32, #tpu.memory_space<vmem>>) target_semaphore(%run_scoped3A : memref<!tpu.dma_semaphore, #tpu.memory_space<semaphore_mem>>)
          %dma_wait3A_26 = tpu.memref_slice %arg4[%mul3A_13] : memref<320000xi32, #tpu.memory_space<hbm>> -> memref<128xi32, #tpu.memory_space<hbm>>
          %dma_wait3A_27 = tpu.memref_slice %arg4[%mul3A_13] : memref<320000xi32, #tpu.memory_space<hbm>> -> memref<128xi32, #tpu.memory_space<hbm>>
          tpu.wait_dma2 semaphore(%run_scoped3A : memref<!tpu.dma_semaphore, #tpu.memory_space<semaphore_mem>>) src(%dma_wait3A_27 : memref<128xi32, #tpu.memory_space<hbm>>) dst(%arg7 : memref<128xi32, #tpu.memory_space<vmem>>)
          tpu.yield
        }) : () -> ()
        %dma_start3A_18 = arith.constant 0 : i32
        %dma_start3A_19 = arith.constant 0 : i32
        %dma_start3A_20 = tpu.memref_slice %arg2[%dma_start3A_18, %dma_start3A_19] : memref<10000x128xi32, #tpu.memory_space<hbm>> -> memref<10000x128xi32, #tpu.memory_space<hbm>>
        tpu.enqueue_indirect_dma source(%dma_start3A_20 : memref<10000x128xi32, #tpu.memory_space<hbm>>) target(%arg8 : memref<128x128xi32, #tpu.memory_space<vmem>>) offsets(%arg7 : memref<128xi32, #tpu.memory_space<vmem>>) semaphore(%arg9 : memref<!tpu.dma_semaphore, #tpu.memory_space<semaphore_mem>>)
        %dma_wait3A_21 = arith.constant 0 : i32
        %dma_wait3A_22 = arith.constant 0 : i32
        %dma_wait3A_23 = tpu.memref_slice %arg2[%dma_wait3A_21, %dma_wait3A_22] : memref<10000x128xi32, #tpu.memory_space<hbm>> -> memref<10000x128xi32, #tpu.memory_space<hbm>>
        tpu.wait_indirect_dma semaphore(%arg9 : memref<!tpu.dma_semaphore, #tpu.memory_space<semaphore_mem>>) src(%dma_wait3A_23 : memref<10000x128xi32, #tpu.memory_space<hbm>>) dst(%arg8 : memref<128x128xi32, #tpu.memory_space<vmem>>)
        "tpu.region"() ({
          %run_scoped3A = tpu.sem_alloc : memref<!tpu.dma_semaphore, #tpu.memory_space<semaphore_mem>>
          %dma_start3A_24 = arith.constant 0 : i32
          %dma_start3A_25 = tpu.memref_slice %arg6[%mul3A_13, %dma_start3A_24] : memref<320000x128xi32, #tpu.memory_space<hbm>> -> memref<128x128xi32, #tpu.memory_space<hbm>>
          %dma_start3A_26 = arith.constant 0 : i32
          %dma_start3A_27 = tpu.memref_slice %arg6[%mul3A_13, %dma_start3A_26] : memref<320000x128xi32, #tpu.memory_space<hbm>> -> memref<128x128xi32, #tpu.memory_space<hbm>>
          tpu.enqueue_dma source(%arg8 : memref<128x128xi32, #tpu.memory_space<vmem>>) target(%dma_start3A_27 : memref<128x128xi32, #tpu.memory_space<hbm>>) target_semaphore(%run_scoped3A : memref<!tpu.dma_semaphore, #tpu.memory_space<semaphore_mem>>)
          %dma_wait3A_28 = arith.constant 0 : i32
          %dma_wait3A_29 = tpu.memref_slice %arg6[%mul3A_13, %dma_wait3A_28] : memref<320000x128xi32, #tpu.memory_space<hbm>> -> memref<128x128xi32, #tpu.memory_space<hbm>>
          %dma_wait3A_30 = arith.constant 0 : i32
          %dma_wait3A_31 = tpu.memref_slice %arg6[%mul3A_13, %dma_wait3A_30] : memref<320000x128xi32, #tpu.memory_space<hbm>> -> memref<128x128xi32, #tpu.memory_space<hbm>>
          tpu.wait_dma2 semaphore(%run_scoped3A : memref<!tpu.dma_semaphore, #tpu.memory_space<semaphore_mem>>) src(%arg8 : memref<128x128xi32, #tpu.memory_space<vmem>>) dst(%dma_wait3A_31 : memref<128x128xi32, #tpu.memory_space<hbm>>)
          tpu.yield
        }) : () -> ()
      } else {
      }
    }
    %scan3A_5 = arith.constant 79 : i32
    return
  }
}

#map = affine_map<(d0, d1) -> (0, 0)>
#map1 = affine_map<(d0, d1) -> (0)>
#map2 = affine_map<(d0, d1) -> (0, 0, 0)>
module attributes {stable_mosaic.version = 14 : i64} {
  func.func @_scatter_kernel(%arg0: i32, %arg1: i32, %arg2: memref<320000x128xf32, #tpu.memory_space<hbm>>, %arg3: memref<320000x128xf32, #tpu.memory_space<hbm>>, %arg4: memref<320000xi32, #tpu.memory_space<hbm>>, %arg5: memref<640x128xf32, #tpu.memory_space<hbm>>, %arg6: memref<2x10240x128xf32, #tpu.memory_space<hbm>>, %arg7: memref<128xi32, #tpu.memory_space<vmem>>, %arg8: memref<128x128xf32, #tpu.memory_space<vmem>>, %arg9: memref<10240x128xf32, #tpu.memory_space<vmem_shared>>, %arg10: memref<!tpu.dma_semaphore, #tpu.memory_space<semaphore_mem>>) attributes {dimension_semantics = [#tpu.dimension_semantics<core_parallel>, #tpu.dimension_semantics<subcore_parallel>], iteration_bounds = array<i64: 2, 16>, scalar_prefetch = 0 : i64, scratch_operands = 4 : i64, tpu.core_type = #tpu.core_type<sc_vector_subcore>, window_params = [{transform_indices = #map}, {transform_indices = #map}, {transform_indices = #map1}, {transform_indices = #map}, {transform_indices = #map2}]} {
    %mul3A = arith.constant 640 : i32
    %mul3A_0 = arith.muli %arg1, %mul3A : i32
    "tpu.region"() ({
      %run_scoped3A = tpu.sem_alloc : memref<!tpu.dma_semaphore, #tpu.memory_space<semaphore_mem>>
      %dma_start3A = arith.constant 0 : i32
      %dma_start3A_13 = tpu.memref_slice %arg9[%mul3A_0, %dma_start3A] : memref<10240x128xf32, #tpu.memory_space<vmem_shared>> -> memref<640x128xf32, #tpu.memory_space<vmem_shared>>
      tpu.enqueue_dma source(%arg5 : memref<640x128xf32, #tpu.memory_space<hbm>>) target(%dma_start3A_13 : memref<640x128xf32, #tpu.memory_space<vmem_shared>>) target_semaphore(%run_scoped3A : memref<!tpu.dma_semaphore, #tpu.memory_space<semaphore_mem>>)
      %dma_wait3A = arith.constant 0 : i32
      %dma_wait3A_14 = tpu.memref_slice %arg9[%mul3A_0, %dma_wait3A] : memref<10240x128xf32, #tpu.memory_space<vmem_shared>> -> memref<640x128xf32, #tpu.memory_space<vmem_shared>>
      tpu.wait_dma2 semaphore(%run_scoped3A : memref<!tpu.dma_semaphore, #tpu.memory_space<semaphore_mem>>) src(%arg5 : memref<640x128xf32, #tpu.memory_space<hbm>>) dst(%dma_wait3A_14 : memref<640x128xf32, #tpu.memory_space<vmem_shared>>)
      tpu.yield
    }) : () -> ()
    %barrier3A = arith.constant 0 : index
    tpu.barrier barrier_id(%barrier3A)
    %eq3A = arith.constant 0 : i32
    %eq3A_1 = arith.cmpi eq, %arg0, %eq3A : i32
    %convert_element_type3A = arith.extui %eq3A_1 : i1 to i32
    %cond3A = arith.constant 0 : i32
    %cond3A_2 = arith.cmpi ne, %convert_element_type3A, %cond3A : i32
    scf.if %cond3A_2 {
      %scan3A = arith.constant 0 : i32
      %scan3A_13 = arith.constant 0 : i32
      %scan3A_14 = arith.constant 157 : i32
      %scan3A_15 = arith.addi %scan3A_13, %scan3A_14 : i32
      %scan3A_16 = arith.constant 1 : i32
      scf.for %scan3A_18 = %scan3A_13 to %scan3A_15 step %scan3A_16  : i32 {
        %mul3A_19 = arith.constant 16 : i32
        %mul3A_20 = arith.muli %scan3A_18, %mul3A_19 : i32
        %add3A = arith.addi %arg1, %mul3A_20 : i32
        %lt3A = arith.constant 2500 : i32
        %lt3A_21 = arith.cmpi slt, %add3A, %lt3A : i32
        %convert_element_type3A_22 = arith.extui %lt3A_21 : i1 to i32
        %cond3A_23 = arith.constant 0 : i32
        %cond3A_24 = arith.cmpi ne, %convert_element_type3A_22, %cond3A_23 : i32
        scf.if %cond3A_24 {
          %mul3A_25 = arith.constant 128 : i32
          %mul3A_26 = arith.muli %add3A, %mul3A_25 : i32
          "tpu.region"() ({
            %run_scoped3A = tpu.sem_alloc : memref<!tpu.dma_semaphore, #tpu.memory_space<semaphore_mem>>
            %dma_start3A = tpu.memref_slice %arg4[%mul3A_26] : memref<320000xi32, #tpu.memory_space<hbm>> -> memref<128xi32, #tpu.memory_space<hbm>>
            %dma_start3A_27 = tpu.memref_slice %arg4[%mul3A_26] : memref<320000xi32, #tpu.memory_space<hbm>> -> memref<128xi32, #tpu.memory_space<hbm>>
            tpu.enqueue_dma source(%dma_start3A_27 : memref<128xi32, #tpu.memory_space<hbm>>) target(%arg7 : memref<128xi32, #tpu.memory_space<vmem>>) target_semaphore(%run_scoped3A : memref<!tpu.dma_semaphore, #tpu.memory_space<semaphore_mem>>)
            %dma_wait3A = tpu.memref_slice %arg4[%mul3A_26] : memref<320000xi32, #tpu.memory_space<hbm>> -> memref<128xi32, #tpu.memory_space<hbm>>
            %dma_wait3A_28 = tpu.memref_slice %arg4[%mul3A_26] : memref<320000xi32, #tpu.memory_space<hbm>> -> memref<128xi32, #tpu.memory_space<hbm>>
            tpu.wait_dma2 semaphore(%run_scoped3A : memref<!tpu.dma_semaphore, #tpu.memory_space<semaphore_mem>>) src(%dma_wait3A_28 : memref<128xi32, #tpu.memory_space<hbm>>) dst(%arg7 : memref<128xi32, #tpu.memory_space<vmem>>)
            tpu.yield
          }) : () -> ()
          "tpu.region"() ({
            %run_scoped3A = tpu.sem_alloc : memref<!tpu.dma_semaphore, #tpu.memory_space<semaphore_mem>>
            %dma_start3A = arith.constant 0 : i32
            %dma_start3A_27 = tpu.memref_slice %arg2[%mul3A_26, %dma_start3A] : memref<320000x128xf32, #tpu.memory_space<hbm>> -> memref<128x128xf32, #tpu.memory_space<hbm>>
            %dma_start3A_28 = arith.constant 0 : i32
            %dma_start3A_29 = tpu.memref_slice %arg2[%mul3A_26, %dma_start3A_28] : memref<320000x128xf32, #tpu.memory_space<hbm>> -> memref<128x128xf32, #tpu.memory_space<hbm>>
            tpu.enqueue_dma source(%dma_start3A_29 : memref<128x128xf32, #tpu.memory_space<hbm>>) target(%arg8 : memref<128x128xf32, #tpu.memory_space<vmem>>) target_semaphore(%run_scoped3A : memref<!tpu.dma_semaphore, #tpu.memory_space<semaphore_mem>>)
            %dma_wait3A = arith.constant 0 : i32
            %dma_wait3A_30 = tpu.memref_slice %arg2[%mul3A_26, %dma_wait3A] : memref<320000x128xf32, #tpu.memory_space<hbm>> -> memref<128x128xf32, #tpu.memory_space<hbm>>
            %dma_wait3A_31 = arith.constant 0 : i32
            %dma_wait3A_32 = tpu.memref_slice %arg2[%mul3A_26, %dma_wait3A_31] : memref<320000x128xf32, #tpu.memory_space<hbm>> -> memref<128x128xf32, #tpu.memory_space<hbm>>
            tpu.wait_dma2 semaphore(%run_scoped3A : memref<!tpu.dma_semaphore, #tpu.memory_space<semaphore_mem>>) src(%dma_wait3A_32 : memref<128x128xf32, #tpu.memory_space<hbm>>) dst(%arg8 : memref<128x128xf32, #tpu.memory_space<vmem>>)
            tpu.yield
          }) : () -> ()
          "tpu.region"() ({
            %run_scoped3A = tpu.sem_alloc : memref<!tpu.dma_semaphore, #tpu.memory_space<semaphore_mem>>
            %dma_start3A = arith.constant 0 : i32
            %dma_start3A_27 = arith.constant 0 : i32
            %dma_start3A_28 = tpu.memref_slice %arg9[%dma_start3A, %dma_start3A_27] : memref<10240x128xf32, #tpu.memory_space<vmem_shared>> -> memref<10240x128xf32, #tpu.memory_space<vmem_shared>>
            tpu.enqueue_indirect_dma source(%arg8 : memref<128x128xf32, #tpu.memory_space<vmem>>) target(%dma_start3A_28 : memref<10240x128xf32, #tpu.memory_space<vmem_shared>>) offsets(%arg7 : memref<128xi32, #tpu.memory_space<vmem>>) semaphore(%run_scoped3A : memref<!tpu.dma_semaphore, #tpu.memory_space<semaphore_mem>>) {add = true}
            %dma_wait3A = arith.constant 0 : i32
            %dma_wait3A_29 = arith.constant 0 : i32
            %dma_wait3A_30 = tpu.memref_slice %arg9[%dma_wait3A, %dma_wait3A_29] : memref<10240x128xf32, #tpu.memory_space<vmem_shared>> -> memref<10240x128xf32, #tpu.memory_space<vmem_shared>>
            tpu.wait_indirect_dma semaphore(%run_scoped3A : memref<!tpu.dma_semaphore, #tpu.memory_space<semaphore_mem>>) src(%arg8 : memref<128x128xf32, #tpu.memory_space<vmem>>) dst(%dma_wait3A_30 : memref<10240x128xf32, #tpu.memory_space<vmem_shared>>)
            tpu.yield
          }) : () -> ()
        } else {
        }
      }
      %scan3A_17 = arith.constant 157 : i32
    } else {
    }
    %eq3A_3 = arith.constant 1 : i32
    %eq3A_4 = arith.cmpi eq, %arg0, %eq3A_3 : i32
    %convert_element_type3A_5 = arith.extui %eq3A_4 : i1 to i32
    %cond3A_6 = arith.constant 0 : i32
    %cond3A_7 = arith.cmpi ne, %convert_element_type3A_5, %cond3A_6 : i32
    scf.if %cond3A_7 {
      %scan3A = arith.constant 0 : i32
      %scan3A_13 = arith.constant 0 : i32
      %scan3A_14 = arith.constant 157 : i32
      %scan3A_15 = arith.addi %scan3A_13, %scan3A_14 : i32
      %scan3A_16 = arith.constant 1 : i32
      scf.for %scan3A_18 = %scan3A_13 to %scan3A_15 step %scan3A_16  : i32 {
        %mul3A_19 = arith.constant 16 : i32
        %mul3A_20 = arith.muli %scan3A_18, %mul3A_19 : i32
        %add3A = arith.addi %arg1, %mul3A_20 : i32
        %lt3A = arith.constant 2500 : i32
        %lt3A_21 = arith.cmpi slt, %add3A, %lt3A : i32
        %convert_element_type3A_22 = arith.extui %lt3A_21 : i1 to i32
        %cond3A_23 = arith.constant 0 : i32
        %cond3A_24 = arith.cmpi ne, %convert_element_type3A_22, %cond3A_23 : i32
        scf.if %cond3A_24 {
          %mul3A_25 = arith.constant 128 : i32
          %mul3A_26 = arith.muli %add3A, %mul3A_25 : i32
          "tpu.region"() ({
            %run_scoped3A = tpu.sem_alloc : memref<!tpu.dma_semaphore, #tpu.memory_space<semaphore_mem>>
            %dma_start3A = tpu.memref_slice %arg4[%mul3A_26] : memref<320000xi32, #tpu.memory_space<hbm>> -> memref<128xi32, #tpu.memory_space<hbm>>
            %dma_start3A_27 = tpu.memref_slice %arg4[%mul3A_26] : memref<320000xi32, #tpu.memory_space<hbm>> -> memref<128xi32, #tpu.memory_space<hbm>>
            tpu.enqueue_dma source(%dma_start3A_27 : memref<128xi32, #tpu.memory_space<hbm>>) target(%arg7 : memref<128xi32, #tpu.memory_space<vmem>>) target_semaphore(%run_scoped3A : memref<!tpu.dma_semaphore, #tpu.memory_space<semaphore_mem>>)
            %dma_wait3A = tpu.memref_slice %arg4[%mul3A_26] : memref<320000xi32, #tpu.memory_space<hbm>> -> memref<128xi32, #tpu.memory_space<hbm>>
            %dma_wait3A_28 = tpu.memref_slice %arg4[%mul3A_26] : memref<320000xi32, #tpu.memory_space<hbm>> -> memref<128xi32, #tpu.memory_space<hbm>>
            tpu.wait_dma2 semaphore(%run_scoped3A : memref<!tpu.dma_semaphore, #tpu.memory_space<semaphore_mem>>) src(%dma_wait3A_28 : memref<128xi32, #tpu.memory_space<hbm>>) dst(%arg7 : memref<128xi32, #tpu.memory_space<vmem>>)
            tpu.yield
          }) : () -> ()
          "tpu.region"() ({
            %run_scoped3A = tpu.sem_alloc : memref<!tpu.dma_semaphore, #tpu.memory_space<semaphore_mem>>
            %dma_start3A = arith.constant 0 : i32
            %dma_start3A_27 = tpu.memref_slice %arg3[%mul3A_26, %dma_start3A] : memref<320000x128xf32, #tpu.memory_space<hbm>> -> memref<128x128xf32, #tpu.memory_space<hbm>>
            %dma_start3A_28 = arith.constant 0 : i32
            %dma_start3A_29 = tpu.memref_slice %arg3[%mul3A_26, %dma_start3A_28] : memref<320000x128xf32, #tpu.memory_space<hbm>> -> memref<128x128xf32, #tpu.memory_space<hbm>>
            tpu.enqueue_dma source(%dma_start3A_29 : memref<128x128xf32, #tpu.memory_space<hbm>>) target(%arg8 : memref<128x128xf32, #tpu.memory_space<vmem>>) target_semaphore(%run_scoped3A : memref<!tpu.dma_semaphore, #tpu.memory_space<semaphore_mem>>)
            %dma_wait3A = arith.constant 0 : i32
            %dma_wait3A_30 = tpu.memref_slice %arg3[%mul3A_26, %dma_wait3A] : memref<320000x128xf32, #tpu.memory_space<hbm>> -> memref<128x128xf32, #tpu.memory_space<hbm>>
            %dma_wait3A_31 = arith.constant 0 : i32
            %dma_wait3A_32 = tpu.memref_slice %arg3[%mul3A_26, %dma_wait3A_31] : memref<320000x128xf32, #tpu.memory_space<hbm>> -> memref<128x128xf32, #tpu.memory_space<hbm>>
            tpu.wait_dma2 semaphore(%run_scoped3A : memref<!tpu.dma_semaphore, #tpu.memory_space<semaphore_mem>>) src(%dma_wait3A_32 : memref<128x128xf32, #tpu.memory_space<hbm>>) dst(%arg8 : memref<128x128xf32, #tpu.memory_space<vmem>>)
            tpu.yield
          }) : () -> ()
          "tpu.region"() ({
            %run_scoped3A = tpu.sem_alloc : memref<!tpu.dma_semaphore, #tpu.memory_space<semaphore_mem>>
            %dma_start3A = arith.constant 0 : i32
            %dma_start3A_27 = arith.constant 0 : i32
            %dma_start3A_28 = tpu.memref_slice %arg9[%dma_start3A, %dma_start3A_27] : memref<10240x128xf32, #tpu.memory_space<vmem_shared>> -> memref<10240x128xf32, #tpu.memory_space<vmem_shared>>
            tpu.enqueue_indirect_dma source(%arg8 : memref<128x128xf32, #tpu.memory_space<vmem>>) target(%dma_start3A_28 : memref<10240x128xf32, #tpu.memory_space<vmem_shared>>) offsets(%arg7 : memref<128xi32, #tpu.memory_space<vmem>>) semaphore(%run_scoped3A : memref<!tpu.dma_semaphore, #tpu.memory_space<semaphore_mem>>) {add = true}
            %dma_wait3A = arith.constant 0 : i32
            %dma_wait3A_29 = arith.constant 0 : i32
            %dma_wait3A_30 = tpu.memref_slice %arg9[%dma_wait3A, %dma_wait3A_29] : memref<10240x128xf32, #tpu.memory_space<vmem_shared>> -> memref<10240x128xf32, #tpu.memory_space<vmem_shared>>
            tpu.wait_indirect_dma semaphore(%run_scoped3A : memref<!tpu.dma_semaphore, #tpu.memory_space<semaphore_mem>>) src(%arg8 : memref<128x128xf32, #tpu.memory_space<vmem>>) dst(%dma_wait3A_30 : memref<10240x128xf32, #tpu.memory_space<vmem_shared>>)
            tpu.yield
          }) : () -> ()
        } else {
        }
      }
      %scan3A_17 = arith.constant 157 : i32
    } else {
    }
    %barrier3A_8 = arith.constant 0 : index
    tpu.barrier barrier_id(%barrier3A_8)
    %mul3A_9 = arith.constant 640 : i32
    %mul3A_10 = arith.muli %arg1, %mul3A_9 : i32
    %mul3A_11 = arith.constant 640 : i32
    %mul3A_12 = arith.muli %arg1, %mul3A_11 : i32
    "tpu.region"() ({
      %run_scoped3A = tpu.sem_alloc : memref<!tpu.dma_semaphore, #tpu.memory_space<semaphore_mem>>
      %dma_start3A = arith.constant 0 : i32
      %dma_start3A_13 = tpu.memref_slice %arg6[%arg0, %mul3A_12, %dma_start3A] : memref<2x10240x128xf32, #tpu.memory_space<hbm>> -> memref<1x640x128xf32, #tpu.memory_space<hbm>>
      %dma_start3A_14 = tpu.memref_squeeze %dma_start3A_13 : memref<1x640x128xf32, #tpu.memory_space<hbm>> -> memref<640x128xf32, #tpu.memory_space<hbm>>
      %dma_start3A_15 = arith.constant 0 : i32
      %dma_start3A_16 = tpu.memref_slice %arg9[%mul3A_10, %dma_start3A_15] : memref<10240x128xf32, #tpu.memory_space<vmem_shared>> -> memref<640x128xf32, #tpu.memory_space<vmem_shared>>
      tpu.enqueue_dma source(%dma_start3A_16 : memref<640x128xf32, #tpu.memory_space<vmem_shared>>) target(%dma_start3A_14 : memref<640x128xf32, #tpu.memory_space<hbm>>) target_semaphore(%run_scoped3A : memref<!tpu.dma_semaphore, #tpu.memory_space<semaphore_mem>>)
      %dma_wait3A = arith.constant 0 : i32
      %dma_wait3A_17 = tpu.memref_slice %arg6[%arg0, %mul3A_12, %dma_wait3A] : memref<2x10240x128xf32, #tpu.memory_space<hbm>> -> memref<1x640x128xf32, #tpu.memory_space<hbm>>
      %dma_wait3A_18 = tpu.memref_squeeze %dma_wait3A_17 : memref<1x640x128xf32, #tpu.memory_space<hbm>> -> memref<640x128xf32, #tpu.memory_space<hbm>>
      %dma_wait3A_19 = arith.constant 0 : i32
      %dma_wait3A_20 = tpu.memref_slice %arg9[%mul3A_10, %dma_wait3A_19] : memref<10240x128xf32, #tpu.memory_space<vmem_shared>> -> memref<640x128xf32, #tpu.memory_space<vmem_shared>>
      tpu.wait_dma2 semaphore(%run_scoped3A : memref<!tpu.dma_semaphore, #tpu.memory_space<semaphore_mem>>) src(%dma_wait3A_20 : memref<640x128xf32, #tpu.memory_space<vmem_shared>>) dst(%dma_wait3A_18 : memref<640x128xf32, #tpu.memory_space<hbm>>)
      tpu.yield
    }) : () -> ()
    return
  }
}

#map = affine_map<(d0, d1) -> (0, 0)>
#map1 = affine_map<(d0, d1) -> (0)>
#map2 = affine_map<(d0, d1) -> (0, 0, 0)>
module attributes {stable_mosaic.version = 14 : i64} {
  func.func @_scatter_kernel(%arg0: i32, %arg1: i32, %arg2: memref<320000x128xf32, #tpu.memory_space<hbm>>, %arg3: memref<320000x128xf32, #tpu.memory_space<hbm>>, %arg4: memref<320000xi32, #tpu.memory_space<hbm>>, %arg5: memref<640x128xf32, #tpu.memory_space<hbm>>, %arg6: memref<2x10240x128xf32, #tpu.memory_space<hbm>>, %arg7: memref<128xi32, #tpu.memory_space<vmem>>, %arg8: memref<128x128xf32, #tpu.memory_space<vmem>>, %arg9: memref<10240x128xf32, #tpu.memory_space<vmem_shared>>, %arg10: memref<!tpu.dma_semaphore, #tpu.memory_space<semaphore_mem>>) attributes {dimension_semantics = [#tpu.dimension_semantics<core_parallel>, #tpu.dimension_semantics<subcore_parallel>], iteration_bounds = array<i64: 2, 16>, scalar_prefetch = 0 : i64, scratch_operands = 4 : i64, tpu.core_type = #tpu.core_type<sc_vector_subcore>, window_params = [{transform_indices = #map}, {transform_indices = #map}, {transform_indices = #map1}, {transform_indices = #map}, {transform_indices = #map2}]} {
    %mul3A = arith.constant 640 : i32
    %mul3A_0 = arith.muli %arg1, %mul3A : i32
    "tpu.region"() ({
      %run_scoped3A = tpu.sem_alloc : memref<!tpu.dma_semaphore, #tpu.memory_space<semaphore_mem>>
      %dma_start3A = arith.constant 0 : i32
      %dma_start3A_13 = tpu.memref_slice %arg9[%mul3A_0, %dma_start3A] : memref<10240x128xf32, #tpu.memory_space<vmem_shared>> -> memref<640x128xf32, #tpu.memory_space<vmem_shared>>
      tpu.enqueue_dma source(%arg5 : memref<640x128xf32, #tpu.memory_space<hbm>>) target(%dma_start3A_13 : memref<640x128xf32, #tpu.memory_space<vmem_shared>>) target_semaphore(%run_scoped3A : memref<!tpu.dma_semaphore, #tpu.memory_space<semaphore_mem>>)
      %dma_wait3A = arith.constant 0 : i32
      %dma_wait3A_14 = tpu.memref_slice %arg9[%mul3A_0, %dma_wait3A] : memref<10240x128xf32, #tpu.memory_space<vmem_shared>> -> memref<640x128xf32, #tpu.memory_space<vmem_shared>>
      tpu.wait_dma2 semaphore(%run_scoped3A : memref<!tpu.dma_semaphore, #tpu.memory_space<semaphore_mem>>) src(%arg5 : memref<640x128xf32, #tpu.memory_space<hbm>>) dst(%dma_wait3A_14 : memref<640x128xf32, #tpu.memory_space<vmem_shared>>)
      tpu.yield
    }) : () -> ()
    %barrier3A = arith.constant 0 : index
    tpu.barrier barrier_id(%barrier3A)
    %eq3A = arith.constant 0 : i32
    %eq3A_1 = arith.cmpi eq, %arg0, %eq3A : i32
    %convert_element_type3A = arith.extui %eq3A_1 : i1 to i32
    %cond3A = arith.constant 0 : i32
    %cond3A_2 = arith.cmpi ne, %convert_element_type3A, %cond3A : i32
    scf.if %cond3A_2 {
      %scan3A = arith.constant 0 : i32
      %scan3A_13 = arith.constant 0 : i32
      %scan3A_14 = arith.constant 157 : i32
      %scan3A_15 = arith.addi %scan3A_13, %scan3A_14 : i32
      %scan3A_16 = arith.constant 1 : i32
      scf.for %scan3A_18 = %scan3A_13 to %scan3A_15 step %scan3A_16  : i32 {
        %mul3A_19 = arith.constant 16 : i32
        %mul3A_20 = arith.muli %scan3A_18, %mul3A_19 : i32
        %add3A = arith.addi %arg1, %mul3A_20 : i32
        %lt3A = arith.constant 2500 : i32
        %lt3A_21 = arith.cmpi slt, %add3A, %lt3A : i32
        %convert_element_type3A_22 = arith.extui %lt3A_21 : i1 to i32
        %cond3A_23 = arith.constant 0 : i32
        %cond3A_24 = arith.cmpi ne, %convert_element_type3A_22, %cond3A_23 : i32
        scf.if %cond3A_24 {
          %mul3A_25 = arith.constant 128 : i32
          %mul3A_26 = arith.muli %add3A, %mul3A_25 : i32
          "tpu.region"() ({
            %run_scoped3A = tpu.sem_alloc : memref<!tpu.dma_semaphore, #tpu.memory_space<semaphore_mem>>
            %dma_start3A = tpu.memref_slice %arg4[%mul3A_26] : memref<320000xi32, #tpu.memory_space<hbm>> -> memref<128xi32, #tpu.memory_space<hbm>>
            %dma_start3A_27 = tpu.memref_slice %arg4[%mul3A_26] : memref<320000xi32, #tpu.memory_space<hbm>> -> memref<128xi32, #tpu.memory_space<hbm>>
            tpu.enqueue_dma source(%dma_start3A_27 : memref<128xi32, #tpu.memory_space<hbm>>) target(%arg7 : memref<128xi32, #tpu.memory_space<vmem>>) target_semaphore(%run_scoped3A : memref<!tpu.dma_semaphore, #tpu.memory_space<semaphore_mem>>)
            %dma_wait3A = tpu.memref_slice %arg4[%mul3A_26] : memref<320000xi32, #tpu.memory_space<hbm>> -> memref<128xi32, #tpu.memory_space<hbm>>
            %dma_wait3A_28 = tpu.memref_slice %arg4[%mul3A_26] : memref<320000xi32, #tpu.memory_space<hbm>> -> memref<128xi32, #tpu.memory_space<hbm>>
            tpu.wait_dma2 semaphore(%run_scoped3A : memref<!tpu.dma_semaphore, #tpu.memory_space<semaphore_mem>>) src(%dma_wait3A_28 : memref<128xi32, #tpu.memory_space<hbm>>) dst(%arg7 : memref<128xi32, #tpu.memory_space<vmem>>)
            tpu.yield
          }) : () -> ()
          "tpu.region"() ({
            %run_scoped3A = tpu.sem_alloc : memref<!tpu.dma_semaphore, #tpu.memory_space<semaphore_mem>>
            %dma_start3A = arith.constant 0 : i32
            %dma_start3A_27 = tpu.memref_slice %arg2[%mul3A_26, %dma_start3A] : memref<320000x128xf32, #tpu.memory_space<hbm>> -> memref<128x128xf32, #tpu.memory_space<hbm>>
            %dma_start3A_28 = arith.constant 0 : i32
            %dma_start3A_29 = tpu.memref_slice %arg2[%mul3A_26, %dma_start3A_28] : memref<320000x128xf32, #tpu.memory_space<hbm>> -> memref<128x128xf32, #tpu.memory_space<hbm>>
            tpu.enqueue_dma source(%dma_start3A_29 : memref<128x128xf32, #tpu.memory_space<hbm>>) target(%arg8 : memref<128x128xf32, #tpu.memory_space<vmem>>) target_semaphore(%run_scoped3A : memref<!tpu.dma_semaphore, #tpu.memory_space<semaphore_mem>>)
            %dma_wait3A = arith.constant 0 : i32
            %dma_wait3A_30 = tpu.memref_slice %arg2[%mul3A_26, %dma_wait3A] : memref<320000x128xf32, #tpu.memory_space<hbm>> -> memref<128x128xf32, #tpu.memory_space<hbm>>
            %dma_wait3A_31 = arith.constant 0 : i32
            %dma_wait3A_32 = tpu.memref_slice %arg2[%mul3A_26, %dma_wait3A_31] : memref<320000x128xf32, #tpu.memory_space<hbm>> -> memref<128x128xf32, #tpu.memory_space<hbm>>
            tpu.wait_dma2 semaphore(%run_scoped3A : memref<!tpu.dma_semaphore, #tpu.memory_space<semaphore_mem>>) src(%dma_wait3A_32 : memref<128x128xf32, #tpu.memory_space<hbm>>) dst(%arg8 : memref<128x128xf32, #tpu.memory_space<vmem>>)
            tpu.yield
          }) : () -> ()
          "tpu.region"() ({
            %run_scoped3A = tpu.sem_alloc : memref<!tpu.dma_semaphore, #tpu.memory_space<semaphore_mem>>
            %dma_start3A = arith.constant 0 : i32
            %dma_start3A_27 = arith.constant 0 : i32
            %dma_start3A_28 = tpu.memref_slice %arg9[%dma_start3A, %dma_start3A_27] : memref<10240x128xf32, #tpu.memory_space<vmem_shared>> -> memref<10240x128xf32, #tpu.memory_space<vmem_shared>>
            tpu.enqueue_indirect_dma source(%arg8 : memref<128x128xf32, #tpu.memory_space<vmem>>) target(%dma_start3A_28 : memref<10240x128xf32, #tpu.memory_space<vmem_shared>>) offsets(%arg7 : memref<128xi32, #tpu.memory_space<vmem>>) semaphore(%run_scoped3A : memref<!tpu.dma_semaphore, #tpu.memory_space<semaphore_mem>>) {add = true}
            %dma_wait3A = arith.constant 0 : i32
            %dma_wait3A_29 = arith.constant 0 : i32
            %dma_wait3A_30 = tpu.memref_slice %arg9[%dma_wait3A, %dma_wait3A_29] : memref<10240x128xf32, #tpu.memory_space<vmem_shared>> -> memref<10240x128xf32, #tpu.memory_space<vmem_shared>>
            tpu.wait_indirect_dma semaphore(%run_scoped3A : memref<!tpu.dma_semaphore, #tpu.memory_space<semaphore_mem>>) src(%arg8 : memref<128x128xf32, #tpu.memory_space<vmem>>) dst(%dma_wait3A_30 : memref<10240x128xf32, #tpu.memory_space<vmem_shared>>)
            tpu.yield
          }) : () -> ()
        } else {
        }
      }
      %scan3A_17 = arith.constant 157 : i32
    } else {
    }
    %eq3A_3 = arith.constant 1 : i32
    %eq3A_4 = arith.cmpi eq, %arg0, %eq3A_3 : i32
    %convert_element_type3A_5 = arith.extui %eq3A_4 : i1 to i32
    %cond3A_6 = arith.constant 0 : i32
    %cond3A_7 = arith.cmpi ne, %convert_element_type3A_5, %cond3A_6 : i32
    scf.if %cond3A_7 {
      %scan3A = arith.constant 0 : i32
      %scan3A_13 = arith.constant 0 : i32
      %scan3A_14 = arith.constant 157 : i32
      %scan3A_15 = arith.addi %scan3A_13, %scan3A_14 : i32
      %scan3A_16 = arith.constant 1 : i32
      scf.for %scan3A_18 = %scan3A_13 to %scan3A_15 step %scan3A_16  : i32 {
        %mul3A_19 = arith.constant 16 : i32
        %mul3A_20 = arith.muli %scan3A_18, %mul3A_19 : i32
        %add3A = arith.addi %arg1, %mul3A_20 : i32
        %lt3A = arith.constant 2500 : i32
        %lt3A_21 = arith.cmpi slt, %add3A, %lt3A : i32
        %convert_element_type3A_22 = arith.extui %lt3A_21 : i1 to i32
        %cond3A_23 = arith.constant 0 : i32
        %cond3A_24 = arith.cmpi ne, %convert_element_type3A_22, %cond3A_23 : i32
        scf.if %cond3A_24 {
          %mul3A_25 = arith.constant 128 : i32
          %mul3A_26 = arith.muli %add3A, %mul3A_25 : i32
          "tpu.region"() ({
            %run_scoped3A = tpu.sem_alloc : memref<!tpu.dma_semaphore, #tpu.memory_space<semaphore_mem>>
            %dma_start3A = tpu.memref_slice %arg4[%mul3A_26] : memref<320000xi32, #tpu.memory_space<hbm>> -> memref<128xi32, #tpu.memory_space<hbm>>
            %dma_start3A_27 = tpu.memref_slice %arg4[%mul3A_26] : memref<320000xi32, #tpu.memory_space<hbm>> -> memref<128xi32, #tpu.memory_space<hbm>>
            tpu.enqueue_dma source(%dma_start3A_27 : memref<128xi32, #tpu.memory_space<hbm>>) target(%arg7 : memref<128xi32, #tpu.memory_space<vmem>>) target_semaphore(%run_scoped3A : memref<!tpu.dma_semaphore, #tpu.memory_space<semaphore_mem>>)
            %dma_wait3A = tpu.memref_slice %arg4[%mul3A_26] : memref<320000xi32, #tpu.memory_space<hbm>> -> memref<128xi32, #tpu.memory_space<hbm>>
            %dma_wait3A_28 = tpu.memref_slice %arg4[%mul3A_26] : memref<320000xi32, #tpu.memory_space<hbm>> -> memref<128xi32, #tpu.memory_space<hbm>>
            tpu.wait_dma2 semaphore(%run_scoped3A : memref<!tpu.dma_semaphore, #tpu.memory_space<semaphore_mem>>) src(%dma_wait3A_28 : memref<128xi32, #tpu.memory_space<hbm>>) dst(%arg7 : memref<128xi32, #tpu.memory_space<vmem>>)
            tpu.yield
          }) : () -> ()
          "tpu.region"() ({
            %run_scoped3A = tpu.sem_alloc : memref<!tpu.dma_semaphore, #tpu.memory_space<semaphore_mem>>
            %dma_start3A = arith.constant 0 : i32
            %dma_start3A_27 = tpu.memref_slice %arg3[%mul3A_26, %dma_start3A] : memref<320000x128xf32, #tpu.memory_space<hbm>> -> memref<128x128xf32, #tpu.memory_space<hbm>>
            %dma_start3A_28 = arith.constant 0 : i32
            %dma_start3A_29 = tpu.memref_slice %arg3[%mul3A_26, %dma_start3A_28] : memref<320000x128xf32, #tpu.memory_space<hbm>> -> memref<128x128xf32, #tpu.memory_space<hbm>>
            tpu.enqueue_dma source(%dma_start3A_29 : memref<128x128xf32, #tpu.memory_space<hbm>>) target(%arg8 : memref<128x128xf32, #tpu.memory_space<vmem>>) target_semaphore(%run_scoped3A : memref<!tpu.dma_semaphore, #tpu.memory_space<semaphore_mem>>)
            %dma_wait3A = arith.constant 0 : i32
            %dma_wait3A_30 = tpu.memref_slice %arg3[%mul3A_26, %dma_wait3A] : memref<320000x128xf32, #tpu.memory_space<hbm>> -> memref<128x128xf32, #tpu.memory_space<hbm>>
            %dma_wait3A_31 = arith.constant 0 : i32
            %dma_wait3A_32 = tpu.memref_slice %arg3[%mul3A_26, %dma_wait3A_31] : memref<320000x128xf32, #tpu.memory_space<hbm>> -> memref<128x128xf32, #tpu.memory_space<hbm>>
            tpu.wait_dma2 semaphore(%run_scoped3A : memref<!tpu.dma_semaphore, #tpu.memory_space<semaphore_mem>>) src(%dma_wait3A_32 : memref<128x128xf32, #tpu.memory_space<hbm>>) dst(%arg8 : memref<128x128xf32, #tpu.memory_space<vmem>>)
            tpu.yield
          }) : () -> ()
          "tpu.region"() ({
            %run_scoped3A = tpu.sem_alloc : memref<!tpu.dma_semaphore, #tpu.memory_space<semaphore_mem>>
            %dma_start3A = arith.constant 0 : i32
            %dma_start3A_27 = arith.constant 0 : i32
            %dma_start3A_28 = tpu.memref_slice %arg9[%dma_start3A, %dma_start3A_27] : memref<10240x128xf32, #tpu.memory_space<vmem_shared>> -> memref<10240x128xf32, #tpu.memory_space<vmem_shared>>
            tpu.enqueue_indirect_dma source(%arg8 : memref<128x128xf32, #tpu.memory_space<vmem>>) target(%dma_start3A_28 : memref<10240x128xf32, #tpu.memory_space<vmem_shared>>) offsets(%arg7 : memref<128xi32, #tpu.memory_space<vmem>>) semaphore(%run_scoped3A : memref<!tpu.dma_semaphore, #tpu.memory_space<semaphore_mem>>) {add = true}
            %dma_wait3A = arith.constant 0 : i32
            %dma_wait3A_29 = arith.constant 0 : i32
            %dma_wait3A_30 = tpu.memref_slice %arg9[%dma_wait3A, %dma_wait3A_29] : memref<10240x128xf32, #tpu.memory_space<vmem_shared>> -> memref<10240x128xf32, #tpu.memory_space<vmem_shared>>
            tpu.wait_indirect_dma semaphore(%run_scoped3A : memref<!tpu.dma_semaphore, #tpu.memory_space<semaphore_mem>>) src(%arg8 : memref<128x128xf32, #tpu.memory_space<vmem>>) dst(%dma_wait3A_30 : memref<10240x128xf32, #tpu.memory_space<vmem_shared>>)
            tpu.yield
          }) : () -> ()
        } else {
        }
      }
      %scan3A_17 = arith.constant 157 : i32
    } else {
    }
    %barrier3A_8 = arith.constant 0 : index
    tpu.barrier barrier_id(%barrier3A_8)
    %mul3A_9 = arith.constant 640 : i32
    %mul3A_10 = arith.muli %arg1, %mul3A_9 : i32
    %mul3A_11 = arith.constant 640 : i32
    %mul3A_12 = arith.muli %arg1, %mul3A_11 : i32
    "tpu.region"() ({
      %run_scoped3A = tpu.sem_alloc : memref<!tpu.dma_semaphore, #tpu.memory_space<semaphore_mem>>
      %dma_start3A = arith.constant 0 : i32
      %dma_start3A_13 = tpu.memref_slice %arg6[%arg0, %mul3A_12, %dma_start3A] : memref<2x10240x128xf32, #tpu.memory_space<hbm>> -> memref<1x640x128xf32, #tpu.memory_space<hbm>>
      %dma_start3A_14 = tpu.memref_squeeze %dma_start3A_13 : memref<1x640x128xf32, #tpu.memory_space<hbm>> -> memref<640x128xf32, #tpu.memory_space<hbm>>
      %dma_start3A_15 = arith.constant 0 : i32
      %dma_start3A_16 = tpu.memref_slice %arg9[%mul3A_10, %dma_start3A_15] : memref<10240x128xf32, #tpu.memory_space<vmem_shared>> -> memref<640x128xf32, #tpu.memory_space<vmem_shared>>
      tpu.enqueue_dma source(%dma_start3A_16 : memref<640x128xf32, #tpu.memory_space<vmem_shared>>) target(%dma_start3A_14 : memref<640x128xf32, #tpu.memory_space<hbm>>) target_semaphore(%run_scoped3A : memref<!tpu.dma_semaphore, #tpu.memory_space<semaphore_mem>>)
      %dma_wait3A = arith.constant 0 : i32
      %dma_wait3A_17 = tpu.memref_slice %arg6[%arg0, %mul3A_12, %dma_wait3A] : memref<2x10240x128xf32, #tpu.memory_space<hbm>> -> memref<1x640x128xf32, #tpu.memory_space<hbm>>
      %dma_wait3A_18 = tpu.memref_squeeze %dma_wait3A_17 : memref<1x640x128xf32, #tpu.memory_space<hbm>> -> memref<640x128xf32, #tpu.memory_space<hbm>>
      %dma_wait3A_19 = arith.constant 0 : i32
      %dma_wait3A_20 = tpu.memref_slice %arg9[%mul3A_10, %dma_wait3A_19] : memref<10240x128xf32, #tpu.memory_space<vmem_shared>> -> memref<640x128xf32, #tpu.memory_space<vmem_shared>>
      tpu.wait_dma2 semaphore(%run_scoped3A : memref<!tpu.dma_semaphore, #tpu.memory_space<semaphore_mem>>) src(%dma_wait3A_20 : memref<640x128xf32, #tpu.memory_space<vmem_shared>>) dst(%dma_wait3A_18 : memref<640x128xf32, #tpu.memory_space<hbm>>)
      tpu.yield
    }) : () -> ()
    return
  }
}

#map = affine_map<(d0, d1) -> (0, 0)>
#map1 = affine_map<(d0, d1) -> (0)>
module attributes {stable_mosaic.version = 14 : i64} {
  func.func @_gather_kernel(%arg0: i32, %arg1: i32, %arg2: memref<10000x128xi32, #tpu.memory_space<hbm>>, %arg3: memref<320000xi32, #tpu.memory_space<hbm>>, %arg4: memref<320000xi32, #tpu.memory_space<hbm>>, %arg5: memref<320000x128xi32, #tpu.memory_space<hbm>>, %arg6: memref<320000x128xi32, #tpu.memory_space<hbm>>, %arg7: memref<128xi32, #tpu.memory_space<vmem>>, %arg8: memref<128x128xi32, #tpu.memory_space<vmem>>, %arg9: memref<!tpu.dma_semaphore, #tpu.memory_space<semaphore_mem>>) attributes {dimension_semantics = [#tpu.dimension_semantics<core_parallel>, #tpu.dimension_semantics<subcore_parallel>], iteration_bounds = array<i64: 2, 16>, scalar_prefetch = 0 : i64, scratch_operands = 3 : i64, tpu.core_type = #tpu.core_type<sc_vector_subcore>, window_params = [{transform_indices = #map}, {transform_indices = #map1}, {transform_indices = #map1}, {transform_indices = #map}, {transform_indices = #map}]} {
    %mul3A = arith.constant 2 : i32
    %mul3A_0 = arith.muli %arg1, %mul3A : i32
    %add3A = arith.addi %mul3A_0, %arg0 : i32
    %scan3A = arith.constant 0 : i32
    %scan3A_1 = arith.constant 0 : i32
    %scan3A_2 = arith.constant 79 : i32
    %scan3A_3 = arith.addi %scan3A_1, %scan3A_2 : i32
    %scan3A_4 = arith.constant 1 : i32
    scf.for %scan3A_6 = %scan3A_1 to %scan3A_3 step %scan3A_4  : i32 {
      %mul3A_7 = arith.constant 32 : i32
      %mul3A_8 = arith.muli %scan3A_6, %mul3A_7 : i32
      %add3A_9 = arith.addi %add3A, %mul3A_8 : i32
      %lt3A = arith.constant 2500 : i32
      %lt3A_10 = arith.cmpi slt, %add3A_9, %lt3A : i32
      %convert_element_type3A = arith.extui %lt3A_10 : i1 to i32
      %cond3A = arith.constant 0 : i32
      %cond3A_11 = arith.cmpi ne, %convert_element_type3A, %cond3A : i32
      scf.if %cond3A_11 {
        %mul3A_12 = arith.constant 128 : i32
        %mul3A_13 = arith.muli %add3A_9, %mul3A_12 : i32
        "tpu.region"() ({
          %run_scoped3A = tpu.sem_alloc : memref<!tpu.dma_semaphore, #tpu.memory_space<semaphore_mem>>
          %dma_start3A_24 = tpu.memref_slice %arg3[%mul3A_13] : memref<320000xi32, #tpu.memory_space<hbm>> -> memref<128xi32, #tpu.memory_space<hbm>>
          %dma_start3A_25 = tpu.memref_slice %arg3[%mul3A_13] : memref<320000xi32, #tpu.memory_space<hbm>> -> memref<128xi32, #tpu.memory_space<hbm>>
          tpu.enqueue_dma source(%dma_start3A_25 : memref<128xi32, #tpu.memory_space<hbm>>) target(%arg7 : memref<128xi32, #tpu.memory_space<vmem>>) target_semaphore(%run_scoped3A : memref<!tpu.dma_semaphore, #tpu.memory_space<semaphore_mem>>)
          %dma_wait3A_26 = tpu.memref_slice %arg3[%mul3A_13] : memref<320000xi32, #tpu.memory_space<hbm>> -> memref<128xi32, #tpu.memory_space<hbm>>
          %dma_wait3A_27 = tpu.memref_slice %arg3[%mul3A_13] : memref<320000xi32, #tpu.memory_space<hbm>> -> memref<128xi32, #tpu.memory_space<hbm>>
          tpu.wait_dma2 semaphore(%run_scoped3A : memref<!tpu.dma_semaphore, #tpu.memory_space<semaphore_mem>>) src(%dma_wait3A_27 : memref<128xi32, #tpu.memory_space<hbm>>) dst(%arg7 : memref<128xi32, #tpu.memory_space<vmem>>)
          tpu.yield
        }) : () -> ()
        %dma_start3A = arith.constant 0 : i32
        %dma_start3A_14 = arith.constant 0 : i32
        %dma_start3A_15 = tpu.memref_slice %arg2[%dma_start3A, %dma_start3A_14] : memref<10000x128xi32, #tpu.memory_space<hbm>> -> memref<10000x128xi32, #tpu.memory_space<hbm>>
        tpu.enqueue_indirect_dma source(%dma_start3A_15 : memref<10000x128xi32, #tpu.memory_space<hbm>>) target(%arg8 : memref<128x128xi32, #tpu.memory_space<vmem>>) offsets(%arg7 : memref<128xi32, #tpu.memory_space<vmem>>) semaphore(%arg9 : memref<!tpu.dma_semaphore, #tpu.memory_space<semaphore_mem>>)
        %dma_wait3A = arith.constant 0 : i32
        %dma_wait3A_16 = arith.constant 0 : i32
        %dma_wait3A_17 = tpu.memref_slice %arg2[%dma_wait3A, %dma_wait3A_16] : memref<10000x128xi32, #tpu.memory_space<hbm>> -> memref<10000x128xi32, #tpu.memory_space<hbm>>
        tpu.wait_indirect_dma semaphore(%arg9 : memref<!tpu.dma_semaphore, #tpu.memory_space<semaphore_mem>>) src(%dma_wait3A_17 : memref<10000x128xi32, #tpu.memory_space<hbm>>) dst(%arg8 : memref<128x128xi32, #tpu.memory_space<vmem>>)
        "tpu.region"() ({
          %run_scoped3A = tpu.sem_alloc : memref<!tpu.dma_semaphore, #tpu.memory_space<semaphore_mem>>
          %dma_start3A_24 = arith.constant 0 : i32
          %dma_start3A_25 = tpu.memref_slice %arg5[%mul3A_13, %dma_start3A_24] : memref<320000x128xi32, #tpu.memory_space<hbm>> -> memref<128x128xi32, #tpu.memory_space<hbm>>
          %dma_start3A_26 = arith.constant 0 : i32
          %dma_start3A_27 = tpu.memref_slice %arg5[%mul3A_13, %dma_start3A_26] : memref<320000x128xi32, #tpu.memory_space<hbm>> -> memref<128x128xi32, #tpu.memory_space<hbm>>
          tpu.enqueue_dma source(%arg8 : memref<128x128xi32, #tpu.memory_space<vmem>>) target(%dma_start3A_27 : memref<128x128xi32, #tpu.memory_space<hbm>>) target_semaphore(%run_scoped3A : memref<!tpu.dma_semaphore, #tpu.memory_space<semaphore_mem>>)
          %dma_wait3A_28 = arith.constant 0 : i32
          %dma_wait3A_29 = tpu.memref_slice %arg5[%mul3A_13, %dma_wait3A_28] : memref<320000x128xi32, #tpu.memory_space<hbm>> -> memref<128x128xi32, #tpu.memory_space<hbm>>
          %dma_wait3A_30 = arith.constant 0 : i32
          %dma_wait3A_31 = tpu.memref_slice %arg5[%mul3A_13, %dma_wait3A_30] : memref<320000x128xi32, #tpu.memory_space<hbm>> -> memref<128x128xi32, #tpu.memory_space<hbm>>
          tpu.wait_dma2 semaphore(%run_scoped3A : memref<!tpu.dma_semaphore, #tpu.memory_space<semaphore_mem>>) src(%arg8 : memref<128x128xi32, #tpu.memory_space<vmem>>) dst(%dma_wait3A_31 : memref<128x128xi32, #tpu.memory_space<hbm>>)
          tpu.yield
        }) : () -> ()
        "tpu.region"() ({
          %run_scoped3A = tpu.sem_alloc : memref<!tpu.dma_semaphore, #tpu.memory_space<semaphore_mem>>
          %dma_start3A_24 = tpu.memref_slice %arg4[%mul3A_13] : memref<320000xi32, #tpu.memory_space<hbm>> -> memref<128xi32, #tpu.memory_space<hbm>>
          %dma_start3A_25 = tpu.memref_slice %arg4[%mul3A_13] : memref<320000xi32, #tpu.memory_space<hbm>> -> memref<128xi32, #tpu.memory_space<hbm>>
          tpu.enqueue_dma source(%dma_start3A_25 : memref<128xi32, #tpu.memory_space<hbm>>) target(%arg7 : memref<128xi32, #tpu.memory_space<vmem>>) target_semaphore(%run_scoped3A : memref<!tpu.dma_semaphore, #tpu.memory_space<semaphore_mem>>)
          %dma_wait3A_26 = tpu.memref_slice %arg4[%mul3A_13] : memref<320000xi32, #tpu.memory_space<hbm>> -> memref<128xi32, #tpu.memory_space<hbm>>
          %dma_wait3A_27 = tpu.memref_slice %arg4[%mul3A_13] : memref<320000xi32, #tpu.memory_space<hbm>> -> memref<128xi32, #tpu.memory_space<hbm>>
          tpu.wait_dma2 semaphore(%run_scoped3A : memref<!tpu.dma_semaphore, #tpu.memory_space<semaphore_mem>>) src(%dma_wait3A_27 : memref<128xi32, #tpu.memory_space<hbm>>) dst(%arg7 : memref<128xi32, #tpu.memory_space<vmem>>)
          tpu.yield
        }) : () -> ()
        %dma_start3A_18 = arith.constant 0 : i32
        %dma_start3A_19 = arith.constant 0 : i32
        %dma_start3A_20 = tpu.memref_slice %arg2[%dma_start3A_18, %dma_start3A_19] : memref<10000x128xi32, #tpu.memory_space<hbm>> -> memref<10000x128xi32, #tpu.memory_space<hbm>>
        tpu.enqueue_indirect_dma source(%dma_start3A_20 : memref<10000x128xi32, #tpu.memory_space<hbm>>) target(%arg8 : memref<128x128xi32, #tpu.memory_space<vmem>>) offsets(%arg7 : memref<128xi32, #tpu.memory_space<vmem>>) semaphore(%arg9 : memref<!tpu.dma_semaphore, #tpu.memory_space<semaphore_mem>>)
        %dma_wait3A_21 = arith.constant 0 : i32
        %dma_wait3A_22 = arith.constant 0 : i32
        %dma_wait3A_23 = tpu.memref_slice %arg2[%dma_wait3A_21, %dma_wait3A_22] : memref<10000x128xi32, #tpu.memory_space<hbm>> -> memref<10000x128xi32, #tpu.memory_space<hbm>>
        tpu.wait_indirect_dma semaphore(%arg9 : memref<!tpu.dma_semaphore, #tpu.memory_space<semaphore_mem>>) src(%dma_wait3A_23 : memref<10000x128xi32, #tpu.memory_space<hbm>>) dst(%arg8 : memref<128x128xi32, #tpu.memory_space<vmem>>)
        "tpu.region"() ({
          %run_scoped3A = tpu.sem_alloc : memref<!tpu.dma_semaphore, #tpu.memory_space<semaphore_mem>>
          %dma_start3A_24 = arith.constant 0 : i32
          %dma_start3A_25 = tpu.memref_slice %arg6[%mul3A_13, %dma_start3A_24] : memref<320000x128xi32, #tpu.memory_space<hbm>> -> memref<128x128xi32, #tpu.memory_space<hbm>>
          %dma_start3A_26 = arith.constant 0 : i32
          %dma_start3A_27 = tpu.memref_slice %arg6[%mul3A_13, %dma_start3A_26] : memref<320000x128xi32, #tpu.memory_space<hbm>> -> memref<128x128xi32, #tpu.memory_space<hbm>>
          tpu.enqueue_dma source(%arg8 : memref<128x128xi32, #tpu.memory_space<vmem>>) target(%dma_start3A_27 : memref<128x128xi32, #tpu.memory_space<hbm>>) target_semaphore(%run_scoped3A : memref<!tpu.dma_semaphore, #tpu.memory_space<semaphore_mem>>)
          %dma_wait3A_28 = arith.constant 0 : i32
          %dma_wait3A_29 = tpu.memref_slice %arg6[%mul3A_13, %dma_wait3A_28] : memref<320000x128xi32, #tpu.memory_space<hbm>> -> memref<128x128xi32, #tpu.memory_space<hbm>>
          %dma_wait3A_30 = arith.constant 0 : i32
          %dma_wait3A_31 = tpu.memref_slice %arg6[%mul3A_13, %dma_wait3A_30] : memref<320000x128xi32, #tpu.memory_space<hbm>> -> memref<128x128xi32, #tpu.memory_space<hbm>>
          tpu.wait_dma2 semaphore(%run_scoped3A : memref<!tpu.dma_semaphore, #tpu.memory_space<semaphore_mem>>) src(%arg8 : memref<128x128xi32, #tpu.memory_space<vmem>>) dst(%dma_wait3A_31 : memref<128x128xi32, #tpu.memory_space<hbm>>)
          tpu.yield
        }) : () -> ()
      } else {
      }
    }
    %scan3A_5 = arith.constant 79 : i32
    return
  }
}

#map = affine_map<(d0, d1) -> (0, 0)>
#map1 = affine_map<(d0, d1) -> (0)>
#map2 = affine_map<(d0, d1) -> (0, 0, 0)>
module attributes {stable_mosaic.version = 14 : i64} {
  func.func @_scatter_kernel(%arg0: i32, %arg1: i32, %arg2: memref<320000x128xf32, #tpu.memory_space<hbm>>, %arg3: memref<320000x128xf32, #tpu.memory_space<hbm>>, %arg4: memref<320000xi32, #tpu.memory_space<hbm>>, %arg5: memref<640x128xf32, #tpu.memory_space<hbm>>, %arg6: memref<2x10240x128xf32, #tpu.memory_space<hbm>>, %arg7: memref<128xi32, #tpu.memory_space<vmem>>, %arg8: memref<128x128xf32, #tpu.memory_space<vmem>>, %arg9: memref<10240x128xf32, #tpu.memory_space<vmem_shared>>, %arg10: memref<!tpu.dma_semaphore, #tpu.memory_space<semaphore_mem>>) attributes {dimension_semantics = [#tpu.dimension_semantics<core_parallel>, #tpu.dimension_semantics<subcore_parallel>], iteration_bounds = array<i64: 2, 16>, scalar_prefetch = 0 : i64, scratch_operands = 4 : i64, tpu.core_type = #tpu.core_type<sc_vector_subcore>, window_params = [{transform_indices = #map}, {transform_indices = #map}, {transform_indices = #map1}, {transform_indices = #map}, {transform_indices = #map2}]} {
    %mul3A = arith.constant 640 : i32
    %mul3A_0 = arith.muli %arg1, %mul3A : i32
    "tpu.region"() ({
      %run_scoped3A = tpu.sem_alloc : memref<!tpu.dma_semaphore, #tpu.memory_space<semaphore_mem>>
      %dma_start3A = arith.constant 0 : i32
      %dma_start3A_13 = tpu.memref_slice %arg9[%mul3A_0, %dma_start3A] : memref<10240x128xf32, #tpu.memory_space<vmem_shared>> -> memref<640x128xf32, #tpu.memory_space<vmem_shared>>
      tpu.enqueue_dma source(%arg5 : memref<640x128xf32, #tpu.memory_space<hbm>>) target(%dma_start3A_13 : memref<640x128xf32, #tpu.memory_space<vmem_shared>>) target_semaphore(%run_scoped3A : memref<!tpu.dma_semaphore, #tpu.memory_space<semaphore_mem>>)
      %dma_wait3A = arith.constant 0 : i32
      %dma_wait3A_14 = tpu.memref_slice %arg9[%mul3A_0, %dma_wait3A] : memref<10240x128xf32, #tpu.memory_space<vmem_shared>> -> memref<640x128xf32, #tpu.memory_space<vmem_shared>>
      tpu.wait_dma2 semaphore(%run_scoped3A : memref<!tpu.dma_semaphore, #tpu.memory_space<semaphore_mem>>) src(%arg5 : memref<640x128xf32, #tpu.memory_space<hbm>>) dst(%dma_wait3A_14 : memref<640x128xf32, #tpu.memory_space<vmem_shared>>)
      tpu.yield
    }) : () -> ()
    %barrier3A = arith.constant 0 : index
    tpu.barrier barrier_id(%barrier3A)
    %eq3A = arith.constant 0 : i32
    %eq3A_1 = arith.cmpi eq, %arg0, %eq3A : i32
    %convert_element_type3A = arith.extui %eq3A_1 : i1 to i32
    %cond3A = arith.constant 0 : i32
    %cond3A_2 = arith.cmpi ne, %convert_element_type3A, %cond3A : i32
    scf.if %cond3A_2 {
      %scan3A = arith.constant 0 : i32
      %scan3A_13 = arith.constant 0 : i32
      %scan3A_14 = arith.constant 157 : i32
      %scan3A_15 = arith.addi %scan3A_13, %scan3A_14 : i32
      %scan3A_16 = arith.constant 1 : i32
      scf.for %scan3A_18 = %scan3A_13 to %scan3A_15 step %scan3A_16  : i32 {
        %mul3A_19 = arith.constant 16 : i32
        %mul3A_20 = arith.muli %scan3A_18, %mul3A_19 : i32
        %add3A = arith.addi %arg1, %mul3A_20 : i32
        %lt3A = arith.constant 2500 : i32
        %lt3A_21 = arith.cmpi slt, %add3A, %lt3A : i32
        %convert_element_type3A_22 = arith.extui %lt3A_21 : i1 to i32
        %cond3A_23 = arith.constant 0 : i32
        %cond3A_24 = arith.cmpi ne, %convert_element_type3A_22, %cond3A_23 : i32
        scf.if %cond3A_24 {
          %mul3A_25 = arith.constant 128 : i32
          %mul3A_26 = arith.muli %add3A, %mul3A_25 : i32
          "tpu.region"() ({
            %run_scoped3A = tpu.sem_alloc : memref<!tpu.dma_semaphore, #tpu.memory_space<semaphore_mem>>
            %dma_start3A = tpu.memref_slice %arg4[%mul3A_26] : memref<320000xi32, #tpu.memory_space<hbm>> -> memref<128xi32, #tpu.memory_space<hbm>>
            %dma_start3A_27 = tpu.memref_slice %arg4[%mul3A_26] : memref<320000xi32, #tpu.memory_space<hbm>> -> memref<128xi32, #tpu.memory_space<hbm>>
            tpu.enqueue_dma source(%dma_start3A_27 : memref<128xi32, #tpu.memory_space<hbm>>) target(%arg7 : memref<128xi32, #tpu.memory_space<vmem>>) target_semaphore(%run_scoped3A : memref<!tpu.dma_semaphore, #tpu.memory_space<semaphore_mem>>)
            %dma_wait3A = tpu.memref_slice %arg4[%mul3A_26] : memref<320000xi32, #tpu.memory_space<hbm>> -> memref<128xi32, #tpu.memory_space<hbm>>
            %dma_wait3A_28 = tpu.memref_slice %arg4[%mul3A_26] : memref<320000xi32, #tpu.memory_space<hbm>> -> memref<128xi32, #tpu.memory_space<hbm>>
            tpu.wait_dma2 semaphore(%run_scoped3A : memref<!tpu.dma_semaphore, #tpu.memory_space<semaphore_mem>>) src(%dma_wait3A_28 : memref<128xi32, #tpu.memory_space<hbm>>) dst(%arg7 : memref<128xi32, #tpu.memory_space<vmem>>)
            tpu.yield
          }) : () -> ()
          "tpu.region"() ({
            %run_scoped3A = tpu.sem_alloc : memref<!tpu.dma_semaphore, #tpu.memory_space<semaphore_mem>>
            %dma_start3A = arith.constant 0 : i32
            %dma_start3A_27 = tpu.memref_slice %arg2[%mul3A_26, %dma_start3A] : memref<320000x128xf32, #tpu.memory_space<hbm>> -> memref<128x128xf32, #tpu.memory_space<hbm>>
            %dma_start3A_28 = arith.constant 0 : i32
            %dma_start3A_29 = tpu.memref_slice %arg2[%mul3A_26, %dma_start3A_28] : memref<320000x128xf32, #tpu.memory_space<hbm>> -> memref<128x128xf32, #tpu.memory_space<hbm>>
            tpu.enqueue_dma source(%dma_start3A_29 : memref<128x128xf32, #tpu.memory_space<hbm>>) target(%arg8 : memref<128x128xf32, #tpu.memory_space<vmem>>) target_semaphore(%run_scoped3A : memref<!tpu.dma_semaphore, #tpu.memory_space<semaphore_mem>>)
            %dma_wait3A = arith.constant 0 : i32
            %dma_wait3A_30 = tpu.memref_slice %arg2[%mul3A_26, %dma_wait3A] : memref<320000x128xf32, #tpu.memory_space<hbm>> -> memref<128x128xf32, #tpu.memory_space<hbm>>
            %dma_wait3A_31 = arith.constant 0 : i32
            %dma_wait3A_32 = tpu.memref_slice %arg2[%mul3A_26, %dma_wait3A_31] : memref<320000x128xf32, #tpu.memory_space<hbm>> -> memref<128x128xf32, #tpu.memory_space<hbm>>
            tpu.wait_dma2 semaphore(%run_scoped3A : memref<!tpu.dma_semaphore, #tpu.memory_space<semaphore_mem>>) src(%dma_wait3A_32 : memref<128x128xf32, #tpu.memory_space<hbm>>) dst(%arg8 : memref<128x128xf32, #tpu.memory_space<vmem>>)
            tpu.yield
          }) : () -> ()
          "tpu.region"() ({
            %run_scoped3A = tpu.sem_alloc : memref<!tpu.dma_semaphore, #tpu.memory_space<semaphore_mem>>
            %dma_start3A = arith.constant 0 : i32
            %dma_start3A_27 = arith.constant 0 : i32
            %dma_start3A_28 = tpu.memref_slice %arg9[%dma_start3A, %dma_start3A_27] : memref<10240x128xf32, #tpu.memory_space<vmem_shared>> -> memref<10240x128xf32, #tpu.memory_space<vmem_shared>>
            tpu.enqueue_indirect_dma source(%arg8 : memref<128x128xf32, #tpu.memory_space<vmem>>) target(%dma_start3A_28 : memref<10240x128xf32, #tpu.memory_space<vmem_shared>>) offsets(%arg7 : memref<128xi32, #tpu.memory_space<vmem>>) semaphore(%run_scoped3A : memref<!tpu.dma_semaphore, #tpu.memory_space<semaphore_mem>>) {add = true}
            %dma_wait3A = arith.constant 0 : i32
            %dma_wait3A_29 = arith.constant 0 : i32
            %dma_wait3A_30 = tpu.memref_slice %arg9[%dma_wait3A, %dma_wait3A_29] : memref<10240x128xf32, #tpu.memory_space<vmem_shared>> -> memref<10240x128xf32, #tpu.memory_space<vmem_shared>>
            tpu.wait_indirect_dma semaphore(%run_scoped3A : memref<!tpu.dma_semaphore, #tpu.memory_space<semaphore_mem>>) src(%arg8 : memref<128x128xf32, #tpu.memory_space<vmem>>) dst(%dma_wait3A_30 : memref<10240x128xf32, #tpu.memory_space<vmem_shared>>)
            tpu.yield
          }) : () -> ()
        } else {
        }
      }
      %scan3A_17 = arith.constant 157 : i32
    } else {
    }
    %eq3A_3 = arith.constant 1 : i32
    %eq3A_4 = arith.cmpi eq, %arg0, %eq3A_3 : i32
    %convert_element_type3A_5 = arith.extui %eq3A_4 : i1 to i32
    %cond3A_6 = arith.constant 0 : i32
    %cond3A_7 = arith.cmpi ne, %convert_element_type3A_5, %cond3A_6 : i32
    scf.if %cond3A_7 {
      %scan3A = arith.constant 0 : i32
      %scan3A_13 = arith.constant 0 : i32
      %scan3A_14 = arith.constant 157 : i32
      %scan3A_15 = arith.addi %scan3A_13, %scan3A_14 : i32
      %scan3A_16 = arith.constant 1 : i32
      scf.for %scan3A_18 = %scan3A_13 to %scan3A_15 step %scan3A_16  : i32 {
        %mul3A_19 = arith.constant 16 : i32
        %mul3A_20 = arith.muli %scan3A_18, %mul3A_19 : i32
        %add3A = arith.addi %arg1, %mul3A_20 : i32
        %lt3A = arith.constant 2500 : i32
        %lt3A_21 = arith.cmpi slt, %add3A, %lt3A : i32
        %convert_element_type3A_22 = arith.extui %lt3A_21 : i1 to i32
        %cond3A_23 = arith.constant 0 : i32
        %cond3A_24 = arith.cmpi ne, %convert_element_type3A_22, %cond3A_23 : i32
        scf.if %cond3A_24 {
          %mul3A_25 = arith.constant 128 : i32
          %mul3A_26 = arith.muli %add3A, %mul3A_25 : i32
          "tpu.region"() ({
            %run_scoped3A = tpu.sem_alloc : memref<!tpu.dma_semaphore, #tpu.memory_space<semaphore_mem>>
            %dma_start3A = tpu.memref_slice %arg4[%mul3A_26] : memref<320000xi32, #tpu.memory_space<hbm>> -> memref<128xi32, #tpu.memory_space<hbm>>
            %dma_start3A_27 = tpu.memref_slice %arg4[%mul3A_26] : memref<320000xi32, #tpu.memory_space<hbm>> -> memref<128xi32, #tpu.memory_space<hbm>>
            tpu.enqueue_dma source(%dma_start3A_27 : memref<128xi32, #tpu.memory_space<hbm>>) target(%arg7 : memref<128xi32, #tpu.memory_space<vmem>>) target_semaphore(%run_scoped3A : memref<!tpu.dma_semaphore, #tpu.memory_space<semaphore_mem>>)
            %dma_wait3A = tpu.memref_slice %arg4[%mul3A_26] : memref<320000xi32, #tpu.memory_space<hbm>> -> memref<128xi32, #tpu.memory_space<hbm>>
            %dma_wait3A_28 = tpu.memref_slice %arg4[%mul3A_26] : memref<320000xi32, #tpu.memory_space<hbm>> -> memref<128xi32, #tpu.memory_space<hbm>>
            tpu.wait_dma2 semaphore(%run_scoped3A : memref<!tpu.dma_semaphore, #tpu.memory_space<semaphore_mem>>) src(%dma_wait3A_28 : memref<128xi32, #tpu.memory_space<hbm>>) dst(%arg7 : memref<128xi32, #tpu.memory_space<vmem>>)
            tpu.yield
          }) : () -> ()
          "tpu.region"() ({
            %run_scoped3A = tpu.sem_alloc : memref<!tpu.dma_semaphore, #tpu.memory_space<semaphore_mem>>
            %dma_start3A = arith.constant 0 : i32
            %dma_start3A_27 = tpu.memref_slice %arg3[%mul3A_26, %dma_start3A] : memref<320000x128xf32, #tpu.memory_space<hbm>> -> memref<128x128xf32, #tpu.memory_space<hbm>>
            %dma_start3A_28 = arith.constant 0 : i32
            %dma_start3A_29 = tpu.memref_slice %arg3[%mul3A_26, %dma_start3A_28] : memref<320000x128xf32, #tpu.memory_space<hbm>> -> memref<128x128xf32, #tpu.memory_space<hbm>>
            tpu.enqueue_dma source(%dma_start3A_29 : memref<128x128xf32, #tpu.memory_space<hbm>>) target(%arg8 : memref<128x128xf32, #tpu.memory_space<vmem>>) target_semaphore(%run_scoped3A : memref<!tpu.dma_semaphore, #tpu.memory_space<semaphore_mem>>)
            %dma_wait3A = arith.constant 0 : i32
            %dma_wait3A_30 = tpu.memref_slice %arg3[%mul3A_26, %dma_wait3A] : memref<320000x128xf32, #tpu.memory_space<hbm>> -> memref<128x128xf32, #tpu.memory_space<hbm>>
            %dma_wait3A_31 = arith.constant 0 : i32
            %dma_wait3A_32 = tpu.memref_slice %arg3[%mul3A_26, %dma_wait3A_31] : memref<320000x128xf32, #tpu.memory_space<hbm>> -> memref<128x128xf32, #tpu.memory_space<hbm>>
            tpu.wait_dma2 semaphore(%run_scoped3A : memref<!tpu.dma_semaphore, #tpu.memory_space<semaphore_mem>>) src(%dma_wait3A_32 : memref<128x128xf32, #tpu.memory_space<hbm>>) dst(%arg8 : memref<128x128xf32, #tpu.memory_space<vmem>>)
            tpu.yield
          }) : () -> ()
          "tpu.region"() ({
            %run_scoped3A = tpu.sem_alloc : memref<!tpu.dma_semaphore, #tpu.memory_space<semaphore_mem>>
            %dma_start3A = arith.constant 0 : i32
            %dma_start3A_27 = arith.constant 0 : i32
            %dma_start3A_28 = tpu.memref_slice %arg9[%dma_start3A, %dma_start3A_27] : memref<10240x128xf32, #tpu.memory_space<vmem_shared>> -> memref<10240x128xf32, #tpu.memory_space<vmem_shared>>
            tpu.enqueue_indirect_dma source(%arg8 : memref<128x128xf32, #tpu.memory_space<vmem>>) target(%dma_start3A_28 : memref<10240x128xf32, #tpu.memory_space<vmem_shared>>) offsets(%arg7 : memref<128xi32, #tpu.memory_space<vmem>>) semaphore(%run_scoped3A : memref<!tpu.dma_semaphore, #tpu.memory_space<semaphore_mem>>) {add = true}
            %dma_wait3A = arith.constant 0 : i32
            %dma_wait3A_29 = arith.constant 0 : i32
            %dma_wait3A_30 = tpu.memref_slice %arg9[%dma_wait3A, %dma_wait3A_29] : memref<10240x128xf32, #tpu.memory_space<vmem_shared>> -> memref<10240x128xf32, #tpu.memory_space<vmem_shared>>
            tpu.wait_indirect_dma semaphore(%run_scoped3A : memref<!tpu.dma_semaphore, #tpu.memory_space<semaphore_mem>>) src(%arg8 : memref<128x128xf32, #tpu.memory_space<vmem>>) dst(%dma_wait3A_30 : memref<10240x128xf32, #tpu.memory_space<vmem_shared>>)
            tpu.yield
          }) : () -> ()
        } else {
        }
      }
      %scan3A_17 = arith.constant 157 : i32
    } else {
    }
    %barrier3A_8 = arith.constant 0 : index
    tpu.barrier barrier_id(%barrier3A_8)
    %mul3A_9 = arith.constant 640 : i32
    %mul3A_10 = arith.muli %arg1, %mul3A_9 : i32
    %mul3A_11 = arith.constant 640 : i32
    %mul3A_12 = arith.muli %arg1, %mul3A_11 : i32
    "tpu.region"() ({
      %run_scoped3A = tpu.sem_alloc : memref<!tpu.dma_semaphore, #tpu.memory_space<semaphore_mem>>
      %dma_start3A = arith.constant 0 : i32
      %dma_start3A_13 = tpu.memref_slice %arg6[%arg0, %mul3A_12, %dma_start3A] : memref<2x10240x128xf32, #tpu.memory_space<hbm>> -> memref<1x640x128xf32, #tpu.memory_space<hbm>>
      %dma_start3A_14 = tpu.memref_squeeze %dma_start3A_13 : memref<1x640x128xf32, #tpu.memory_space<hbm>> -> memref<640x128xf32, #tpu.memory_space<hbm>>
      %dma_start3A_15 = arith.constant 0 : i32
      %dma_start3A_16 = tpu.memref_slice %arg9[%mul3A_10, %dma_start3A_15] : memref<10240x128xf32, #tpu.memory_space<vmem_shared>> -> memref<640x128xf32, #tpu.memory_space<vmem_shared>>
      tpu.enqueue_dma source(%dma_start3A_16 : memref<640x128xf32, #tpu.memory_space<vmem_shared>>) target(%dma_start3A_14 : memref<640x128xf32, #tpu.memory_space<hbm>>) target_semaphore(%run_scoped3A : memref<!tpu.dma_semaphore, #tpu.memory_space<semaphore_mem>>)
      %dma_wait3A = arith.constant 0 : i32
      %dma_wait3A_17 = tpu.memref_slice %arg6[%arg0, %mul3A_12, %dma_wait3A] : memref<2x10240x128xf32, #tpu.memory_space<hbm>> -> memref<1x640x128xf32, #tpu.memory_space<hbm>>
      %dma_wait3A_18 = tpu.memref_squeeze %dma_wait3A_17 : memref<1x640x128xf32, #tpu.memory_space<hbm>> -> memref<640x128xf32, #tpu.memory_space<hbm>>
      %dma_wait3A_19 = arith.constant 0 : i32
      %dma_wait3A_20 = tpu.memref_slice %arg9[%mul3A_10, %dma_wait3A_19] : memref<10240x128xf32, #tpu.memory_space<vmem_shared>> -> memref<640x128xf32, #tpu.memory_space<vmem_shared>>
      tpu.wait_dma2 semaphore(%run_scoped3A : memref<!tpu.dma_semaphore, #tpu.memory_space<semaphore_mem>>) src(%dma_wait3A_20 : memref<640x128xf32, #tpu.memory_space<vmem_shared>>) dst(%dma_wait3A_18 : memref<640x128xf32, #tpu.memory_space<hbm>>)
      tpu.yield
    }) : () -> ()
    return
  }
}

module attributes {stable_mosaic.version = 14 : i64} {
  func.func @_embed_body(%arg0: i32, %arg1: memref<2000x8xf32, #tpu.memory_space<vmem>>, %arg2: memref<2000x1xf32, #tpu.memory_space<vmem>>, %arg3: memref<2000x16xf32, #tpu.memory_space<vmem>>, %arg4: memref<8x128xf32, #tpu.memory_space<vmem>>, %arg5: memref<1x128xf32, #tpu.memory_space<vmem>>, %arg6: memref<1x128xf32, #tpu.memory_space<vmem>>, %arg7: memref<1x128xf32, #tpu.memory_space<vmem>>, %arg8: memref<1x128xf32, #tpu.memory_space<vmem>>, %arg9: memref<2000x128xf32, #tpu.memory_space<vmem>>, %arg10: memref<2000x128xi32, #tpu.memory_space<vmem>>) attributes {dimension_semantics = [#tpu.dimension_semantics<arbitrary>], iteration_bounds = array<i64: 5>, scalar_prefetch = 0 : i64, scratch_operands = 0 : i64, tpu.core_type = #tpu.core_type<tc>, window_params = [{transform_indices = @transform_0, window_bounds = array<i64: 2000, 8>}, {transform_indices = @transform_1, window_bounds = array<i64: 2000, 1>}, {transform_indices = @transform_2, window_bounds = array<i64: 2000, 16>}, {pipeline_mode = #tpu.pipeline_mode<synchronous>, transform_indices = @transform_3, window_bounds = array<i64: 8, 128>}, {pipeline_mode = #tpu.pipeline_mode<synchronous>, transform_indices = @transform_4, window_bounds = array<i64: 1, 128>}, {pipeline_mode = #tpu.pipeline_mode<synchronous>, transform_indices = @transform_5, window_bounds = array<i64: 1, 128>}, {pipeline_mode = #tpu.pipeline_mode<synchronous>, transform_indices = @transform_6, window_bounds = array<i64: 1, 128>}, {pipeline_mode = #tpu.pipeline_mode<synchronous>, transform_indices = @transform_7, window_bounds = array<i64: 1, 128>}, {transform_indices = @transform_8, window_bounds = array<i64: 2000, 128>}, {transform_indices = @transform_9, window_bounds = array<i64: 2000, 128>}]} {
    %get3A = arith.constant 0 : index
    %get3A_0 = arith.constant 0 : index
    %get3A_1 = vector.load %arg2[%get3A, %get3A_0] : memref<2000x1xf32, #tpu.memory_space<vmem>>, vector<2000x1xf32>
    %get3A_2 = arith.constant 0 : index
    %get3A_3 = arith.constant 0 : index
    %get3A_4 = vector.load %arg1[%get3A_2, %get3A_3] : memref<2000x8xf32, #tpu.memory_space<vmem>>, vector<2000x8xf32>
    %get3A_5 = arith.constant 0 : index
    %get3A_6 = arith.constant 0 : index
    %get3A_7 = vector.load %arg4[%get3A_5, %get3A_6] : memref<8x128xf32, #tpu.memory_space<vmem>>, vector<8x128xf32>
    %dot_general3A = arith.constant dense<0.000000e+00> : vector<2000x128xf32>
    %dot_general3A_8 = tpu.matmul %get3A_4, %get3A_7, %dot_general3A {dimension_numbers = #tpu.dot_dimension_numbers<[1], [0], [0], [1], [0, 0, 1, 1], [], []>, transpose_lhs_hint = false} : vector<2000x8xf32>, vector<8x128xf32>, vector<2000x128xf32> -> vector<2000x128xf32>
    %get3A_9 = arith.constant 0 : index
    %get3A_10 = arith.constant 0 : index
    %get3A_11 = vector.load %arg5[%get3A_9, %get3A_10] : memref<1x128xf32, #tpu.memory_space<vmem>>, vector<1x128xf32>
    %mul3A = vector.broadcast %get3A_1 : vector<2000x1xf32> to vector<2000x128xf32>
    %mul3A_12 = vector.broadcast %get3A_11 : vector<1x128xf32> to vector<2000x128xf32>
    %mul3A_13 = arith.mulf %mul3A, %mul3A_12 : vector<2000x128xf32>
    %add3A = arith.addf %dot_general3A_8, %mul3A_13 : vector<2000x128xf32>
    %sin3A = math.sin %get3A_1 : vector<2000x1xf32>
    %get3A_14 = arith.constant 0 : index
    %get3A_15 = arith.constant 0 : index
    %get3A_16 = vector.load %arg6[%get3A_14, %get3A_15] : memref<1x128xf32, #tpu.memory_space<vmem>>, vector<1x128xf32>
    %mul3A_17 = vector.broadcast %sin3A : vector<2000x1xf32> to vector<2000x128xf32>
    %mul3A_18 = vector.broadcast %get3A_16 : vector<1x128xf32> to vector<2000x128xf32>
    %mul3A_19 = arith.mulf %mul3A_17, %mul3A_18 : vector<2000x128xf32>
    %add3A_20 = arith.addf %add3A, %mul3A_19 : vector<2000x128xf32>
    %cos3A = math.cos %get3A_1 : vector<2000x1xf32>
    %get3A_21 = arith.constant 0 : index
    %get3A_22 = arith.constant 0 : index
    %get3A_23 = vector.load %arg7[%get3A_21, %get3A_22] : memref<1x128xf32, #tpu.memory_space<vmem>>, vector<1x128xf32>
    %mul3A_24 = vector.broadcast %cos3A : vector<2000x1xf32> to vector<2000x128xf32>
    %mul3A_25 = vector.broadcast %get3A_23 : vector<1x128xf32> to vector<2000x128xf32>
    %mul3A_26 = arith.mulf %mul3A_24, %mul3A_25 : vector<2000x128xf32>
    %add3A_27 = arith.addf %add3A_20, %mul3A_26 : vector<2000x128xf32>
    %get3A_28 = arith.constant 0 : index
    %get3A_29 = arith.constant 0 : index
    %get3A_30 = vector.load %arg8[%get3A_28, %get3A_29] : memref<1x128xf32, #tpu.memory_space<vmem>>, vector<1x128xf32>
    %add3A_31 = vector.broadcast %get3A_30 : vector<1x128xf32> to vector<2000x128xf32>
    %add3A_32 = arith.addf %add3A_27, %add3A_31 : vector<2000x128xf32>
    %swap3A = arith.constant 0 : index
    %swap3A_33 = arith.constant 0 : index
    %swap3A_34 = vector.load %arg9[%swap3A, %swap3A_33] : memref<2000x128xf32, #tpu.memory_space<vmem>>, vector<2000x128xf32>
    tpu.vector_store %arg9[%swap3A, %swap3A_33], %add3A_32 {strides = array<i32>} : memref<2000x128xf32, #tpu.memory_space<vmem>>, vector<2000x128xf32>,
    %get3A_35 = arith.constant 0 : index
    %get3A_36 = arith.constant 0 : index
    %get3A_37 = vector.load %arg3[%get3A_35, %get3A_36] : memref<2000x16xf32, #tpu.memory_space<vmem>>, vector<2000x16xf32>
    %broadcast_in_dim3A = arith.constant 0.000000e+00 : f32
    %broadcast_in_dim3A_38 = vector.broadcast %broadcast_in_dim3A : f32 to vector<2000x112xf32>
    %concatenate3A = tpu.concatenate %get3A_37, %broadcast_in_dim3A_38 in 1 : vector<2000x16xf32>, vector<2000x112xf32> -> vector<2000x128xf32>
    %convert_element_type3A = arith.truncf %add3A_32 : vector<2000x128xf32> to vector<2000x128xbf16>
    %convert_element_type3A_39 = arith.extf %convert_element_type3A : vector<2000x128xbf16> to vector<2000x128xf32>
    %bitcast_convert_type3A = tpu.bitcast %convert_element_type3A_39 : vector<2000x128xf32> -> vector<2000x128xi32>
    %convert_element_type3A_40 = arith.truncf %concatenate3A : vector<2000x128xf32> to vector<2000x128xbf16>
    %convert_element_type3A_41 = arith.extf %convert_element_type3A_40 : vector<2000x128xbf16> to vector<2000x128xf32>
    %bitcast_convert_type3A_42 = tpu.bitcast %convert_element_type3A_41 : vector<2000x128xf32> -> vector<2000x128xi32>
    %shift_right_logical3A = arith.constant 16 : i32
    %shift_right_logical3A_43 = vector.broadcast %shift_right_logical3A : i32 to vector<2000x128xi32>
    %shift_right_logical3A_44 = arith.shrui %bitcast_convert_type3A_42, %shift_right_logical3A_43 : vector<2000x128xi32>
    %or3A = arith.ori %bitcast_convert_type3A, %shift_right_logical3A_44 : vector<2000x128xi32>
    %swap3A_45 = arith.constant 0 : index
    %swap3A_46 = arith.constant 0 : index
    %swap3A_47 = vector.load %arg10[%swap3A_45, %swap3A_46] : memref<2000x128xi32, #tpu.memory_space<vmem>>, vector<2000x128xi32>
    tpu.vector_store %arg10[%swap3A_45, %swap3A_46], %or3A {strides = array<i32>} : memref<2000x128xi32, #tpu.memory_space<vmem>>, vector<2000x128xi32>,
    return
  }
  func.func @transform_0(%arg0: i32) -> (i32, i32) {
    %c0_i32 = arith.constant 0 : i32
    %c0_i32_0 = arith.constant 0 : i32
    return %arg0, %c0_i32 : i32, i32
  }
  func.func @transform_1(%arg0: i32) -> (i32, i32) {
    %c0_i32 = arith.constant 0 : i32
    %c0_i32_0 = arith.constant 0 : i32
    return %arg0, %c0_i32 : i32, i32
  }
  func.func @transform_2(%arg0: i32) -> (i32, i32) {
    %c0_i32 = arith.constant 0 : i32
    %c0_i32_0 = arith.constant 0 : i32
    return %arg0, %c0_i32 : i32, i32
  }
  func.func @transform_3(%arg0: i32) -> (i32, i32) {
    %c0_i32 = arith.constant 0 : i32
    %c0_i32_0 = arith.constant 0 : i32
    %c0_i32_1 = arith.constant 0 : i32
    return %c0_i32, %c0_i32_0 : i32, i32
  }
  func.func @transform_4(%arg0: i32) -> (i32, i32) {
    %c0_i32 = arith.constant 0 : i32
    %c0_i32_0 = arith.constant 0 : i32
    %c0_i32_1 = arith.constant 0 : i32
    return %c0_i32, %c0_i32_0 : i32, i32
  }
  func.func @transform_5(%arg0: i32) -> (i32, i32) {
    %c0_i32 = arith.constant 0 : i32
    %c0_i32_0 = arith.constant 0 : i32
    %c0_i32_1 = arith.constant 0 : i32
    return %c0_i32, %c0_i32_0 : i32, i32
  }
  func.func @transform_6(%arg0: i32) -> (i32, i32) {
    %c0_i32 = arith.constant 0 : i32
    %c0_i32_0 = arith.constant 0 : i32
    %c0_i32_1 = arith.constant 0 : i32
    return %c0_i32, %c0_i32_0 : i32, i32
  }
  func.func @transform_7(%arg0: i32) -> (i32, i32) {
    %c0_i32 = arith.constant 0 : i32
    %c0_i32_0 = arith.constant 0 : i32
    %c0_i32_1 = arith.constant 0 : i32
    return %c0_i32, %c0_i32_0 : i32, i32
  }
  func.func @transform_8(%arg0: i32) -> (i32, i32) {
    %c0_i32 = arith.constant 0 : i32
    %c0_i32_0 = arith.constant 0 : i32
    return %arg0, %c0_i32 : i32, i32
  }
  func.func @transform_9(%arg0: i32) -> (i32, i32) {
    %c0_i32 = arith.constant 0 : i32
    %c0_i32_0 = arith.constant 0 : i32
    return %arg0, %c0_i32 : i32, i32
  }
}

module attributes {stable_mosaic.version = 14 : i64} {
  func.func @_edge_body(%arg0: i32, %arg1: memref<2000x128xi32, #tpu.memory_space<vmem>>, %arg2: memref<2000x128xi32, #tpu.memory_space<vmem>>, %arg3: memref<128x128xf32, #tpu.memory_space<vmem>>, %arg4: memref<128x128xf32, #tpu.memory_space<vmem>>, %arg5: memref<1x128xf32, #tpu.memory_space<vmem>>, %arg6: memref<1x128xf32, #tpu.memory_space<vmem>>, %arg7: memref<128x128xf32, #tpu.memory_space<vmem>>, %arg8: memref<1x128xf32, #tpu.memory_space<vmem>>, %arg9: memref<1x128xf32, #tpu.memory_space<vmem>>, %arg10: memref<2000x128xf32, #tpu.memory_space<vmem>>, %arg11: memref<2000x128xf32, #tpu.memory_space<vmem>>) attributes {dimension_semantics = [#tpu.dimension_semantics<arbitrary>], iteration_bounds = array<i64: 160>, scalar_prefetch = 0 : i64, scratch_operands = 0 : i64, tpu.core_type = #tpu.core_type<tc>, window_params = [{transform_indices = @transform_0, window_bounds = array<i64: 2000, 128>}, {transform_indices = @transform_1, window_bounds = array<i64: 2000, 128>}, {pipeline_mode = #tpu.pipeline_mode<synchronous>, transform_indices = @transform_2, window_bounds = array<i64: 128, 128>}, {pipeline_mode = #tpu.pipeline_mode<synchronous>, transform_indices = @transform_3, window_bounds = array<i64: 128, 128>}, {pipeline_mode = #tpu.pipeline_mode<synchronous>, transform_indices = @transform_4, window_bounds = array<i64: 1, 128>}, {pipeline_mode = #tpu.pipeline_mode<synchronous>, transform_indices = @transform_5, window_bounds = array<i64: 1, 128>}, {pipeline_mode = #tpu.pipeline_mode<synchronous>, transform_indices = @transform_6, window_bounds = array<i64: 128, 128>}, {pipeline_mode = #tpu.pipeline_mode<synchronous>, transform_indices = @transform_7, window_bounds = array<i64: 1, 128>}, {pipeline_mode = #tpu.pipeline_mode<synchronous>, transform_indices = @transform_8, window_bounds = array<i64: 1, 128>}, {transform_indices = @transform_9, window_bounds = array<i64: 2000, 128>}, {transform_indices = @transform_10, window_bounds = array<i64: 2000, 128>}]} {
    %get3A = arith.constant 0 : index
    %get3A_0 = arith.constant 0 : index
    %get3A_1 = vector.load %arg1[%get3A, %get3A_0] : memref<2000x128xi32, #tpu.memory_space<vmem>>, vector<2000x128xi32>
    %get3A_2 = arith.constant 0 : index
    %get3A_3 = arith.constant 0 : index
    %get3A_4 = vector.load %arg2[%get3A_2, %get3A_3] : memref<2000x128xi32, #tpu.memory_space<vmem>>, vector<2000x128xi32>
    %shift_left3A = arith.constant 16 : i32
    %shift_left3A_5 = vector.broadcast %shift_left3A : i32 to vector<2000x128xi32>
    %shift_left3A_6 = arith.shli %get3A_1, %shift_left3A_5 : vector<2000x128xi32>
    %bitcast_convert_type3A = tpu.bitcast %shift_left3A_6 : vector<2000x128xi32> -> vector<2000x128xf32>
    %shift_left3A_7 = arith.constant 16 : i32
    %shift_left3A_8 = vector.broadcast %shift_left3A_7 : i32 to vector<2000x128xi32>
    %shift_left3A_9 = arith.shli %get3A_4, %shift_left3A_8 : vector<2000x128xi32>
    %bitcast_convert_type3A_10 = tpu.bitcast %shift_left3A_9 : vector<2000x128xi32> -> vector<2000x128xf32>
    %sub3A = arith.subf %bitcast_convert_type3A, %bitcast_convert_type3A_10 : vector<2000x128xf32>
    %mul3A = arith.mulf %sub3A, %sub3A : vector<2000x128xf32>
    %reduce_sum3A = arith.constant dense<0.000000e+00> : vector<2000xf32>
    %reduce_sum3A_11 = vector.multi_reduction <add>, %mul3A, %reduce_sum3A [1] : vector<2000x128xf32> to vector<2000xf32>
    %broadcast_in_dim3A = vector.shape_cast %reduce_sum3A_11 : vector<2000xf32> to vector<2000x1xf32>
    %and3A = arith.constant -65536 : i32
    %and3A_12 = vector.broadcast %and3A : i32 to vector<2000x128xi32>
    %and3A_13 = arith.andi %get3A_1, %and3A_12 : vector<2000x128xi32>
    %bitcast_convert_type3A_14 = tpu.bitcast %and3A_13 : vector<2000x128xi32> -> vector<2000x128xf32>
    %and3A_15 = arith.constant -65536 : i32
    %and3A_16 = vector.broadcast %and3A_15 : i32 to vector<2000x128xi32>
    %and3A_17 = arith.andi %get3A_4, %and3A_16 : vector<2000x128xi32>
    %bitcast_convert_type3A_18 = tpu.bitcast %and3A_17 : vector<2000x128xi32> -> vector<2000x128xf32>
    %get3A_19 = arith.constant 0 : index
    %get3A_20 = arith.constant 0 : index
    %get3A_21 = vector.load %arg3[%get3A_19, %get3A_20] : memref<128x128xf32, #tpu.memory_space<vmem>>, vector<128x128xf32>
    %dot_general3A = arith.constant dense<0.000000e+00> : vector<2000x128xf32>
    %dot_general3A_22 = tpu.matmul %bitcast_convert_type3A_14, %get3A_21, %dot_general3A {dimension_numbers = #tpu.dot_dimension_numbers<[1], [0], [0], [1], [0, 0, 1, 1], [], []>, transpose_lhs_hint = false} : vector<2000x128xf32>, vector<128x128xf32>, vector<2000x128xf32> -> vector<2000x128xf32>
    %get3A_23 = arith.constant 0 : index
    %get3A_24 = arith.constant 0 : index
    %get3A_25 = vector.load %arg4[%get3A_23, %get3A_24] : memref<128x128xf32, #tpu.memory_space<vmem>>, vector<128x128xf32>
    %dot_general3A_26 = arith.constant dense<0.000000e+00> : vector<2000x128xf32>
    %dot_general3A_27 = tpu.matmul %bitcast_convert_type3A_18, %get3A_25, %dot_general3A_26 {dimension_numbers = #tpu.dot_dimension_numbers<[1], [0], [0], [1], [0, 0, 1, 1], [], []>, transpose_lhs_hint = false} : vector<2000x128xf32>, vector<128x128xf32>, vector<2000x128xf32> -> vector<2000x128xf32>
    %add3A = arith.addf %dot_general3A_22, %dot_general3A_27 : vector<2000x128xf32>
    %get3A_28 = arith.constant 0 : index
    %get3A_29 = arith.constant 0 : index
    %get3A_30 = vector.load %arg5[%get3A_28, %get3A_29] : memref<1x128xf32, #tpu.memory_space<vmem>>, vector<1x128xf32>
    %mul3A_31 = vector.broadcast %broadcast_in_dim3A : vector<2000x1xf32> to vector<2000x128xf32>
    %mul3A_32 = vector.broadcast %get3A_30 : vector<1x128xf32> to vector<2000x128xf32>
    %mul3A_33 = arith.mulf %mul3A_31, %mul3A_32 : vector<2000x128xf32>
    %add3A_34 = arith.addf %add3A, %mul3A_33 : vector<2000x128xf32>
    %get3A_35 = arith.constant 0 : index
    %get3A_36 = arith.constant 0 : index
    %get3A_37 = vector.load %arg6[%get3A_35, %get3A_36] : memref<1x128xf32, #tpu.memory_space<vmem>>, vector<1x128xf32>
    %add3A_38 = vector.broadcast %get3A_37 : vector<1x128xf32> to vector<2000x128xf32>
    %add3A_39 = arith.addf %add3A_34, %add3A_38 : vector<2000x128xf32>
    %logistic3A = arith.negf %add3A_39 : vector<2000x128xf32>
    %logistic3A_40 = math.exp %logistic3A : vector<2000x128xf32>
    %logistic3A_41 = arith.constant 1.000000e+00 : f32
    %logistic3A_42 = vector.broadcast %logistic3A_41 : f32 to vector<2000x128xf32>
    %logistic3A_43 = arith.addf %logistic3A_42, %logistic3A_40 : vector<2000x128xf32>
    %logistic3A_44 = arith.divf %logistic3A_42, %logistic3A_43 : vector<2000x128xf32>
    %mul3A_45 = arith.mulf %add3A_39, %logistic3A_44 : vector<2000x128xf32>
    %get3A_46 = arith.constant 0 : index
    %get3A_47 = arith.constant 0 : index
    %get3A_48 = vector.load %arg7[%get3A_46, %get3A_47] : memref<128x128xf32, #tpu.memory_space<vmem>>, vector<128x128xf32>
    %dot_general3A_49 = arith.constant dense<0.000000e+00> : vector<2000x128xf32>
    %dot_general3A_50 = tpu.matmul %mul3A_45, %get3A_48, %dot_general3A_49 {dimension_numbers = #tpu.dot_dimension_numbers<[1], [0], [0], [1], [0, 0, 1, 1], [], []>, transpose_lhs_hint = false} : vector<2000x128xf32>, vector<128x128xf32>, vector<2000x128xf32> -> vector<2000x128xf32>
    %get3A_51 = arith.constant 0 : index
    %get3A_52 = arith.constant 0 : index
    %get3A_53 = vector.load %arg8[%get3A_51, %get3A_52] : memref<1x128xf32, #tpu.memory_space<vmem>>, vector<1x128xf32>
    %add3A_54 = vector.broadcast %get3A_53 : vector<1x128xf32> to vector<2000x128xf32>
    %add3A_55 = arith.addf %dot_general3A_50, %add3A_54 : vector<2000x128xf32>
    %logistic3A_56 = arith.negf %add3A_55 : vector<2000x128xf32>
    %logistic3A_57 = math.exp %logistic3A_56 : vector<2000x128xf32>
    %logistic3A_58 = arith.constant 1.000000e+00 : f32
    %logistic3A_59 = vector.broadcast %logistic3A_58 : f32 to vector<2000x128xf32>
    %logistic3A_60 = arith.addf %logistic3A_59, %logistic3A_57 : vector<2000x128xf32>
    %logistic3A_61 = arith.divf %logistic3A_59, %logistic3A_60 : vector<2000x128xf32>
    %mul3A_62 = arith.mulf %add3A_55, %logistic3A_61 : vector<2000x128xf32>
    %get3A_63 = arith.constant 0 : index
    %get3A_64 = arith.constant 0 : index
    %get3A_65 = vector.load %arg9[%get3A_63, %get3A_64] : memref<1x128xf32, #tpu.memory_space<vmem>>, vector<1x128xf32>
    %mul3A_66 = vector.broadcast %get3A_65 : vector<1x128xf32> to vector<2000x128xf32>
    %mul3A_67 = arith.mulf %mul3A_62, %mul3A_66 : vector<2000x128xf32>
    %reduce_sum3A_68 = arith.constant dense<0.000000e+00> : vector<2000xf32>
    %reduce_sum3A_69 = vector.multi_reduction <add>, %mul3A_67, %reduce_sum3A_68 [1] : vector<2000x128xf32> to vector<2000xf32>
    %broadcast_in_dim3A_70 = vector.shape_cast %reduce_sum3A_69 : vector<2000xf32> to vector<2000x1xf32>
    %iota3A = tpu.iota {dimensions = array<i32: 1>} : vector<2000x128xi32>
    %swap3A = arith.constant 0 : index
    %swap3A_71 = arith.constant 0 : index
    %swap3A_72 = vector.load %arg10[%swap3A, %swap3A_71] : memref<2000x128xf32, #tpu.memory_space<vmem>>, vector<2000x128xf32>
    tpu.vector_store %arg10[%swap3A, %swap3A_71], %mul3A_62 {strides = array<i32>} : memref<2000x128xf32, #tpu.memory_space<vmem>>, vector<2000x128xf32>,
    %mul3A_73 = vector.broadcast %broadcast_in_dim3A_70 : vector<2000x1xf32> to vector<2000x128xf32>
    %mul3A_74 = arith.mulf %sub3A, %mul3A_73 : vector<2000x128xf32>
    %eq3A = arith.constant 3 : i32
    %eq3A_75 = vector.broadcast %eq3A : i32 to vector<2000x128xi32>
    %eq3A_76 = arith.cmpi eq, %iota3A, %eq3A_75 : vector<2000x128xi32>
    %convert_element_type3A = arith.extui %eq3A_76 : vector<2000x128xi1> to vector<2000x128xi32>
    %convert_element_type3A_77 = arith.sitofp %convert_element_type3A : vector<2000x128xi32> to vector<2000x128xf32>
    %add3A_78 = arith.addf %mul3A_74, %convert_element_type3A_77 : vector<2000x128xf32>
    %swap3A_79 = arith.constant 0 : index
    %swap3A_80 = arith.constant 0 : index
    %swap3A_81 = vector.load %arg11[%swap3A_79, %swap3A_80] : memref<2000x128xf32, #tpu.memory_space<vmem>>, vector<2000x128xf32>
    tpu.vector_store %arg11[%swap3A_79, %swap3A_80], %add3A_78 {strides = array<i32>} : memref<2000x128xf32, #tpu.memory_space<vmem>>, vector<2000x128xf32>,
    return
  }
  func.func @transform_0(%arg0: i32) -> (i32, i32) {
    %c0_i32 = arith.constant 0 : i32
    %c0_i32_0 = arith.constant 0 : i32
    return %arg0, %c0_i32 : i32, i32
  }
  func.func @transform_1(%arg0: i32) -> (i32, i32) {
    %c0_i32 = arith.constant 0 : i32
    %c0_i32_0 = arith.constant 0 : i32
    return %arg0, %c0_i32 : i32, i32
  }
  func.func @transform_2(%arg0: i32) -> (i32, i32) {
    %c0_i32 = arith.constant 0 : i32
    %c0_i32_0 = arith.constant 0 : i32
    %c0_i32_1 = arith.constant 0 : i32
    return %c0_i32, %c0_i32_0 : i32, i32
  }
  func.func @transform_3(%arg0: i32) -> (i32, i32) {
    %c0_i32 = arith.constant 0 : i32
    %c0_i32_0 = arith.constant 0 : i32
    %c0_i32_1 = arith.constant 0 : i32
    return %c0_i32, %c0_i32_0 : i32, i32
  }
  func.func @transform_4(%arg0: i32) -> (i32, i32) {
    %c0_i32 = arith.constant 0 : i32
    %c0_i32_0 = arith.constant 0 : i32
    %c0_i32_1 = arith.constant 0 : i32
    return %c0_i32, %c0_i32_0 : i32, i32
  }
  func.func @transform_5(%arg0: i32) -> (i32, i32) {
    %c0_i32 = arith.constant 0 : i32
    %c0_i32_0 = arith.constant 0 : i32
    %c0_i32_1 = arith.constant 0 : i32
    return %c0_i32, %c0_i32_0 : i32, i32
  }
  func.func @transform_6(%arg0: i32) -> (i32, i32) {
    %c0_i32 = arith.constant 0 : i32
    %c0_i32_0 = arith.constant 0 : i32
    %c0_i32_1 = arith.constant 0 : i32
    return %c0_i32, %c0_i32_0 : i32, i32
  }
  func.func @transform_7(%arg0: i32) -> (i32, i32) {
    %c0_i32 = arith.constant 0 : i32
    %c0_i32_0 = arith.constant 0 : i32
    %c0_i32_1 = arith.constant 0 : i32
    return %c0_i32, %c0_i32_0 : i32, i32
  }
  func.func @transform_8(%arg0: i32) -> (i32, i32) {
    %c0_i32 = arith.constant 0 : i32
    %c0_i32_0 = arith.constant 0 : i32
    %c0_i32_1 = arith.constant 0 : i32
    return %c0_i32, %c0_i32_0 : i32, i32
  }
  func.func @transform_9(%arg0: i32) -> (i32, i32) {
    %c0_i32 = arith.constant 0 : i32
    %c0_i32_0 = arith.constant 0 : i32
    return %arg0, %c0_i32 : i32, i32
  }
  func.func @transform_10(%arg0: i32) -> (i32, i32) {
    %c0_i32 = arith.constant 0 : i32
    %c0_i32_0 = arith.constant 0 : i32
    return %arg0, %c0_i32 : i32, i32
  }
}

module attributes {stable_mosaic.version = 14 : i64} {
  func.func @_node_body(%arg0: i32, %arg1: memref<2000x128xf32, #tpu.memory_space<vmem>>, %arg2: memref<2000x128xf32, #tpu.memory_space<vmem>>, %arg3: memref<2x2000x128xf32, #tpu.memory_space<vmem>>, %arg4: memref<128x128xf32, #tpu.memory_space<vmem>>, %arg5: memref<128x128xf32, #tpu.memory_space<vmem>>, %arg6: memref<1x128xf32, #tpu.memory_space<vmem>>, %arg7: memref<2000x128xf32, #tpu.memory_space<vmem>>, %arg8: memref<2000x128xf32, #tpu.memory_space<vmem>>, %arg9: memref<2000x128xi32, #tpu.memory_space<vmem>>) attributes {dimension_semantics = [#tpu.dimension_semantics<arbitrary>], iteration_bounds = array<i64: 5>, scalar_prefetch = 0 : i64, scratch_operands = 0 : i64, tpu.core_type = #tpu.core_type<tc>, window_params = [{transform_indices = @transform_0, window_bounds = array<i64: 2000, 128>}, {transform_indices = @transform_1, window_bounds = array<i64: 2000, 128>}, {transform_indices = @transform_2, window_bounds = array<i64: 2, 2000, 128>}, {pipeline_mode = #tpu.pipeline_mode<synchronous>, transform_indices = @transform_3, window_bounds = array<i64: 128, 128>}, {pipeline_mode = #tpu.pipeline_mode<synchronous>, transform_indices = @transform_4, window_bounds = array<i64: 128, 128>}, {pipeline_mode = #tpu.pipeline_mode<synchronous>, transform_indices = @transform_5, window_bounds = array<i64: 1, 128>}, {transform_indices = @transform_6, window_bounds = array<i64: 2000, 128>}, {transform_indices = @transform_7, window_bounds = array<i64: 2000, 128>}, {transform_indices = @transform_8, window_bounds = array<i64: 2000, 128>}]} {
    %get3A = arith.constant 0 : index
    %get3A_0 = arith.constant 0 : index
    %get3A_1 = vector.load %arg1[%get3A, %get3A_0] : memref<2000x128xf32, #tpu.memory_space<vmem>>, vector<2000x128xf32>
    %get3A_2 = arith.constant 0 : index
    %get3A_3 = arith.constant 0 : index
    %get3A_4 = vector.load %arg2[%get3A_2, %get3A_3] : memref<2000x128xf32, #tpu.memory_space<vmem>>, vector<2000x128xf32>
    %get3A_5 = arith.constant 0 : index
    %get3A_6 = arith.constant 0 : index
    %get3A_7 = arith.constant 0 : index
    %get3A_8 = vector.load %arg3[%get3A_5, %get3A_6, %get3A_7] : memref<2x2000x128xf32, #tpu.memory_space<vmem>>, vector<1x2000x128xf32>
    %get3A_9 = vector.shape_cast %get3A_8 : vector<1x2000x128xf32> to vector<2000x128xf32>
    %get3A_10 = arith.constant 1 : index
    %get3A_11 = arith.constant 0 : index
    %get3A_12 = arith.constant 0 : index
    %get3A_13 = vector.load %arg3[%get3A_10, %get3A_11, %get3A_12] : memref<2x2000x128xf32, #tpu.memory_space<vmem>>, vector<1x2000x128xf32>
    %get3A_14 = vector.shape_cast %get3A_13 : vector<1x2000x128xf32> to vector<2000x128xf32>
    %iota3A = tpu.iota {dimensions = array<i32: 1>} : vector<2000x128xi32>
    %eq3A = arith.constant 3 : i32
    %eq3A_15 = vector.broadcast %eq3A : i32 to vector<2000x128xi32>
    %eq3A_16 = arith.cmpi eq, %iota3A, %eq3A_15 : vector<2000x128xi32>
    %jit3A = arith.constant 0.000000e+00 : f32
    %broadcast_in_dim3A = vector.broadcast %jit3A : f32 to vector<2000x128xf32>
    %select_n3A = arith.select %eq3A_16, %get3A_14, %broadcast_in_dim3A : vector<2000x128xi1>, vector<2000x128xf32>
    %reduce_sum3A = arith.constant dense<0.000000e+00> : vector<2000xf32>
    %reduce_sum3A_17 = vector.multi_reduction <add>, %select_n3A, %reduce_sum3A [1] : vector<2000x128xf32> to vector<2000xf32>
    %broadcast_in_dim3A_18 = vector.shape_cast %reduce_sum3A_17 : vector<2000xf32> to vector<2000x1xf32>
    %add3A = arith.constant 1.000000e+00 : f32
    %add3A_19 = vector.broadcast %add3A : f32 to vector<2000x1xf32>
    %add3A_20 = arith.addf %broadcast_in_dim3A_18, %add3A_19 : vector<2000x1xf32>
    %get3A_21 = arith.constant 0 : index
    %get3A_22 = arith.constant 0 : index
    %get3A_23 = vector.load %arg4[%get3A_21, %get3A_22] : memref<128x128xf32, #tpu.memory_space<vmem>>, vector<128x128xf32>
    %dot_general3A = arith.constant dense<0.000000e+00> : vector<2000x128xf32>
    %dot_general3A_24 = tpu.matmul %get3A_1, %get3A_23, %dot_general3A {dimension_numbers = #tpu.dot_dimension_numbers<[1], [0], [0], [1], [0, 0, 1, 1], [], []>, transpose_lhs_hint = false} : vector<2000x128xf32>, vector<128x128xf32>, vector<2000x128xf32> -> vector<2000x128xf32>
    %get3A_25 = arith.constant 0 : index
    %get3A_26 = arith.constant 0 : index
    %get3A_27 = vector.load %arg5[%get3A_25, %get3A_26] : memref<128x128xf32, #tpu.memory_space<vmem>>, vector<128x128xf32>
    %dot_general3A_28 = arith.constant dense<0.000000e+00> : vector<2000x128xf32>
    %dot_general3A_29 = tpu.matmul %get3A_9, %get3A_27, %dot_general3A_28 {dimension_numbers = #tpu.dot_dimension_numbers<[1], [0], [0], [1], [0, 0, 1, 1], [], []>, transpose_lhs_hint = false} : vector<2000x128xf32>, vector<128x128xf32>, vector<2000x128xf32> -> vector<2000x128xf32>
    %add3A_30 = arith.addf %dot_general3A_24, %dot_general3A_29 : vector<2000x128xf32>
    %get3A_31 = arith.constant 0 : index
    %get3A_32 = arith.constant 0 : index
    %get3A_33 = vector.load %arg6[%get3A_31, %get3A_32] : memref<1x128xf32, #tpu.memory_space<vmem>>, vector<1x128xf32>
    %add3A_34 = vector.broadcast %get3A_33 : vector<1x128xf32> to vector<2000x128xf32>
    %add3A_35 = arith.addf %add3A_30, %add3A_34 : vector<2000x128xf32>
    %logistic3A = arith.negf %add3A_35 : vector<2000x128xf32>
    %logistic3A_36 = math.exp %logistic3A : vector<2000x128xf32>
    %logistic3A_37 = arith.constant 1.000000e+00 : f32
    %logistic3A_38 = vector.broadcast %logistic3A_37 : f32 to vector<2000x128xf32>
    %logistic3A_39 = arith.addf %logistic3A_38, %logistic3A_36 : vector<2000x128xf32>
    %logistic3A_40 = arith.divf %logistic3A_38, %logistic3A_39 : vector<2000x128xf32>
    %mul3A = arith.mulf %add3A_35, %logistic3A_40 : vector<2000x128xf32>
    %add3A_41 = arith.addf %get3A_1, %mul3A : vector<2000x128xf32>
    %lt3A = arith.constant 3 : i32
    %lt3A_42 = vector.broadcast %lt3A : i32 to vector<2000x128xi32>
    %lt3A_43 = arith.cmpi slt, %iota3A, %lt3A_42 : vector<2000x128xi32>
    %jit3A_44 = arith.constant 0.000000e+00 : f32
    %broadcast_in_dim3A_45 = vector.broadcast %jit3A_44 : f32 to vector<2000x128xf32>
    %select_n3A_46 = arith.select %lt3A_43, %get3A_14, %broadcast_in_dim3A_45 : vector<2000x128xi1>, vector<2000x128xf32>
    %div3A = vector.broadcast %add3A_20 : vector<2000x1xf32> to vector<2000x128xf32>
    %div3A_47 = arith.divf %select_n3A_46, %div3A : vector<2000x128xf32>
    %add3A_48 = arith.addf %get3A_4, %div3A_47 : vector<2000x128xf32>
    %swap3A = arith.constant 0 : index
    %swap3A_49 = arith.constant 0 : index
    %swap3A_50 = vector.load %arg7[%swap3A, %swap3A_49] : memref<2000x128xf32, #tpu.memory_space<vmem>>, vector<2000x128xf32>
    tpu.vector_store %arg7[%swap3A, %swap3A_49], %add3A_41 {strides = array<i32>} : memref<2000x128xf32, #tpu.memory_space<vmem>>, vector<2000x128xf32>,
    %swap3A_51 = arith.constant 0 : index
    %swap3A_52 = arith.constant 0 : index
    %swap3A_53 = vector.load %arg8[%swap3A_51, %swap3A_52] : memref<2000x128xf32, #tpu.memory_space<vmem>>, vector<2000x128xf32>
    tpu.vector_store %arg8[%swap3A_51, %swap3A_52], %add3A_48 {strides = array<i32>} : memref<2000x128xf32, #tpu.memory_space<vmem>>, vector<2000x128xf32>,
    %convert_element_type3A = arith.truncf %add3A_41 : vector<2000x128xf32> to vector<2000x128xbf16>
    %convert_element_type3A_54 = arith.extf %convert_element_type3A : vector<2000x128xbf16> to vector<2000x128xf32>
    %bitcast_convert_type3A = tpu.bitcast %convert_element_type3A_54 : vector<2000x128xf32> -> vector<2000x128xi32>
    %convert_element_type3A_55 = arith.truncf %add3A_48 : vector<2000x128xf32> to vector<2000x128xbf16>
    %convert_element_type3A_56 = arith.extf %convert_element_type3A_55 : vector<2000x128xbf16> to vector<2000x128xf32>
    %bitcast_convert_type3A_57 = tpu.bitcast %convert_element_type3A_56 : vector<2000x128xf32> -> vector<2000x128xi32>
    %shift_right_logical3A = arith.constant 16 : i32
    %shift_right_logical3A_58 = vector.broadcast %shift_right_logical3A : i32 to vector<2000x128xi32>
    %shift_right_logical3A_59 = arith.shrui %bitcast_convert_type3A_57, %shift_right_logical3A_58 : vector<2000x128xi32>
    %or3A = arith.ori %bitcast_convert_type3A, %shift_right_logical3A_59 : vector<2000x128xi32>
    %swap3A_60 = arith.constant 0 : index
    %swap3A_61 = arith.constant 0 : index
    %swap3A_62 = vector.load %arg9[%swap3A_60, %swap3A_61] : memref<2000x128xi32, #tpu.memory_space<vmem>>, vector<2000x128xi32>
    tpu.vector_store %arg9[%swap3A_60, %swap3A_61], %or3A {strides = array<i32>} : memref<2000x128xi32, #tpu.memory_space<vmem>>, vector<2000x128xi32>,
    return
  }
  func.func @transform_0(%arg0: i32) -> (i32, i32) {
    %c0_i32 = arith.constant 0 : i32
    %c0_i32_0 = arith.constant 0 : i32
    return %arg0, %c0_i32 : i32, i32
  }
  func.func @transform_1(%arg0: i32) -> (i32, i32) {
    %c0_i32 = arith.constant 0 : i32
    %c0_i32_0 = arith.constant 0 : i32
    return %arg0, %c0_i32 : i32, i32
  }
  func.func @transform_2(%arg0: i32) -> (i32, i32, i32) {
    %c0_i32 = arith.constant 0 : i32
    %c0_i32_0 = arith.constant 0 : i32
    %c0_i32_1 = arith.constant 0 : i32
    return %c0_i32, %arg0, %c0_i32_0 : i32, i32, i32
  }
  func.func @transform_3(%arg0: i32) -> (i32, i32) {
    %c0_i32 = arith.constant 0 : i32
    %c0_i32_0 = arith.constant 0 : i32
    %c0_i32_1 = arith.constant 0 : i32
    return %c0_i32, %c0_i32_0 : i32, i32
  }
  func.func @transform_4(%arg0: i32) -> (i32, i32) {
    %c0_i32 = arith.constant 0 : i32
    %c0_i32_0 = arith.constant 0 : i32
    %c0_i32_1 = arith.constant 0 : i32
    return %c0_i32, %c0_i32_0 : i32, i32
  }
  func.func @transform_5(%arg0: i32) -> (i32, i32) {
    %c0_i32 = arith.constant 0 : i32
    %c0_i32_0 = arith.constant 0 : i32
    %c0_i32_1 = arith.constant 0 : i32
    return %c0_i32, %c0_i32_0 : i32, i32
  }
  func.func @transform_6(%arg0: i32) -> (i32, i32) {
    %c0_i32 = arith.constant 0 : i32
    %c0_i32_0 = arith.constant 0 : i32
    return %arg0, %c0_i32 : i32, i32
  }
  func.func @transform_7(%arg0: i32) -> (i32, i32) {
    %c0_i32 = arith.constant 0 : i32
    %c0_i32_0 = arith.constant 0 : i32
    return %arg0, %c0_i32 : i32, i32
  }
  func.func @transform_8(%arg0: i32) -> (i32, i32) {
    %c0_i32 = arith.constant 0 : i32
    %c0_i32_0 = arith.constant 0 : i32
    return %arg0, %c0_i32 : i32, i32
  }
}

module attributes {stable_mosaic.version = 14 : i64} {
  func.func @_node_body(%arg0: i32, %arg1: memref<2000x128xf32, #tpu.memory_space<vmem>>, %arg2: memref<2000x128xf32, #tpu.memory_space<vmem>>, %arg3: memref<2x2000x128xf32, #tpu.memory_space<vmem>>, %arg4: memref<128x128xf32, #tpu.memory_space<vmem>>, %arg5: memref<128x128xf32, #tpu.memory_space<vmem>>, %arg6: memref<1x128xf32, #tpu.memory_space<vmem>>, %arg7: memref<2000x128xf32, #tpu.memory_space<vmem>>, %arg8: memref<2000x128xf32, #tpu.memory_space<vmem>>, %arg9: memref<2000x128xi32, #tpu.memory_space<vmem>>) attributes {dimension_semantics = [#tpu.dimension_semantics<arbitrary>], iteration_bounds = array<i64: 5>, scalar_prefetch = 0 : i64, scratch_operands = 0 : i64, tpu.core_type = #tpu.core_type<tc>, window_params = [{transform_indices = @transform_0, window_bounds = array<i64: 2000, 128>}, {transform_indices = @transform_1, window_bounds = array<i64: 2000, 128>}, {transform_indices = @transform_2, window_bounds = array<i64: 2, 2000, 128>}, {pipeline_mode = #tpu.pipeline_mode<synchronous>, transform_indices = @transform_3, window_bounds = array<i64: 128, 128>}, {pipeline_mode = #tpu.pipeline_mode<synchronous>, transform_indices = @transform_4, window_bounds = array<i64: 128, 128>}, {pipeline_mode = #tpu.pipeline_mode<synchronous>, transform_indices = @transform_5, window_bounds = array<i64: 1, 128>}, {transform_indices = @transform_6, window_bounds = array<i64: 2000, 128>}, {transform_indices = @transform_7, window_bounds = array<i64: 2000, 128>}, {transform_indices = @transform_8, window_bounds = array<i64: 2000, 128>}]} {
    %get3A = arith.constant 0 : index
    %get3A_0 = arith.constant 0 : index
    %get3A_1 = vector.load %arg1[%get3A, %get3A_0] : memref<2000x128xf32, #tpu.memory_space<vmem>>, vector<2000x128xf32>
    %get3A_2 = arith.constant 0 : index
    %get3A_3 = arith.constant 0 : index
    %get3A_4 = vector.load %arg2[%get3A_2, %get3A_3] : memref<2000x128xf32, #tpu.memory_space<vmem>>, vector<2000x128xf32>
    %get3A_5 = arith.constant 0 : index
    %get3A_6 = arith.constant 0 : index
    %get3A_7 = arith.constant 0 : index
    %get3A_8 = vector.load %arg3[%get3A_5, %get3A_6, %get3A_7] : memref<2x2000x128xf32, #tpu.memory_space<vmem>>, vector<1x2000x128xf32>
    %get3A_9 = vector.shape_cast %get3A_8 : vector<1x2000x128xf32> to vector<2000x128xf32>
    %get3A_10 = arith.constant 1 : index
    %get3A_11 = arith.constant 0 : index
    %get3A_12 = arith.constant 0 : index
    %get3A_13 = vector.load %arg3[%get3A_10, %get3A_11, %get3A_12] : memref<2x2000x128xf32, #tpu.memory_space<vmem>>, vector<1x2000x128xf32>
    %get3A_14 = vector.shape_cast %get3A_13 : vector<1x2000x128xf32> to vector<2000x128xf32>
    %iota3A = tpu.iota {dimensions = array<i32: 1>} : vector<2000x128xi32>
    %eq3A = arith.constant 3 : i32
    %eq3A_15 = vector.broadcast %eq3A : i32 to vector<2000x128xi32>
    %eq3A_16 = arith.cmpi eq, %iota3A, %eq3A_15 : vector<2000x128xi32>
    %jit3A = arith.constant 0.000000e+00 : f32
    %broadcast_in_dim3A = vector.broadcast %jit3A : f32 to vector<2000x128xf32>
    %select_n3A = arith.select %eq3A_16, %get3A_14, %broadcast_in_dim3A : vector<2000x128xi1>, vector<2000x128xf32>
    %reduce_sum3A = arith.constant dense<0.000000e+00> : vector<2000xf32>
    %reduce_sum3A_17 = vector.multi_reduction <add>, %select_n3A, %reduce_sum3A [1] : vector<2000x128xf32> to vector<2000xf32>
    %broadcast_in_dim3A_18 = vector.shape_cast %reduce_sum3A_17 : vector<2000xf32> to vector<2000x1xf32>
    %add3A = arith.constant 1.000000e+00 : f32
    %add3A_19 = vector.broadcast %add3A : f32 to vector<2000x1xf32>
    %add3A_20 = arith.addf %broadcast_in_dim3A_18, %add3A_19 : vector<2000x1xf32>
    %get3A_21 = arith.constant 0 : index
    %get3A_22 = arith.constant 0 : index
    %get3A_23 = vector.load %arg4[%get3A_21, %get3A_22] : memref<128x128xf32, #tpu.memory_space<vmem>>, vector<128x128xf32>
    %dot_general3A = arith.constant dense<0.000000e+00> : vector<2000x128xf32>
    %dot_general3A_24 = tpu.matmul %get3A_1, %get3A_23, %dot_general3A {dimension_numbers = #tpu.dot_dimension_numbers<[1], [0], [0], [1], [0, 0, 1, 1], [], []>, transpose_lhs_hint = false} : vector<2000x128xf32>, vector<128x128xf32>, vector<2000x128xf32> -> vector<2000x128xf32>
    %get3A_25 = arith.constant 0 : index
    %get3A_26 = arith.constant 0 : index
    %get3A_27 = vector.load %arg5[%get3A_25, %get3A_26] : memref<128x128xf32, #tpu.memory_space<vmem>>, vector<128x128xf32>
    %dot_general3A_28 = arith.constant dense<0.000000e+00> : vector<2000x128xf32>
    %dot_general3A_29 = tpu.matmul %get3A_9, %get3A_27, %dot_general3A_28 {dimension_numbers = #tpu.dot_dimension_numbers<[1], [0], [0], [1], [0, 0, 1, 1], [], []>, transpose_lhs_hint = false} : vector<2000x128xf32>, vector<128x128xf32>, vector<2000x128xf32> -> vector<2000x128xf32>
    %add3A_30 = arith.addf %dot_general3A_24, %dot_general3A_29 : vector<2000x128xf32>
    %get3A_31 = arith.constant 0 : index
    %get3A_32 = arith.constant 0 : index
    %get3A_33 = vector.load %arg6[%get3A_31, %get3A_32] : memref<1x128xf32, #tpu.memory_space<vmem>>, vector<1x128xf32>
    %add3A_34 = vector.broadcast %get3A_33 : vector<1x128xf32> to vector<2000x128xf32>
    %add3A_35 = arith.addf %add3A_30, %add3A_34 : vector<2000x128xf32>
    %logistic3A = arith.negf %add3A_35 : vector<2000x128xf32>
    %logistic3A_36 = math.exp %logistic3A : vector<2000x128xf32>
    %logistic3A_37 = arith.constant 1.000000e+00 : f32
    %logistic3A_38 = vector.broadcast %logistic3A_37 : f32 to vector<2000x128xf32>
    %logistic3A_39 = arith.addf %logistic3A_38, %logistic3A_36 : vector<2000x128xf32>
    %logistic3A_40 = arith.divf %logistic3A_38, %logistic3A_39 : vector<2000x128xf32>
    %mul3A = arith.mulf %add3A_35, %logistic3A_40 : vector<2000x128xf32>
    %add3A_41 = arith.addf %get3A_1, %mul3A : vector<2000x128xf32>
    %lt3A = arith.constant 3 : i32
    %lt3A_42 = vector.broadcast %lt3A : i32 to vector<2000x128xi32>
    %lt3A_43 = arith.cmpi slt, %iota3A, %lt3A_42 : vector<2000x128xi32>
    %jit3A_44 = arith.constant 0.000000e+00 : f32
    %broadcast_in_dim3A_45 = vector.broadcast %jit3A_44 : f32 to vector<2000x128xf32>
    %select_n3A_46 = arith.select %lt3A_43, %get3A_14, %broadcast_in_dim3A_45 : vector<2000x128xi1>, vector<2000x128xf32>
    %div3A = vector.broadcast %add3A_20 : vector<2000x1xf32> to vector<2000x128xf32>
    %div3A_47 = arith.divf %select_n3A_46, %div3A : vector<2000x128xf32>
    %add3A_48 = arith.addf %get3A_4, %div3A_47 : vector<2000x128xf32>
    %swap3A = arith.constant 0 : index
    %swap3A_49 = arith.constant 0 : index
    %swap3A_50 = vector.load %arg7[%swap3A, %swap3A_49] : memref<2000x128xf32, #tpu.memory_space<vmem>>, vector<2000x128xf32>
    tpu.vector_store %arg7[%swap3A, %swap3A_49], %add3A_41 {strides = array<i32>} : memref<2000x128xf32, #tpu.memory_space<vmem>>, vector<2000x128xf32>,
    %swap3A_51 = arith.constant 0 : index
    %swap3A_52 = arith.constant 0 : index
    %swap3A_53 = vector.load %arg8[%swap3A_51, %swap3A_52] : memref<2000x128xf32, #tpu.memory_space<vmem>>, vector<2000x128xf32>
    tpu.vector_store %arg8[%swap3A_51, %swap3A_52], %add3A_48 {strides = array<i32>} : memref<2000x128xf32, #tpu.memory_space<vmem>>, vector<2000x128xf32>,
    %convert_element_type3A = arith.truncf %add3A_41 : vector<2000x128xf32> to vector<2000x128xbf16>
    %convert_element_type3A_54 = arith.extf %convert_element_type3A : vector<2000x128xbf16> to vector<2000x128xf32>
    %bitcast_convert_type3A = tpu.bitcast %convert_element_type3A_54 : vector<2000x128xf32> -> vector<2000x128xi32>
    %convert_element_type3A_55 = arith.truncf %add3A_48 : vector<2000x128xf32> to vector<2000x128xbf16>
    %convert_element_type3A_56 = arith.extf %convert_element_type3A_55 : vector<2000x128xbf16> to vector<2000x128xf32>
    %bitcast_convert_type3A_57 = tpu.bitcast %convert_element_type3A_56 : vector<2000x128xf32> -> vector<2000x128xi32>
    %shift_right_logical3A = arith.constant 16 : i32
    %shift_right_logical3A_58 = vector.broadcast %shift_right_logical3A : i32 to vector<2000x128xi32>
    %shift_right_logical3A_59 = arith.shrui %bitcast_convert_type3A_57, %shift_right_logical3A_58 : vector<2000x128xi32>
    %or3A = arith.ori %bitcast_convert_type3A, %shift_right_logical3A_59 : vector<2000x128xi32>
    %swap3A_60 = arith.constant 0 : index
    %swap3A_61 = arith.constant 0 : index
    %swap3A_62 = vector.load %arg9[%swap3A_60, %swap3A_61] : memref<2000x128xi32, #tpu.memory_space<vmem>>, vector<2000x128xi32>
    tpu.vector_store %arg9[%swap3A_60, %swap3A_61], %or3A {strides = array<i32>} : memref<2000x128xi32, #tpu.memory_space<vmem>>, vector<2000x128xi32>,
    return
  }
  func.func @transform_0(%arg0: i32) -> (i32, i32) {
    %c0_i32 = arith.constant 0 : i32
    %c0_i32_0 = arith.constant 0 : i32
    return %arg0, %c0_i32 : i32, i32
  }
  func.func @transform_1(%arg0: i32) -> (i32, i32) {
    %c0_i32 = arith.constant 0 : i32
    %c0_i32_0 = arith.constant 0 : i32
    return %arg0, %c0_i32 : i32, i32
  }
  func.func @transform_2(%arg0: i32) -> (i32, i32, i32) {
    %c0_i32 = arith.constant 0 : i32
    %c0_i32_0 = arith.constant 0 : i32
    %c0_i32_1 = arith.constant 0 : i32
    return %c0_i32, %arg0, %c0_i32_0 : i32, i32, i32
  }
  func.func @transform_3(%arg0: i32) -> (i32, i32) {
    %c0_i32 = arith.constant 0 : i32
    %c0_i32_0 = arith.constant 0 : i32
    %c0_i32_1 = arith.constant 0 : i32
    return %c0_i32, %c0_i32_0 : i32, i32
  }
  func.func @transform_4(%arg0: i32) -> (i32, i32) {
    %c0_i32 = arith.constant 0 : i32
    %c0_i32_0 = arith.constant 0 : i32
    %c0_i32_1 = arith.constant 0 : i32
    return %c0_i32, %c0_i32_0 : i32, i32
  }
  func.func @transform_5(%arg0: i32) -> (i32, i32) {
    %c0_i32 = arith.constant 0 : i32
    %c0_i32_0 = arith.constant 0 : i32
    %c0_i32_1 = arith.constant 0 : i32
    return %c0_i32, %c0_i32_0 : i32, i32
  }
  func.func @transform_6(%arg0: i32) -> (i32, i32) {
    %c0_i32 = arith.constant 0 : i32
    %c0_i32_0 = arith.constant 0 : i32
    return %arg0, %c0_i32 : i32, i32
  }
  func.func @transform_7(%arg0: i32) -> (i32, i32) {
    %c0_i32 = arith.constant 0 : i32
    %c0_i32_0 = arith.constant 0 : i32
    return %arg0, %c0_i32 : i32, i32
  }
  func.func @transform_8(%arg0: i32) -> (i32, i32) {
    %c0_i32 = arith.constant 0 : i32
    %c0_i32_0 = arith.constant 0 : i32
    return %arg0, %c0_i32 : i32, i32
  }
}

module attributes {stable_mosaic.version = 14 : i64} {
  func.func @_pool_body(%arg0: memref<10000x128xf32, #tpu.memory_space<vmem>>, %arg1: memref<1x10000xi32, #tpu.memory_space<vmem>>, %arg2: memref<128x128xf32, #tpu.memory_space<vmem>>, %arg3: memref<1x128xf32, #tpu.memory_space<vmem>>, %arg4: memref<128x128xf32, #tpu.memory_space<vmem>>, %arg5: memref<1x128xf32, #tpu.memory_space<vmem>>, %arg6: memref<64x128xf32, #tpu.memory_space<vmem>>) attributes {dimension_semantics = [], scalar_prefetch = 0 : i64, scratch_operands = 0 : i64, tpu.core_type = #tpu.core_type<tc>} {
    %get3A = arith.constant 0 : index
    %get3A_0 = arith.constant 0 : index
    %get3A_1 = vector.load %arg1[%get3A, %get3A_0] : memref<1x10000xi32, #tpu.memory_space<vmem>>, vector<1x10000xi32>
    %iota3A = tpu.iota {dimensions = array<i32: 0>} : vector<64x10000xi32>
    %eq3A = vector.broadcast %get3A_1 : vector<1x10000xi32> to vector<64x10000xi32>
    %eq3A_2 = arith.cmpi eq, %iota3A, %eq3A : vector<64x10000xi32>
    %jit3A = arith.constant 1.000000e+00 : f32
    %jit3A_3 = arith.constant 0.000000e+00 : f32
    %broadcast_in_dim3A = vector.broadcast %jit3A : f32 to vector<64x10000xf32>
    %broadcast_in_dim3A_4 = vector.broadcast %jit3A_3 : f32 to vector<64x10000xf32>
    %select_n3A = arith.select %eq3A_2, %broadcast_in_dim3A, %broadcast_in_dim3A_4 : vector<64x10000xi1>, vector<64x10000xf32>
    %get3A_5 = arith.constant 0 : index
    %get3A_6 = arith.constant 0 : index
    %get3A_7 = vector.load %arg0[%get3A_5, %get3A_6] : memref<10000x128xf32, #tpu.memory_space<vmem>>, vector<10000x128xf32>
    %dot_general3A = arith.constant dense<0.000000e+00> : vector<64x128xf32>
    %dot_general3A_8 = tpu.matmul %select_n3A, %get3A_7, %dot_general3A {dimension_numbers = #tpu.dot_dimension_numbers<[1], [0], [0], [1], [0, 0, 1, 1], [], []>, transpose_lhs_hint = false} : vector<64x10000xf32>, vector<10000x128xf32>, vector<64x128xf32> -> vector<64x128xf32>
    %reduce_sum3A = arith.constant dense<0.000000e+00> : vector<64xf32>
    %reduce_sum3A_9 = vector.multi_reduction <add>, %select_n3A, %reduce_sum3A [1] : vector<64x10000xf32> to vector<64xf32>
    %broadcast_in_dim3A_10 = vector.shape_cast %reduce_sum3A_9 : vector<64xf32> to vector<64x1xf32>
    %max3A = arith.constant 1.000000e+00 : f32
    %max3A_11 = vector.broadcast %max3A : f32 to vector<64x1xf32>
    %max3A_12 = arith.maximumf %broadcast_in_dim3A_10, %max3A_11 : vector<64x1xf32>
    %rsqrt3A = math.rsqrt %max3A_12 : vector<64x1xf32>
    %mul3A = vector.broadcast %rsqrt3A : vector<64x1xf32> to vector<64x128xf32>
    %mul3A_13 = arith.mulf %dot_general3A_8, %mul3A : vector<64x128xf32>
    %logistic3A = arith.negf %mul3A_13 : vector<64x128xf32>
    %logistic3A_14 = math.exp %logistic3A : vector<64x128xf32>
    %logistic3A_15 = arith.constant 1.000000e+00 : f32
    %logistic3A_16 = vector.broadcast %logistic3A_15 : f32 to vector<64x128xf32>
    %logistic3A_17 = arith.addf %logistic3A_16, %logistic3A_14 : vector<64x128xf32>
    %logistic3A_18 = arith.divf %logistic3A_16, %logistic3A_17 : vector<64x128xf32>
    %mul3A_19 = arith.mulf %mul3A_13, %logistic3A_18 : vector<64x128xf32>
    %get3A_20 = arith.constant 0 : index
    %get3A_21 = arith.constant 0 : index
    %get3A_22 = vector.load %arg2[%get3A_20, %get3A_21] : memref<128x128xf32, #tpu.memory_space<vmem>>, vector<128x128xf32>
    %dot_general3A_23 = arith.constant dense<0.000000e+00> : vector<64x128xf32>
    %dot_general3A_24 = tpu.matmul %mul3A_19, %get3A_22, %dot_general3A_23 {dimension_numbers = #tpu.dot_dimension_numbers<[1], [0], [0], [1], [0, 0, 1, 1], [], []>, transpose_lhs_hint = false} : vector<64x128xf32>, vector<128x128xf32>, vector<64x128xf32> -> vector<64x128xf32>
    %get3A_25 = arith.constant 0 : index
    %get3A_26 = arith.constant 0 : index
    %get3A_27 = vector.load %arg3[%get3A_25, %get3A_26] : memref<1x128xf32, #tpu.memory_space<vmem>>, vector<1x128xf32>
    %add3A = vector.broadcast %get3A_27 : vector<1x128xf32> to vector<64x128xf32>
    %add3A_28 = arith.addf %dot_general3A_24, %add3A : vector<64x128xf32>
    %logistic3A_29 = arith.negf %add3A_28 : vector<64x128xf32>
    %logistic3A_30 = math.exp %logistic3A_29 : vector<64x128xf32>
    %logistic3A_31 = arith.constant 1.000000e+00 : f32
    %logistic3A_32 = vector.broadcast %logistic3A_31 : f32 to vector<64x128xf32>
    %logistic3A_33 = arith.addf %logistic3A_32, %logistic3A_30 : vector<64x128xf32>
    %logistic3A_34 = arith.divf %logistic3A_32, %logistic3A_33 : vector<64x128xf32>
    %mul3A_35 = arith.mulf %add3A_28, %logistic3A_34 : vector<64x128xf32>
    %get3A_36 = arith.constant 0 : index
    %get3A_37 = arith.constant 0 : index
    %get3A_38 = vector.load %arg4[%get3A_36, %get3A_37] : memref<128x128xf32, #tpu.memory_space<vmem>>, vector<128x128xf32>
    %dot_general3A_39 = arith.constant dense<0.000000e+00> : vector<64x128xf32>
    %dot_general3A_40 = tpu.matmul %mul3A_35, %get3A_38, %dot_general3A_39 {dimension_numbers = #tpu.dot_dimension_numbers<[1], [0], [0], [1], [0, 0, 1, 1], [], []>, transpose_lhs_hint = false} : vector<64x128xf32>, vector<128x128xf32>, vector<64x128xf32> -> vector<64x128xf32>
    %get3A_41 = arith.constant 0 : index
    %get3A_42 = arith.constant 0 : index
    %get3A_43 = vector.load %arg5[%get3A_41, %get3A_42] : memref<1x128xf32, #tpu.memory_space<vmem>>, vector<1x128xf32>
    %add3A_44 = vector.broadcast %get3A_43 : vector<1x128xf32> to vector<64x128xf32>
    %add3A_45 = arith.addf %dot_general3A_40, %add3A_44 : vector<64x128xf32>
    %swap3A = arith.constant 0 : index
    %swap3A_46 = arith.constant 0 : index
    %swap3A_47 = vector.load %arg6[%swap3A, %swap3A_46] : memref<64x128xf32, #tpu.memory_space<vmem>>, vector<64x128xf32>
    tpu.vector_store %arg6[%swap3A, %swap3A_46], %add3A_45 {strides = array<i32>} : memref<64x128xf32, #tpu.memory_space<vmem>>, vector<64x128xf32>,
    return
  }
}

</mosaic_0001>

<sc_bundles>
// kernel: kernel.16.cloned.1.call-start
scs
__scs_entry_jumppad:
0x0: {  	(pc) =	sbr.rel $0x88, $3  }
0x1: {  	(tag) =	ssettag $0x0;
	lr =	simm.s32 $0x1  }
0x2: {  	[smem:$0x3F8F] =	sst lr;
	_ =	strace $0xD0000000  }
0x3: {  	_ = 	snop  }
0x4: {  	_ = 	snop  }
0x5: {  	_ = 	snop  }
0x6: {  	_ = 	snop  }
0x7: {  	_ = 	snop  }
__scs_overlays_trampoline_lowered:
0x8: {  	[smem:$0x3F9E] =	sst s0  }
0x9: {  	[smem:$0x3F9F] =	sst s1  }
0xa: {  	[smem:$0x3FA0] =	sst s2  }
0xb: {  	[smem:$0x3FA1] =	sst s3  }
0xc: {  	[smem:$0x3FA2] =	sst s4  }
0xd: {  	[smem:$0x3FA3] =	sst s5  }
0xe: {  	[smem:$0x3FA4] =	sst s6  }
0xf: {  	[smem:$0x3FA5] =	sst s7  }
0x10: {  	[smem:$0x3FA6] =	sst s8  }
0x11: {  	[smem:$0x3FA7] =	sst s9;
	s0 =	simm.s32 @!p0 $0x0  }
0x12: {  	s1 =	sld [smem:$0x3F8D];
	s0 =	simm.s32 @p0 $0x1  }
0x13: {  	[smem:$0x3FA8] =	sst s0;
	s0 =	simm.s32 @!p1 $0x0  }
0x14: {  	s2 =	sld [smem:$0x3F8C];
	s0 =	simm.s32 @p1 $0x1  }
0x15: {  	[smem:$0x3FA9] =	sst s0;
	s0 =	simm.s32 @!p2 $0x0  }
0x16: {  	s3 =	sld [smem:$0x3FDB];
	s0 =	simm.s32 @p2 $0x1  }
0x17: {  	s4 =	simm.s32 $0x1BF5;
	[smem:$0x3FAB] =	sst s0  }
0x18: {  	s0 =	sld [smem:$0x3F8E];
	_ =	swait.ge [sflag:s4], $0x0  }
0x19: {  	s7 =	sld [smem:$0x3F8F]  }
0x1a: {  	s8 =	sadd.s32 $0xFFFFE003, lr  }
0x1b: {  	s9 =	sadd.s32 $0xFFFFFEF7, lr;
	s5 =	simm.s32 $0xFFFFFFFF;
	p2 =	slt.u32 s8, $0xFFFFF086  }
0x1c: {  	p1 =	slt.u32 s9, $0xF7A;
	s5 =	simm.s32 @!p2 $0x0  }
0x1d: {  	s5 =	simm.s32 @p1 $0x1;
	p0 =	seq.s32 s7, s2  }
0x1e: {  	s7 =	smul.u32 @!p0 $0xF7A, s2;
	p2 =	seq.s32 @!p0 s5, $0x0  }
0x1f: {  	s9 =	smul.u32 $0xF7A, s1;
	s8 =	simm.s32 @!p0 $0x1BF5;
	p2 =	por !p2, p0  }
0x20: {  	[sflag:s8] =	ssyncset.s32 @!p0 $0xFFFFF086;
	s6 =	sadd.s32 @!p0 s3, s7;
	s7 =	simm.s32 @!p0 $0x108  }
0x21: {  	s3 =	sadd.s32 s3, s9;
	s6 =	sadd.s32 @!p0 $0x88, s6;
	s7 =	simm.s32 @p2 $0x1082  }
0x22: {  	[simem:s7], [sflag:s8] =	dma.local @!p0 [hbm:s6], $0xF7A  }
0x23: {  	s9 =	sor.u32 $0xD0000000, s2;
	s6 =	simm.s32 $0x108;
	_ =	swait.ge @!p0 [sflag:s8], $0x0  }
0x24: {  	s3 =	sadd.s32 $0x88, s3;
	s6 =	simm.s32 @!p1 $0x1082;
	[sflag:s4] =	ssyncset.s32 $0xFFFFF086  }
0x25: {  	[simem:s6], [sflag:s4] =	dma.local [hbm:s3], $0xF7A  }
0x26: {  	[smem:$0x3F8F] =	sst s1;
	(tag) =	ssettag s2;
	_ =	strace s9  }
0x27: {  	s1 =	sld [smem:$0x3F9F]  }
0x28: {  	s2 =	sld [smem:$0x3FA0]  }
0x29: {  	s4 =	sld [smem:$0x3FA2]  }
0x2a: {  	p0 =	seq.s32 s5, $0x0;
	s5 =	sld [smem:$0x3FA3]  }
0x2b: {  	s6 =	sld [smem:$0x3FA4]  }
0x2c: {  	s7 =	sld [smem:$0x3FA5]  }
0x2d: {  	s3 =	simm.s32 $0x108;
	s8 =	sld [smem:$0x3FA6]  }
0x2e: {  	s3 =	simm.s32 @!p0 $0x1082;
	s9 =	sld [smem:$0x3FA7]  }
0x2f: {  	lr =	sadd.s32 s0, s3;
	s0 =	sld [smem:$0x3F9E]  }
0x30: {  	s3 =	sld [smem:$0x3FA1]  }
0x31: {  	[smem:$0x3FAA] =	sst s10  }
0x32: {  	s10 =	sld [smem:$0x3FA8];
	_ =	sdelay $0x3  }
0x33: {  	p0 =	seq.s32 s10, $0x1;
	s10 =	sld [smem:$0x3FAA];
	_ =	sdelay $0x3  }
0x34: {  	[smem:$0x3FAA] =	sst s10  }
0x35: {  	s10 =	sld [smem:$0x3FA9];
	_ =	sdelay $0x3  }
0x36: {  	p1 =	seq.s32 s10, $0x1;
	s10 =	sld [smem:$0x3FAA];
	_ =	sdelay $0x3  }
0x37: {  	[smem:$0x3FAA] =	sst s10  }
0x38: {  	s10 =	sld [smem:$0x3FAB]  }
0x39: {  	_ = 	snop;
	(pc) =	sbr.ind lr, $3  }
0x3a: {  	_ = 	snop  }
0x3b: {  	_ = 	snop  }
0x3c: {  	p2 =	seq.s32 s10, $0x1;
	s10 =	sld [smem:$0x3FAA]  }
0x3d: {  	_ =	shalt  }
0x3e: {  	_ =	shalt  }
0x3f: {  	_ =	shalt  }
0x40: {  	_ =	shalt  }
0x41: {  	_ =	shalt  }
0x42: {  	_ =	shalt  }
0x43: {  	_ =	shalt  }
0x44: {  	_ =	shalt  }
0x45: {  	_ =	shalt  }
0x46: {  	_ =	shalt  }
0x47: {  	_ =	shalt  }
0x48: {  	_ =	shalt  }
0x49: {  	_ =	shalt  }
0x4a: {  	_ =	shalt  }
0x4b: {  	_ =	shalt  }
0x4c: {  	_ =	shalt  }
0x4d: {  	_ =	shalt  }
0x4e: {  	_ =	shalt  }
0x4f: {  	_ =	shalt  }
0x50: {  	_ =	shalt  }
0x51: {  	_ =	shalt  }
0x52: {  	_ =	shalt  }
0x53: {  	_ =	shalt  }
0x54: {  	_ =	shalt  }
0x55: {  	_ =	shalt  }
0x56: {  	_ =	shalt  }
0x57: {  	_ =	shalt  }
0x58: {  	_ =	shalt  }
0x59: {  	_ =	shalt  }
0x5a: {  	_ =	shalt  }
0x5b: {  	_ =	shalt  }
0x5c: {  	_ =	shalt  }
0x5d: {  	_ =	shalt  }
0x5e: {  	_ =	shalt  }
0x5f: {  	_ =	shalt  }
0x60: {  	_ =	shalt  }
0x61: {  	_ =	shalt  }
0x62: {  	_ =	shalt  }
0x63: {  	_ =	shalt  }
0x64: {  	_ =	shalt  }
0x65: {  	_ =	shalt  }
0x66: {  	_ =	shalt  }
0x67: {  	_ =	shalt  }
0x68: {  	_ =	shalt  }
0x69: {  	_ =	shalt  }
0x6a: {  	_ =	shalt  }
0x6b: {  	_ =	shalt  }
0x6c: {  	_ =	shalt  }
0x6d: {  	_ =	shalt  }
0x6e: {  	_ =	shalt  }
0x6f: {  	_ =	shalt  }
0x70: {  	_ =	shalt  }
0x71: {  	_ =	shalt  }
0x72: {  	_ =	shalt  }
0x73: {  	_ =	shalt  }
0x74: {  	_ =	shalt  }
0x75: {  	_ =	shalt  }
0x76: {  	_ =	shalt  }
0x77: {  	_ =	shalt  }
0x78: {  	_ =	shalt  }
0x79: {  	_ =	shalt  }
0x7a: {  	_ =	shalt  }
0x7b: {  	_ =	shalt  }
0x7c: {  	_ =	shalt  }
0x7d: {  	_ =	shalt  }
0x7e: {  	_ =	shalt  }
0x7f: {  	_ =	shalt  }
0x80: {  	_ =	shalt  }
0x81: {  	_ =	shalt  }
0x82: {  	_ =	shalt  }
0x83: {  	_ =	shalt  }
0x84: {  	_ =	shalt  }
0x85: {  	_ =	shalt  }
0x86: {  	_ =	shalt  }
0x87: {  	_ =	shalt  }
.Lfunc_end0:
.L_simem_size_0:
called_computation_lowered:
.L_overlay_start_0:
0x88: {  	s2 =	sld [smem:$0x3FD9]  }
0x89: {  	s3 =	sld [smem:$0x3FFE];
	_ =	sdelay $0x1  }
0x8a: {  	s1 =	srdreg.scid  }
0x8b: {  	s0 =	sand.u32 $0x1, s1  }
0x8c: {  	s16 =	sshll.u32 s0, $0xA;
	s2 =	sadd.s32 s3, s2  }
0x8d: {  	s2 =	sadd.s32 s2, s16  }
0x8e: {  	[smem:$0x3FB6] =	sst s2  }
0x8f: {  	_ = 	snop  }
0x90: {  	(tm) =	ssettm $0x1  }
0x91: {  	s17 =	sld [smem:$0x3FFB];
	_ =	sdelay $0x3  }
0x92: {  	_ =	strace s17  }
0x93: {  	s2 =	sld [smem:$0x3FFC];
	_ =	sdelay $0x3  }
0x94: {  	_ =	strace s2  }
0x95: {  	s2 =	sld [smem:$0x3FFD];
	_ =	sdelay $0x3  }
0x96: {  	_ =	strace s2  }
0x97: {  	_ =	strace $0x8FFFFFFF  }
0x98: {  	s18 =	sld [smem:$0x3FDB];
	_ =	sdelay $0x1  }
0x99: {  	s19 =	simm.s32 $_scs_section_size  }
0x9a: {  	s4 =	simm.s32 $_size__tile_overlayer_lowered;
	s5 =	simm.s32 $_tile_overlayer_lowered  }
0x9b: {  	s22 =	simm.s32 $0x1BFF;
	s21 =	sshll.u32 s5, $0x1;
	s2 =	sadd.s32 s19, s18  }
0x9c: {  	s6 =	simm.s32 $0x0;
	s20 =	sshll.u32 s4, $0x1;
	s4 =	sadd.s32 s21, s2  }
0x9d: {  	[timem:s6], [sflag:s22] =	dma.local [hbm:s4], s20  }
0x9e: {  	_ =	swait.ge [sflag:s22], s20  }
0x9f: {  	s3 =	ssub.s32 $0x0, s20;
	[sflag:s22] =	ssyncset.done $0x0  }
0xa0: {  	[sflag:s22] =	ssyncadd.s32 s3;
	_ =	sdelay $0x1  }
0xa1: {  	s23 =	simm.s32 $0x1B8B  }
0xa2: {  	_ =	swait.ge [sflag:s23], $0x1  }
0xa3: {  	[sflag:s23] =	ssyncset.done $0x0  }
0xa4: {  	s25 =	simm.s32 $0x1B8E;
	s24 =	sld [smem:$0x3FFE];
	[sflag:s23] =	ssyncadd.s32 $0xFFFFFFFF  }
0xa5: {  	s26 =	simm.s32 $execute0_lowered;
	[smem:$0x3FD2] =	sst s25  }
0xa6: {  	s4 =	sshll.u32 s26, $0x1;
	_ =	strace $0x80000046;
	[dreg:$0x1] =	wrdreg $0xFFFFFFFF  }
0xa7: {  	s28 =	simm.s32 $_size_execute0_lowered;
	s2 =	sadd.s32 s2, s4;
	[dreg:$0x0] =	wrdreg $0x0  }
0xa8: {  	s4 =	sshll.u32 s28, $0x1;
	[dreg:$0x2] =	wrdreg s2  }
0xa9: {  	[dreg:$0x3] =	wrdreg s4  }
0xaa: {  	[dreg:$0x4] =	wrdreg $0xC0  }
0xab: {  	_ =	task [dreg:s6], $0x5FFFF  }
0xac: {  	[dreg:$0x1] =	wrdreg $0xFFFFFFFF  }
0xad: {  	[dreg:$0x0] =	wrdreg $0x60  }
0xae: {  	[dreg:$0x2] =	wrdreg s24  }
0xaf: {  	[dreg:$0x3] =	wrdreg $0x9  }
0xb0: {  	_ =	task.clear_ibuf [dreg:s6], $0x4FFFF;
	_ =	strace $0x90000046  }
0xb1: {  	s29 =	simm.s32 $0x9;
	_ =	strace $0x80000048  }
0xb2: {  	_ =	swait.ge [sflag:s29], $0x1  }
0xb3: {  	[sflag:s29] =	ssyncadd.s32 $0xFFFFFFFF  }
0xb4: {  	_ =	strace $0x90000048  }
0xb5: {  	_ =	sfence  }
0xb6: {  	s30 =	sld [smem:$0x0];
	_ =	sdelay $0x2  }
0xb7: {  	s31 =	sshll.u32 s1, $0xD;
	s1 =	sshrl.u32 s1, $0x2  }
0xb8: {  	s3 =	sand.u32 $0x4000, s31;
	s1 =	sadd.s32 s1, s30  }
0xb9: {  	s0 =	sor.u32 s3, s0;
	s1 =	sshll.u32 s1, $0x11  }
0xba: {  	s0 =	sor.u32 s1, s0  }
0xbb: {  	s0 =	sadd.s32 $0x8F2B, s0  }
0xbc: {  	[sflag:s0] =	ssyncadd.remote.s32 $0x1  }
0xbd: {  	_ =	sfence.sel $0xFFFF  }
0xbe: {  	[dreg:$0x0] =	wrdreg $0xFFFFFFFF;
	(pc) =	sbr.abs _section_cstart, $3  }
0xbf: {  	[dreg:$0x1] =	wrdreg $0xFFFFFFFF  }
0xc0: {  	_ =	task.clear_ibuf [dreg:s6], $0x2FFFF;
	_ =	strace $0x9FFFFFFF  }
0xc1: {  	(tm) =	ssettm $0x7FFFFFFF  }
tec
execute0_lowered:
.L_overlay_start_1:
0x0: {  	(tag) =	ssettag $0x1  }
0x1: {  	s4 =	rddreg [dreg:$0x0]  }
0x2: {  	s0 =	rddreg [dreg:$0x1]  }
0x3: {  	s2 =	simm.s32 $0x0;
	s3 =	srdreg.scid;
	s1 =	stileid.u32  }
0x4: {  	[smem:$0x7FF] =	sst s2;
	s5 =	sand.u32 $0x1, s3;
	s3 =	sadd.s32 $0x44800, s4  }
0x5: {  	s6 =	sshll.u32 s1, $0x5;
	s8 =	sshll.u32 s1, $0xC;
	_ =	strace $0x80000047  }
0x6: {  	s7 =	ssub.s32 $0x2, s5;
	s6 =	sadd.s32 s6, s4;
	s8 =	sadd.s32 s8, s4  }
0x7: {  	s31 =	sshll.u32 s5, $0x4;
	s10 =	sshll.u32 s5, $0xB;
	s9 =	sshrl.u32 s7, $0x1  }
0x8: {  	s4 =	sshll.u32 s1, $0x1;
	s10 =	sadd.s32 s10, s8;
	s7 =	ssub.s32 s7, s9  }
0x9: {  	s9 =	sadd.s32 s31, s6;
	s8 =	sadd.s32 $0x574C00, s10;
	s5 =	smax.u32 s7, $0x1  }
0xa: {  	s6 =	sadd.s32 $0x3AA00, s9;
	s7 =	sadd.s32 $0x30C00, s9;
	s9 =	sadd.s32 $0x92C00, s10  }
.LBB2_1:
0xb: {  	p0 =	sgt.u32 s4, $0x9C3  }
0xc: {  	s10 =	sadd.s32 @!p0 $0x0, s7;
	s12 =	simm.s32 @!p0 $0x0;
	s11 =	simm.s32 @!p0 $0x3  }
0xd: {  	[tilespmem:s12], [sflag:$0x3] =	stream.linear.gather @!p0 [hbm4b:s10+s12], $0x80, $0x38;
	[tilespmem:$0x4080] =	vst v63  }
0xe: {  	_ =	swait.ge @!p0 [sflag:s11], $0x80;
	p0 =	por p0, p0  }
0xf: {  	[sflag:s11] =	ssyncset.done @!p0 $0x0  }
0x10: {  	s10 =	simm.s32 @!p0 $0x80;
	s14 =	simm.s32 @!p0 $0x1;
	[sflag:s11] =	ssyncadd.s32 @!p0 $0xFFFFFF80  }
0x11: {  	[tilespmem:s10], [sflag:$0x1] =	stream.indirect.gather @!p0 [hbm4b:s3+s10], $0x80, s12, s10, $0xb8;
	[tilespmem:$0x4080] =	vst v63  }
0x12: {  	_ =	swait.ge @!p0 [sflag:s14], $0x4000  }
0x13: {  	[sflag:s14] =	ssyncset.done @!p0 $0x0  }
0x14: {  	[sflag:s14] =	ssyncadd.s32 @!p0 $0xFFFFC000  }
0x15: {  	[hbm4b:s9+s12] =	stream.linear.scatter @!p0 [tilespmem:s10], [sflag:$0x3], $0x4000, $0x38;
	[tilespmem:$0x4080] =	vst v63  }
0x16: {  	_ =	swait.ge @!p0 [sflag:s11], $0x4000  }
0x17: {  	[sflag:s11] =	ssyncset.done @!p0 $0x0  }
0x18: {  	s13 =	sadd.s32 @!p0 $0x0, s6;
	[sflag:s11] =	ssyncadd.s32 @!p0 $0xFFFFC000  }
0x19: {  	[tilespmem:s12], [sflag:$0x3] =	stream.linear.gather @!p0 [hbm4b:s13+s12], $0x80, $0x38;
	[tilespmem:$0x4080] =	vst v63  }
0x1a: {  	_ =	swait.ge @!p0 [sflag:s11], $0x80  }
0x1b: {  	[sflag:s11] =	ssyncset.done @!p0 $0x0  }
0x1c: {  	[sflag:s11] =	ssyncadd.s32 @!p0 $0xFFFFFF80  }
0x1d: {  	[tilespmem:s10], [sflag:$0x1] =	stream.indirect.gather @!p0 [hbm4b:s3+s10], $0x80, s12, s10, $0xb8;
	[tilespmem:$0x4080] =	vst v63  }
0x1e: {  	_ =	swait.ge @!p0 [sflag:s14], $0x4000  }
0x1f: {  	[sflag:s14] =	ssyncset.done @!p0 $0x0  }
0x20: {  	s15 =	simm.s32 @!p0 $0x2;
	s13 =	simm.s32 $0x400;
	[sflag:s14] =	ssyncadd.s32 @!p0 $0xFFFFC000  }
0x21: {  	[hbm4b:s8+s12] =	stream.linear.scatter @!p0 [tilespmem:s10], [sflag:$0x2], $0x4000, $0x38;
	[tilespmem:$0x4080] =	vst v63  }
0x22: {  	s11 =	simm.s32 $0x200;
	s14 =	sadd.s32 $0x20, s4;
	s12 =	sadd.s32 $0x10000, s9  }
0x23: {  	p2 =	sgt.u32 s14, $0x9C3;
	s10 =	sadd.s32 $0x10000, s8;
	_ =	swait.ge @!p0 [sflag:s15], $0x4000  }
.LBB2_2:
0x24: {  	s16 =	sadd.s32 @!p2 s11, s7  }
0x25: {  	s17 =	simm.s32 @!p2 $0x0;
	[sflag:s15] =	ssyncset.done @!p0 $0x0;
	s18 =	smov.u32 s13  }
0x26: {  	s13 =	sadd.s32 $0x200, s13;
	s19 =	simm.s32 @!p2 $0x3;
	[sflag:s15] =	ssyncadd.s32 @!p0 $0xFFFFC000  }
0x27: {  	[tilespmem:s17], [sflag:$0x3] =	stream.linear.gather @!p2 [hbm4b:s16+s17], $0x80, $0x38;
	[tilespmem:$0x4080] =	vst v63  }
0x28: {  	p1 =	sne.s32 s13, $0x9E00;
	p0 =	por p2, p2;
	_ =	swait.ge @!p2 [sflag:s19], $0x80  }
0x29: {  	[sflag:s19] =	ssyncset.done @!p0 $0x0  }
0x2a: {  	s16 =	simm.s32 @!p0 $0x80;
	s15 =	simm.s32 @!p0 $0x1;
	[sflag:s19] =	ssyncadd.s32 @!p0 $0xFFFFFF80  }
0x2b: {  	[tilespmem:s16], [sflag:$0x1] =	stream.indirect.gather @!p0 [hbm4b:s3+s16], $0x80, s17, s16, $0xb8;
	[tilespmem:$0x4080] =	vst v63  }
0x2c: {  	_ =	swait.ge @!p0 [sflag:s15], $0x4000  }
0x2d: {  	[sflag:s15] =	ssyncset.done @!p0 $0x0  }
0x2e: {  	[sflag:s15] =	ssyncadd.s32 @!p0 $0xFFFFC000  }
0x2f: {  	[hbm4b:s12+s17] =	stream.linear.scatter @!p0 [tilespmem:s16], [sflag:$0x3], $0x4000, $0x38;
	[tilespmem:$0x4080] =	vst v63  }
0x30: {  	_ =	swait.ge @!p0 [sflag:s19], $0x4000  }
0x31: {  	[sflag:s19] =	ssyncset.done @!p0 $0x0  }
0x32: {  	s20 =	sadd.s32 @!p0 s11, s6;
	s11 =	smov.u32 s18;
	[sflag:s19] =	ssyncadd.s32 @!p0 $0xFFFFC000  }
0x33: {  	[tilespmem:s17], [sflag:$0x3] =	stream.linear.gather @!p0 [hbm4b:s20+s17], $0x80, $0x38;
	[tilespmem:$0x4080] =	vst v63  }
0x34: {  	_ =	swait.ge @!p0 [sflag:s19], $0x80  }
0x35: {  	[sflag:s19] =	ssyncset.done @!p0 $0x0  }
0x36: {  	[sflag:s19] =	ssyncadd.s32 @!p0 $0xFFFFFF80  }
0x37: {  	[tilespmem:s16], [sflag:$0x1] =	stream.indirect.gather @!p0 [hbm4b:s3+s16], $0x80, s17, s16, $0xb8;
	[tilespmem:$0x4080] =	vst v63  }
.Ltmp0:
0x38: {  	_ =	swait.ge @!p0 [sflag:s15], $0x4000;
	(pc) =	sbr.rel @p1 .LBB2_2-.Ltmp0, $4  }
0x39: {  	s12 =	sadd.s32 $0x10000, s12;
	[sflag:s15] =	ssyncset.done @!p0 $0x0  }
0x3a: {  	s14 =	sadd.s32 $0x20, s14;
	[sflag:s15] =	ssyncadd.s32 @!p0 $0xFFFFC000;
	s15 =	simm.s32 @!p0 $0x2  }
0x3b: {  	[hbm4b:s10+s17] =	stream.linear.scatter @!p0 [tilespmem:s16], [sflag:$0x2], $0x4000, $0x38;
	[tilespmem:$0x4080] =	vst v63  }
0x3c: {  	p2 =	sgt.u32 s14, $0x9C3;
	s10 =	sadd.s32 $0x10000, s10;
	_ =	swait.ge @!p0 [sflag:s15], $0x4000  }
0x3d: {  	s13 =	sadd.s32 @!p2 s11, s7;
	[sflag:s15] =	ssyncset.done @!p0 $0x0  }
0x3e: {  	s14 =	simm.s32 @!p2 $0x0;
	s16 =	simm.s32 @!p2 $0x3;
	[sflag:s15] =	ssyncadd.s32 @!p0 $0xFFFFC000  }
0x3f: {  	[tilespmem:s14], [sflag:$0x3] =	stream.linear.gather @!p2 [hbm4b:s13+s14], $0x80, $0x38;
	[tilespmem:$0x4080] =	vst v63  }
0x40: {  	p0 =	por p2, p2;
	_ =	swait.ge @!p2 [sflag:s16], $0x80  }
0x41: {  	[sflag:s16] =	ssyncset.done @!p0 $0x0  }
0x42: {  	s13 =	simm.s32 @!p0 $0x80;
	s15 =	simm.s32 @!p0 $0x1;
	[sflag:s16] =	ssyncadd.s32 @!p0 $0xFFFFFF80  }
0x43: {  	[tilespmem:s13], [sflag:$0x1] =	stream.indirect.gather @!p0 [hbm4b:s3+s13], $0x80, s14, s13, $0xb8;
	[tilespmem:$0x4080] =	vst v63  }
0x44: {  	_ =	swait.ge @!p0 [sflag:s15], $0x4000  }
0x45: {  	[sflag:s15] =	ssyncset.done @!p0 $0x0  }
0x46: {  	[sflag:s15] =	ssyncadd.s32 @!p0 $0xFFFFC000  }
0x47: {  	[hbm4b:s12+s14] =	stream.linear.scatter @!p0 [tilespmem:s13], [sflag:$0x3], $0x4000, $0x38;
	[tilespmem:$0x4080] =	vst v63  }
0x48: {  	_ =	swait.ge @!p0 [sflag:s16], $0x4000  }
0x49: {  	[sflag:s16] =	ssyncset.done @!p0 $0x0  }
0x4a: {  	s11 =	sadd.s32 @!p0 s11, s6;
	[sflag:s16] =	ssyncadd.s32 @!p0 $0xFFFFC000  }
0x4b: {  	[tilespmem:s14], [sflag:$0x3] =	stream.linear.gather @!p0 [hbm4b:s11+s14], $0x80, $0x38;
	[tilespmem:$0x4080] =	vst v63  }
0x4c: {  	_ =	swait.ge @!p0 [sflag:s16], $0x80  }
0x4d: {  	[sflag:s16] =	ssyncset.done @!p0 $0x0  }
0x4e: {  	[sflag:s16] =	ssyncadd.s32 @!p0 $0xFFFFFF80  }
0x4f: {  	[tilespmem:s13], [sflag:$0x1] =	stream.indirect.gather @!p0 [hbm4b:s3+s13], $0x80, s14, s13, $0xb8;
	[tilespmem:$0x4080] =	vst v63  }
0x50: {  	s2 =	sadd.s32 $0x1, s2;
	_ =	swait.ge @!p0 [sflag:s15], $0x4000  }
0x51: {  	p1 =	sne.s32 s2, s5;
	[sflag:s15] =	ssyncset.done @!p0 $0x0  }
.Ltmp1:
0x52: {  	s11 =	simm.s32 @!p0 $0x2;
	[sflag:s15] =	ssyncadd.s32 @!p0 $0xFFFFC000;
	(pc) =	sbr.rel @p1 .LBB2_1-.Ltmp1, $4  }
0x53: {  	[hbm4b:s10+s14] =	stream.linear.scatter @!p0 [tilespmem:s13], [sflag:$0x2], $0x4000, $0x38;
	[tilespmem:$0x4080] =	vst v63  }
0x54: {  	_ =	swait.ge @!p0 [sflag:s11], $0x4000  }
0x55: {  	[sflag:s11] =	ssyncset.done @!p0 $0x0  }
0x56: {  	[sflag:s11] =	ssyncadd.s32 @!p0 $0xFFFFC000  }
0x57: {  	_ =	sfence.sel $0x180000  }
0x58: {  	[bflag:$0x0] =	sbarrier.arrive $0xFFFF  }
0x59: {  	p0 =	sne.s32 s1, $0x0;
	_ =	strace $0x90000047  }
0x5a: {  	s0 =	sadd.s32 @!p0 $0x100000, s0;
	[bflag:$0x2] =	sbarrier.arrive $0xFFFF  }
0x5b: {  	[sflag:s0] =	ssyncadd.tile.s32 @!p0 $0x1;
	_ =	shalt  }
.Lfunc_end2:
_tile_overlayer_lowered:
.L_overlay_start_2:
0x5c: {  	(tag) =	ssettag $0x2  }
0x5d: {  	s0 =	rddreg [dreg:$0x0];
	s2 =	stileid.u32  }
0x5e: {  	s1 =	rddreg [dreg:$0x1];
	p0 =	sne.s32 s2, $0x0  }
0x5f: {  	s3 =	rddreg [dreg:$0x2];
	[bflag:$0x3] =	sbarrier.arrive $0xFFFF;
	s2 =	simm.s32 @!p0 $0x1C02  }
0x60: {  	[timem:s3], [sflag:s2] =	dma.local @!p0 [hbm:s0], s1  }
0x61: {  	s0 =	simm.s32 @!p0 $0x2  }
0x62: {  	_ =	swait.ge @!p0 [sflag:s0], s1  }
0x63: {  	s1 =	ssub.s32 @!p0 $0x0, s1;
	[sflag:s0] =	ssyncset.done @!p0 $0x0  }
0x64: {  	[sflag:s0] =	ssyncadd.s32 @!p0 s1  }
0x65: {  	[bflag:$0x3] =	sbarrier.arrive $0xFFFF  }
0x66: {  	_ =	shalt  }

// kernel: kernel.19.cloned.1.call-start
scs
__scs_entry_jumppad:
0x0: {  	(pc) =	sbr.rel $0x88, $3  }
0x1: {  	(tag) =	ssettag $0x0;
	lr =	simm.s32 $0x1  }
0x2: {  	[smem:$0x3F8F] =	sst lr;
	_ =	strace $0xD0000000  }
0x3: {  	_ = 	snop  }
0x4: {  	_ = 	snop  }
0x5: {  	_ = 	snop  }
0x6: {  	_ = 	snop  }
0x7: {  	_ = 	snop  }
__scs_overlays_trampoline_lowered:
0x8: {  	[smem:$0x3F9E] =	sst s0  }
0x9: {  	[smem:$0x3F9F] =	sst s1  }
0xa: {  	[smem:$0x3FA0] =	sst s2  }
0xb: {  	[smem:$0x3FA1] =	sst s3  }
0xc: {  	[smem:$0x3FA2] =	sst s4  }
0xd: {  	[smem:$0x3FA3] =	sst s5  }
0xe: {  	[smem:$0x3FA4] =	sst s6  }
0xf: {  	[smem:$0x3FA5] =	sst s7  }
0x10: {  	[smem:$0x3FA6] =	sst s8  }
0x11: {  	[smem:$0x3FA7] =	sst s9;
	s0 =	simm.s32 @!p0 $0x0  }
0x12: {  	s1 =	sld [smem:$0x3F8D];
	s0 =	simm.s32 @p0 $0x1  }
0x13: {  	[smem:$0x3FA8] =	sst s0;
	s0 =	simm.s32 @!p1 $0x0  }
0x14: {  	s2 =	sld [smem:$0x3F8C];
	s0 =	simm.s32 @p1 $0x1  }
0x15: {  	[smem:$0x3FA9] =	sst s0;
	s0 =	simm.s32 @!p2 $0x0  }
0x16: {  	s3 =	sld [smem:$0x3FDB];
	s0 =	simm.s32 @p2 $0x1  }
0x17: {  	s4 =	simm.s32 $0x1BF5;
	[smem:$0x3FAB] =	sst s0  }
0x18: {  	s0 =	sld [smem:$0x3F8E];
	_ =	swait.ge [sflag:s4], $0x0  }
0x19: {  	s7 =	sld [smem:$0x3F8F]  }
0x1a: {  	s8 =	sadd.s32 $0xFFFFE003, lr  }
0x1b: {  	s9 =	sadd.s32 $0xFFFFFEF7, lr;
	s5 =	simm.s32 $0xFFFFFFFF;
	p2 =	slt.u32 s8, $0xFFFFF086  }
0x1c: {  	p1 =	slt.u32 s9, $0xF7A;
	s5 =	simm.s32 @!p2 $0x0  }
0x1d: {  	s5 =	simm.s32 @p1 $0x1;
	p0 =	seq.s32 s7, s2  }
0x1e: {  	s7 =	smul.u32 @!p0 $0xF7A, s2;
	p2 =	seq.s32 @!p0 s5, $0x0  }
0x1f: {  	s9 =	smul.u32 $0xF7A, s1;
	s8 =	simm.s32 @!p0 $0x1BF5;
	p2 =	por !p2, p0  }
0x20: {  	[sflag:s8] =	ssyncset.s32 @!p0 $0xFFFFF086;
	s6 =	sadd.s32 @!p0 s3, s7;
	s7 =	simm.s32 @!p0 $0x108  }
0x21: {  	s3 =	sadd.s32 s3, s9;
	s6 =	sadd.s32 @!p0 $0x88, s6;
	s7 =	simm.s32 @p2 $0x1082  }
0x22: {  	[simem:s7], [sflag:s8] =	dma.local @!p0 [hbm:s6], $0xF7A  }
0x23: {  	s9 =	sor.u32 $0xD0000000, s2;
	s6 =	simm.s32 $0x108;
	_ =	swait.ge @!p0 [sflag:s8], $0x0  }
0x24: {  	s3 =	sadd.s32 $0x88, s3;
	s6 =	simm.s32 @!p1 $0x1082;
	[sflag:s4] =	ssyncset.s32 $0xFFFFF086  }
0x25: {  	[simem:s6], [sflag:s4] =	dma.local [hbm:s3], $0xF7A  }
0x26: {  	[smem:$0x3F8F] =	sst s1;
	(tag) =	ssettag s2;
	_ =	strace s9  }
0x27: {  	s1 =	sld [smem:$0x3F9F]  }
0x28: {  	s2 =	sld [smem:$0x3FA0]  }
0x29: {  	s4 =	sld [smem:$0x3FA2]  }
0x2a: {  	p0 =	seq.s32 s5, $0x0;
	s5 =	sld [smem:$0x3FA3]  }
0x2b: {  	s6 =	sld [smem:$0x3FA4]  }
0x2c: {  	s7 =	sld [smem:$0x3FA5]  }
0x2d: {  	s3 =	simm.s32 $0x108;
	s8 =	sld [smem:$0x3FA6]  }
0x2e: {  	s3 =	simm.s32 @!p0 $0x1082;
	s9 =	sld [smem:$0x3FA7]  }
0x2f: {  	lr =	sadd.s32 s0, s3;
	s0 =	sld [smem:$0x3F9E]  }
0x30: {  	s3 =	sld [smem:$0x3FA1]  }
0x31: {  	[smem:$0x3FAA] =	sst s10  }
0x32: {  	s10 =	sld [smem:$0x3FA8];
	_ =	sdelay $0x3  }
0x33: {  	p0 =	seq.s32 s10, $0x1;
	s10 =	sld [smem:$0x3FAA];
	_ =	sdelay $0x3  }
0x34: {  	[smem:$0x3FAA] =	sst s10  }
0x35: {  	s10 =	sld [smem:$0x3FA9];
	_ =	sdelay $0x3  }
0x36: {  	p1 =	seq.s32 s10, $0x1;
	s10 =	sld [smem:$0x3FAA];
	_ =	sdelay $0x3  }
0x37: {  	[smem:$0x3FAA] =	sst s10  }
0x38: {  	s10 =	sld [smem:$0x3FAB]  }
0x39: {  	_ = 	snop;
	(pc) =	sbr.ind lr, $3  }
0x3a: {  	_ = 	snop  }
0x3b: {  	_ = 	snop  }
0x3c: {  	p2 =	seq.s32 s10, $0x1;
	s10 =	sld [smem:$0x3FAA]  }
0x3d: {  	_ =	shalt  }
0x3e: {  	_ =	shalt  }
0x3f: {  	_ =	shalt  }
0x40: {  	_ =	shalt  }
0x41: {  	_ =	shalt  }
0x42: {  	_ =	shalt  }
0x43: {  	_ =	shalt  }
0x44: {  	_ =	shalt  }
0x45: {  	_ =	shalt  }
0x46: {  	_ =	shalt  }
0x47: {  	_ =	shalt  }
0x48: {  	_ =	shalt  }
0x49: {  	_ =	shalt  }
0x4a: {  	_ =	shalt  }
0x4b: {  	_ =	shalt  }
0x4c: {  	_ =	shalt  }
0x4d: {  	_ =	shalt  }
0x4e: {  	_ =	shalt  }
0x4f: {  	_ =	shalt  }
0x50: {  	_ =	shalt  }
0x51: {  	_ =	shalt  }
0x52: {  	_ =	shalt  }
0x53: {  	_ =	shalt  }
0x54: {  	_ =	shalt  }
0x55: {  	_ =	shalt  }
0x56: {  	_ =	shalt  }
0x57: {  	_ =	shalt  }
0x58: {  	_ =	shalt  }
0x59: {  	_ =	shalt  }
0x5a: {  	_ =	shalt  }
0x5b: {  	_ =	shalt  }
0x5c: {  	_ =	shalt  }
0x5d: {  	_ =	shalt  }
0x5e: {  	_ =	shalt  }
0x5f: {  	_ =	shalt  }
0x60: {  	_ =	shalt  }
0x61: {  	_ =	shalt  }
0x62: {  	_ =	shalt  }
0x63: {  	_ =	shalt  }
0x64: {  	_ =	shalt  }
0x65: {  	_ =	shalt  }
0x66: {  	_ =	shalt  }
0x67: {  	_ =	shalt  }
0x68: {  	_ =	shalt  }
0x69: {  	_ =	shalt  }
0x6a: {  	_ =	shalt  }
0x6b: {  	_ =	shalt  }
0x6c: {  	_ =	shalt  }
0x6d: {  	_ =	shalt  }
0x6e: {  	_ =	shalt  }
0x6f: {  	_ =	shalt  }
0x70: {  	_ =	shalt  }
0x71: {  	_ =	shalt  }
0x72: {  	_ =	shalt  }
0x73: {  	_ =	shalt  }
0x74: {  	_ =	shalt  }
0x75: {  	_ =	shalt  }
0x76: {  	_ =	shalt  }
0x77: {  	_ =	shalt  }
0x78: {  	_ =	shalt  }
0x79: {  	_ =	shalt  }
0x7a: {  	_ =	shalt  }
0x7b: {  	_ =	shalt  }
0x7c: {  	_ =	shalt  }
0x7d: {  	_ =	shalt  }
0x7e: {  	_ =	shalt  }
0x7f: {  	_ =	shalt  }
0x80: {  	_ =	shalt  }
0x81: {  	_ =	shalt  }
0x82: {  	_ =	shalt  }
0x83: {  	_ =	shalt  }
0x84: {  	_ =	shalt  }
0x85: {  	_ =	shalt  }
0x86: {  	_ =	shalt  }
0x87: {  	_ =	shalt  }
.Lfunc_end0:
.L_simem_size_0:
called_computation.1_lowered:
.L_overlay_start_0:
0x88: {  	s2 =	sld [smem:$0x3FD9]  }
0x89: {  	s3 =	sld [smem:$0x3FFE];
	_ =	sdelay $0x1  }
0x8a: {  	s1 =	srdreg.scid  }
0x8b: {  	s0 =	sand.u32 $0x1, s1  }
0x8c: {  	s16 =	sshll.u32 s0, $0xA;
	s2 =	sadd.s32 s3, s2  }
0x8d: {  	s2 =	sadd.s32 s2, s16  }
0x8e: {  	[smem:$0x3FB6] =	sst s2  }
0x8f: {  	_ = 	snop  }
0x90: {  	(tm) =	ssettm $0x1  }
0x91: {  	s17 =	sld [smem:$0x3FFB];
	_ =	sdelay $0x3  }
0x92: {  	_ =	strace s17  }
0x93: {  	s2 =	sld [smem:$0x3FFC];
	_ =	sdelay $0x3  }
0x94: {  	_ =	strace s2  }
0x95: {  	s2 =	sld [smem:$0x3FFD];
	_ =	sdelay $0x3  }
0x96: {  	_ =	strace s2  }
0x97: {  	_ =	strace $0x8FFFFFFF  }
0x98: {  	s18 =	sld [smem:$0x3FDB];
	_ =	sdelay $0x1  }
0x99: {  	s19 =	simm.s32 $_scs_section_size  }
0x9a: {  	s4 =	simm.s32 $_size__tile_overlayer_lowered;
	s5 =	simm.s32 $_tile_overlayer_lowered  }
0x9b: {  	s22 =	simm.s32 $0x1BFF;
	s21 =	sshll.u32 s5, $0x1;
	s2 =	sadd.s32 s19, s18  }
0x9c: {  	s6 =	simm.s32 $0x0;
	s20 =	sshll.u32 s4, $0x1;
	s4 =	sadd.s32 s21, s2  }
0x9d: {  	[timem:s6], [sflag:s22] =	dma.local [hbm:s4], s20  }
0x9e: {  	_ =	swait.ge [sflag:s22], s20  }
0x9f: {  	s3 =	ssub.s32 $0x0, s20;
	[sflag:s22] =	ssyncset.done $0x0  }
0xa0: {  	[sflag:s22] =	ssyncadd.s32 s3;
	_ =	sdelay $0x1  }
0xa1: {  	s23 =	simm.s32 $0x1B8B  }
0xa2: {  	_ =	swait.ge [sflag:s23], $0x1  }
0xa3: {  	[sflag:s23] =	ssyncset.done $0x0  }
0xa4: {  	s25 =	simm.s32 $0x1B8E;
	s24 =	sld [smem:$0x3FFE];
	[sflag:s23] =	ssyncadd.s32 $0xFFFFFFFF  }
0xa5: {  	s26 =	simm.s32 $execute0_lowered;
	[smem:$0x3FD2] =	sst s25  }
0xa6: {  	s4 =	sshll.u32 s26, $0x1;
	_ =	strace $0x80000049;
	[dreg:$0x1] =	wrdreg $0xFFFFFFFF  }
0xa7: {  	s28 =	simm.s32 $_size_execute0_lowered;
	s2 =	sadd.s32 s2, s4;
	[dreg:$0x0] =	wrdreg $0x0  }
0xa8: {  	s4 =	sshll.u32 s28, $0x1;
	[dreg:$0x2] =	wrdreg s2  }
0xa9: {  	[dreg:$0x3] =	wrdreg s4  }
0xaa: {  	[dreg:$0x4] =	wrdreg $0xC0  }
0xab: {  	_ =	task [dreg:s6], $0x5FFFF  }
0xac: {  	[dreg:$0x1] =	wrdreg $0xFFFFFFFF  }
0xad: {  	[dreg:$0x0] =	wrdreg $0x60  }
0xae: {  	[dreg:$0x2] =	wrdreg s24  }
0xaf: {  	[dreg:$0x3] =	wrdreg $0x40800  }
0xb0: {  	[dreg:$0x4] =	wrdreg $0x9  }
0xb1: {  	_ =	task.clear_ibuf [dreg:s6], $0x5FFFF;
	_ =	strace $0x90000049  }
0xb2: {  	s29 =	simm.s32 $0x9;
	_ =	strace $0x8000004B  }
0xb3: {  	_ =	swait.ge [sflag:s29], $0x1  }
0xb4: {  	[sflag:s29] =	ssyncadd.s32 $0xFFFFFFFF  }
0xb5: {  	_ =	strace $0x9000004B  }
0xb6: {  	_ =	sfence  }
0xb7: {  	s30 =	sld [smem:$0x0];
	_ =	sdelay $0x2  }
0xb8: {  	s31 =	sshll.u32 s1, $0xD;
	s1 =	sshrl.u32 s1, $0x2  }
0xb9: {  	s3 =	sand.u32 $0x4000, s31;
	s1 =	sadd.s32 s1, s30  }
0xba: {  	s0 =	sor.u32 s3, s0;
	s1 =	sshll.u32 s1, $0x11  }
0xbb: {  	s0 =	sor.u32 s1, s0  }
0xbc: {  	s0 =	sadd.s32 $0x8F2B, s0  }
0xbd: {  	[sflag:s0] =	ssyncadd.remote.s32 $0x1  }
0xbe: {  	_ =	sfence.sel $0xFFFF  }
0xbf: {  	[dreg:$0x0] =	wrdreg $0xFFFFFFFF;
	(pc) =	sbr.abs _section_cstart, $3  }
0xc0: {  	[dreg:$0x1] =	wrdreg $0xFFFFFFFF  }
0xc1: {  	_ =	task.clear_ibuf [dreg:s6], $0x2FFFF;
	_ =	strace $0x9FFFFFFF  }
0xc2: {  	(tm) =	ssettm $0x7FFFFFFF  }
0xc3: {  	_ =	shalt  }
tec
execute0_lowered:
.L_overlay_start_1:
0x0: {  	(tag) =	ssettag $0x1  }
0x1: {  	s5 =	rddreg [dreg:$0x0]  }
0x2: {  	s1 =	rddreg [dreg:$0x1]  }
0x3: {  	s2 =	srdreg.scid;
	s0 =	rddreg [dreg:$0x2]  }
0x4: {  	s3 =	simm.s32 $0x0;
	s6 =	sand.u32 $0x1, s2;
	s2 =	stileid.u32  }
0x5: {  	[smem:$0x7FF] =	sst s3;
	s4 =	smul.u32 $0x140000, s6  }
0x6: {  	s7 =	sshll.u32 s2, $0xB;
	s8 =	smul.u32 $0x14000, s2;
	_ =	strace $0x8000004A  }
0x7: {  	s26 =	sshll.u32 s2, $0x4;
	s29 =	smul.u32 $0x50000, s2;
	s11 =	ssub.s32 $0x2, s6  }
0x8: {  	s31 =	sshll.u32 s2, $0x6;
	p0 =	seq.s32 s6, $0x1;
	s10 =	sadd.s32 s7, s5  }
0x9: {  	s9 =	sadd.s32 s26, s5;
	s30 =	sshrl.u32 s11, $0x1;
	s28 =	sadd.s32 s8, s4  }
.Ltmp0:
0xa: {  	s4 =	sadd.s32 $0x44800, s5;
	s8 =	sshrl.u32 s29, $0x2;
	(pc) =	sbr.rel .LBB2_1-.Ltmp0, $4  }
0xb: {  	s11 =	ssub.s32 s11, s30;
	s7 =	sshrl.u32 s28, $0x3;
	s12 =	sadd.s32 s8, s1  }
0xc: {  	s8 =	sadd.s32 $0x3AA00, s9;
	s9 =	sadd.s32 $0xA5AA00, s10;
	s7 =	sadd.s32 s7, s5  }
0xd: {  	s10 =	sadd.s32 $0xF3CA00, s10;
	s5 =	sor.u32 $0x1C01, s31;
	s6 =	sadd.s32 $0x92C00, s7  }
0xe: {  	s7 =	smax.u32 s11, $0x1;
	s11 =	sshrl.u32 s12, $0x3;
	s12 =	simm.s32 $0x1  }
.LBB2_7:
0xf: {  	s14 =	simm.s32 @!p2 $0x0;
	s17 =	simm.s32 @!p2 $0x2;
	[sflag:s16] =	ssyncadd.s32 @!p1 $0xFFFFC000  }
0x10: {  	[tilespmem:s14], [sflag:$0x2] =	stream.linear.gather @!p2 [hbm4b:s15+s14], $0x80, $0x38;
	[tilespmem:$0x18080] =	vst v63  }
0x11: {  	_ =	swait.ge @!p2 [sflag:s17], $0x80  }
0x12: {  	p1 =	por p2, p2;
	[sflag:s17] =	ssyncset.done @!p2 $0x0  }
0x13: {  	s15 =	simm.s32 @!p1 $0x80;
	[sflag:s17] =	ssyncadd.s32 @!p1 $0xFFFFFF80  }
0x14: {  	[tilespmem:s15], [sflag:$0x2] =	stream.linear.gather @!p1 [hbm4b:s13+s14], $0x4000, $0x38;
	[tilespmem:$0x18080] =	vst v63  }
0x15: {  	_ =	swait.ge @!p1 [sflag:s17], $0x4000  }
0x16: {  	[sflag:s17] =	ssyncset.done @!p1 $0x0  }
0x17: {  	s13 =	simm.s32 @!p1 $0x1;
	[sflag:s17] =	ssyncadd.s32 @!p1 $0xFFFFC000  }
0x18: {  	[spmem:s1] =	stream.indirect.scatter.add.f32 @!p1 [tilespmem:s15], [sflag:$0x1], $0x80, s14, s15, $0xb8;
	[tilespmem:$0x18080] =	vst v63  }
0x19: {  	_ =	swait.ge @!p1 [sflag:s13], $0x4000  }
0x1a: {  	[sflag:s13] =	ssyncset.done @!p1 $0x0  }
0x1b: {  	[sflag:s13] =	ssyncadd.s32 @!p1 $0xFFFFC000  }
.LBB2_8:
0x1c: {  	s3 =	sadd.s32 $0x1, s3  }
0x1d: {  	p1 =	sne.s32 s3, s7  }
.Ltmp1:
0x1e: {  	[bflag:$0x0] =	sbarrier.arrive $0xFFFF;
	(pc) =	sbr.rel @!p1 .LBB2_9-.Ltmp1, $4  }
0x1f: {  	[hbm:s6], [sflag:s5] =	dma.local [spmem:s11], $0x2800  }
0x20: {  	_ =	swait.ge [sflag:s12], $0x2800  }
0x21: {  	[sflag:s12] =	ssyncset.done $0x0  }
0x22: {  	[sflag:s12] =	ssyncadd.s32 $0xFFFFD800  }
.LBB2_1:
0x23: {  	[spmem:s11], [sflag:s5] =	dma.local [hbm:s4], $0x2800  }
.Ltmp2:
0x24: {  	_ =	swait.ge [sflag:s12], $0x2800;
	(pc) =	sbr.rel @!p0 .LBB2_2-.Ltmp2, $4  }
0x25: {  	[sflag:s12] =	ssyncset.done $0x0  }
0x26: {  	[sflag:s12] =	ssyncadd.s32 $0xFFFFD800  }
0x27: {  	s13 =	sadd.s32 $0x0, s2;
	[bflag:$0x0] =	sbarrier.arrive $0xFFFF  }
0x28: {  	p1 =	sgt.u32 s13, $0x9C3  }
0x29: {  	s13 =	simm.s32 @!p1 $0x0;
	s15 =	simm.s32 @!p1 $0x2  }
0x2a: {  	[tilespmem:s13], [sflag:$0x2] =	stream.linear.gather @!p1 [hbm4b:s8+s13], $0x80, $0x38;
	[tilespmem:$0x18080] =	vst v63  }
0x2b: {  	_ =	swait.ge @!p1 [sflag:s15], $0x80  }
0x2c: {  	[sflag:s15] =	ssyncset.done @!p1 $0x0;
	p1 =	por p1, p1  }
0x2d: {  	[sflag:s15] =	ssyncadd.s32 @!p1 $0xFFFFFF80;
	s17 =	simm.s32 @!p1 $0x80  }
0x2e: {  	[tilespmem:s17], [sflag:$0x2] =	stream.linear.gather @!p1 [hbm4b:s10+s13], $0x4000, $0x38;
	[tilespmem:$0x18080] =	vst v63  }
0x2f: {  	_ =	swait.ge @!p1 [sflag:s15], $0x4000  }
0x30: {  	[sflag:s15] =	ssyncset.done @!p1 $0x0  }
0x31: {  	s31 =	sadd.s32 $0x10, s2;
	s16 =	simm.s32 @!p1 $0x1;
	[sflag:s15] =	ssyncadd.s32 @!p1 $0xFFFFC000  }
0x32: {  	[spmem:s1] =	stream.indirect.scatter.add.f32 @!p1 [tilespmem:s17], [sflag:$0x1], $0x80, s13, s17, $0xb8;
	[tilespmem:$0x18080] =	vst v63  }
0x33: {  	s14 =	simm.s32 $0x20;
	p2 =	sgt.u32 s31, $0x9C3;
	_ =	swait.ge @!p1 [sflag:s16], $0x4000  }
0x34: {  	s15 =	sadd.s32 $0x100, s8;
	s13 =	sadd.s32 $0x8000, s10;
	[sflag:s16] =	ssyncset.done @!p1 $0x0  }
.LBB2_6:
0x35: {  	s17 =	simm.s32 @!p2 $0x0;
	s18 =	simm.s32 @!p2 $0x2;
	[sflag:s16] =	ssyncadd.s32 @!p1 $0xFFFFC000  }
0x36: {  	[tilespmem:s17], [sflag:$0x2] =	stream.linear.gather @!p2 [hbm4b:s15+s17], $0x80, $0x38;
	[tilespmem:$0x18080] =	vst v63  }
0x37: {  	s19 =	smov.u32 s14;
	s14 =	sadd.s32 $0x10, s14;
	_ =	swait.ge @!p2 [sflag:s18], $0x80  }
0x38: {  	p1 =	por p2, p2;
	p3 =	sne.s32 s14, $0x9D0;
	[sflag:s18] =	ssyncset.done @!p2 $0x0  }
0x39: {  	s20 =	simm.s32 @!p1 $0x80;
	[sflag:s18] =	ssyncadd.s32 @!p1 $0xFFFFFF80  }
0x3a: {  	[tilespmem:s20], [sflag:$0x2] =	stream.linear.gather @!p1 [hbm4b:s13+s17], $0x4000, $0x38;
	[tilespmem:$0x18080] =	vst v63  }
0x3b: {  	_ =	swait.ge @!p1 [sflag:s18], $0x4000  }
.Ltmp3:
0x3c: {  	[sflag:s18] =	ssyncset.done @!p1 $0x0;
	(pc) =	sbr.rel @p3 .LBB2_6-.Ltmp3, $4  }
0x3d: {  	s16 =	simm.s32 @!p1 $0x1;
	[sflag:s18] =	ssyncadd.s32 @!p1 $0xFFFFC000  }
0x3e: {  	[spmem:s1] =	stream.indirect.scatter.add.f32 @!p1 [tilespmem:s20], [sflag:$0x1], $0x80, s17, s20, $0xb8;
	[tilespmem:$0x18080] =	vst v63  }
0x3f: {  	s13 =	sadd.s32 $0x8000, s13;
	s17 =	sadd.s32 s19, s2;
	_ =	swait.ge @!p1 [sflag:s16], $0x4000  }
0x40: {  	s15 =	sadd.s32 $0x100, s15;
	p2 =	sgt.u32 s17, $0x9C3;
	[sflag:s16] =	ssyncset.done @!p1 $0x0  }
.Ltmp4:
0x41: {  	_ = 	snop;
	(pc) =	sbr.rel .LBB2_7-.Ltmp4, $1  }
0x42: {  	_ =	sdelay $0x3  }
.LBB2_2:
0x43: {  	s13 =	simm.s32 @!p1 $0x0;
	s15 =	simm.s32 @!p1 $0x2  }
0x44: {  	[tilespmem:s13], [sflag:$0x2] =	stream.linear.gather @!p1 [hbm4b:s8+s13], $0x80, $0x38;
	[tilespmem:$0x18080] =	vst v63  }
0x45: {  	_ =	swait.ge @!p1 [sflag:s15], $0x80  }
0x46: {  	[sflag:s15] =	ssyncset.done @!p1 $0x0;
	p1 =	por p1, p1  }
0x47: {  	[sflag:s15] =	ssyncadd.s32 @!p1 $0xFFFFFF80;
	s17 =	simm.s32 @!p1 $0x80  }
0x48: {  	[tilespmem:s17], [sflag:$0x2] =	stream.linear.gather @!p1 [hbm4b:s9+s13], $0x4000, $0x38;
	[tilespmem:$0x18080] =	vst v63  }
0x49: {  	_ =	swait.ge @!p1 [sflag:s15], $0x4000  }
0x4a: {  	[sflag:s15] =	ssyncset.done @!p1 $0x0  }
0x4b: {  	s31 =	sadd.s32 $0x10, s2;
	s16 =	simm.s32 @!p1 $0x1;
	[sflag:s15] =	ssyncadd.s32 @!p1 $0xFFFFC000  }
0x4c: {  	[spmem:s1] =	stream.indirect.scatter.add.f32 @!p1 [tilespmem:s17], [sflag:$0x1], $0x80, s13, s17, $0xb8;
	[tilespmem:$0x18080] =	vst v63  }
0x4d: {  	s14 =	simm.s32 $0x20;
	p2 =	sgt.u32 s31, $0x9C3;
	_ =	swait.ge @!p1 [sflag:s16], $0x4000  }
0x4e: {  	s15 =	sadd.s32 $0x100, s8;
	s13 =	sadd.s32 $0x8000, s9;
	[sflag:s16] =	ssyncset.done @!p1 $0x0  }
.LBB2_3:
0x4f: {  	s17 =	simm.s32 @!p2 $0x0;
	s18 =	simm.s32 @!p2 $0x2;
	[sflag:s16] =	ssyncadd.s32 @!p1 $0xFFFFC000  }
0x50: {  	[tilespmem:s17], [sflag:$0x2] =	stream.linear.gather @!p2 [hbm4b:s15+s17], $0x80, $0x38;
	[tilespmem:$0x18080] =	vst v63  }
0x51: {  	s19 =	smov.u32 s14;
	s14 =	sadd.s32 $0x10, s14;
	_ =	swait.ge @!p2 [sflag:s18], $0x80  }
0x52: {  	p1 =	por p2, p2;
	p3 =	seq.s32 s14, $0x9D0;
	[sflag:s18] =	ssyncset.done @!p2 $0x0  }
0x53: {  	s20 =	simm.s32 @!p1 $0x80;
	[sflag:s18] =	ssyncadd.s32 @!p1 $0xFFFFFF80  }
0x54: {  	[tilespmem:s20], [sflag:$0x2] =	stream.linear.gather @!p1 [hbm4b:s13+s17], $0x4000, $0x38;
	[tilespmem:$0x18080] =	vst v63  }
0x55: {  	_ =	swait.ge @!p1 [sflag:s18], $0x4000  }
.Ltmp5:
0x56: {  	[sflag:s18] =	ssyncset.done @!p1 $0x0;
	(pc) =	sbr.rel @!p3 .LBB2_3-.Ltmp5, $4  }
0x57: {  	s16 =	simm.s32 @!p1 $0x1;
	[sflag:s18] =	ssyncadd.s32 @!p1 $0xFFFFC000  }
0x58: {  	[spmem:s1] =	stream.indirect.scatter.add.f32 @!p1 [tilespmem:s20], [sflag:$0x1], $0x80, s17, s20, $0xb8;
	[tilespmem:$0x18080] =	vst v63  }
0x59: {  	s13 =	sadd.s32 $0x8000, s13;
	s17 =	sadd.s32 s19, s2;
	_ =	swait.ge @!p1 [sflag:s16], $0x4000  }
0x5a: {  	s15 =	sadd.s32 $0x100, s15;
	p2 =	sgt.u32 s17, $0x9C3;
	[sflag:s16] =	ssyncset.done @!p1 $0x0  }
0x5b: {  	s14 =	simm.s32 @!p2 $0x0;
	s17 =	simm.s32 @!p2 $0x2;
	[sflag:s16] =	ssyncadd.s32 @!p1 $0xFFFFC000  }
0x5c: {  	[tilespmem:s14], [sflag:$0x2] =	stream.linear.gather @!p2 [hbm4b:s15+s14], $0x80, $0x38;
	[tilespmem:$0x18080] =	vst v63  }
0x5d: {  	_ =	swait.ge @!p2 [sflag:s17], $0x80  }
0x5e: {  	p1 =	por p2, p2;
	[sflag:s17] =	ssyncset.done @!p2 $0x0  }
0x5f: {  	s15 =	simm.s32 @!p1 $0x80;
	[sflag:s17] =	ssyncadd.s32 @!p1 $0xFFFFFF80  }
0x60: {  	[tilespmem:s15], [sflag:$0x2] =	stream.linear.gather @!p1 [hbm4b:s13+s14], $0x4000, $0x38;
	[tilespmem:$0x18080] =	vst v63  }
0x61: {  	_ =	swait.ge @!p1 [sflag:s17], $0x4000  }
0x62: {  	[sflag:s17] =	ssyncset.done @!p1 $0x0  }
.Ltmp6:
0x63: {  	s13 =	simm.s32 @!p1 $0x1;
	[sflag:s17] =	ssyncadd.s32 @!p1 $0xFFFFC000;
	(pc) =	sbr.rel .LBB2_8-.Ltmp6, $4  }
0x64: {  	[spmem:s1] =	stream.indirect.scatter.add.f32 @!p1 [tilespmem:s15], [sflag:$0x1], $0x80, s14, s15, $0xb8;
	[tilespmem:$0x18080] =	vst v63  }
0x65: {  	_ =	swait.ge @!p1 [sflag:s13], $0x4000  }
0x66: {  	[sflag:s13] =	ssyncset.done @!p1 $0x0  }
0x67: {  	[sflag:s13] =	ssyncadd.s32 @!p1 $0xFFFFC000  }
.LBB2_9:
0x68: {  	_ =	sfence.sel $0x180000  }
0x69: {  	[bflag:$0x0] =	sbarrier.arrive $0xFFFF  }
0x6a: {  	p0 =	sne.s32 s2, $0x0;
	_ =	strace $0x9000004A  }
0x6b: {  	s0 =	sadd.s32 @!p0 $0x100000, s0;
	[bflag:$0x2] =	sbarrier.arrive $0xFFFF  }
0x6c: {  	[sflag:s0] =	ssyncadd.tile.s32 @!p0 $0x1;
	_ =	shalt  }
.Lfunc_end2:
_tile_overlayer_lowered:
.L_overlay_start_2:
0x6d: {  	(tag) =	ssettag $0x2  }
0x6e: {  	s0 =	rddreg [dreg:$0x0];
	s2 =	stileid.u32  }
0x6f: {  	s1 =	rddreg [dreg:$0x1];
	p0 =	sne.s32 s2, $0x0  }
0x70: {  	s3 =	rddreg [dreg:$0x2];
	[bflag:$0x3] =	sbarrier.arrive $0xFFFF;
	s2 =	simm.s32 @!p0 $0x1C01  }
0x71: {  	[timem:s3], [sflag:s2] =	dma.local @!p0 [hbm:s0], s1  }
0x72: {  	s0 =	simm.s32 @!p0 $0x1  }
0x73: {  	_ =	swait.ge @!p0 [sflag:s0], s1  }
0x74: {  	s1 =	ssub.s32 @!p0 $0x0, s1;
	[sflag:s0] =	ssyncset.done @!p0 $0x0  }
0x75: {  	[sflag:s0] =	ssyncadd.s32 @!p0 s1  }
0x76: {  	[bflag:$0x3] =	sbarrier.arrive $0xFFFF  }
0x77: {  	_ =	shalt  }

// kernel: kernel.22.cloned.1.call-start
scs
__scs_entry_jumppad:
0x0: {  	(pc) =	sbr.rel $0x88, $3  }
0x1: {  	(tag) =	ssettag $0x0;
	lr =	simm.s32 $0x1  }
0x2: {  	[smem:$0x3F8F] =	sst lr;
	_ =	strace $0xD0000000  }
0x3: {  	_ = 	snop  }
0x4: {  	_ = 	snop  }
0x5: {  	_ = 	snop  }
0x6: {  	_ = 	snop  }
0x7: {  	_ = 	snop  }
__scs_overlays_trampoline_lowered:
0x8: {  	[smem:$0x3F9E] =	sst s0  }
0x9: {  	[smem:$0x3F9F] =	sst s1  }
0xa: {  	[smem:$0x3FA0] =	sst s2  }
0xb: {  	[smem:$0x3FA1] =	sst s3  }
0xc: {  	[smem:$0x3FA2] =	sst s4  }
0xd: {  	[smem:$0x3FA3] =	sst s5  }
0xe: {  	[smem:$0x3FA4] =	sst s6  }
0xf: {  	[smem:$0x3FA5] =	sst s7  }
0x10: {  	[smem:$0x3FA6] =	sst s8  }
0x11: {  	[smem:$0x3FA7] =	sst s9;
	s0 =	simm.s32 @!p0 $0x0  }
0x12: {  	s1 =	sld [smem:$0x3F8D];
	s0 =	simm.s32 @p0 $0x1  }
0x13: {  	[smem:$0x3FA8] =	sst s0;
	s0 =	simm.s32 @!p1 $0x0  }
0x14: {  	s2 =	sld [smem:$0x3F8C];
	s0 =	simm.s32 @p1 $0x1  }
0x15: {  	[smem:$0x3FA9] =	sst s0;
	s0 =	simm.s32 @!p2 $0x0  }
0x16: {  	s3 =	sld [smem:$0x3FDB];
	s0 =	simm.s32 @p2 $0x1  }
0x17: {  	s4 =	simm.s32 $0x1BF5;
	[smem:$0x3FAB] =	sst s0  }
0x18: {  	s0 =	sld [smem:$0x3F8E];
	_ =	swait.ge [sflag:s4], $0x0  }
0x19: {  	s7 =	sld [smem:$0x3F8F]  }
0x1a: {  	s8 =	sadd.s32 $0xFFFFE003, lr  }
0x1b: {  	s9 =	sadd.s32 $0xFFFFFEF7, lr;
	s5 =	simm.s32 $0xFFFFFFFF;
	p2 =	slt.u32 s8, $0xFFFFF086  }
0x1c: {  	p1 =	slt.u32 s9, $0xF7A;
	s5 =	simm.s32 @!p2 $0x0  }
0x1d: {  	s5 =	simm.s32 @p1 $0x1;
	p0 =	seq.s32 s7, s2  }
0x1e: {  	s7 =	smul.u32 @!p0 $0xF7A, s2;
	p2 =	seq.s32 @!p0 s5, $0x0  }
0x1f: {  	s9 =	smul.u32 $0xF7A, s1;
	s8 =	simm.s32 @!p0 $0x1BF5;
	p2 =	por !p2, p0  }
0x20: {  	[sflag:s8] =	ssyncset.s32 @!p0 $0xFFFFF086;
	s6 =	sadd.s32 @!p0 s3, s7;
	s7 =	simm.s32 @!p0 $0x108  }
0x21: {  	s3 =	sadd.s32 s3, s9;
	s6 =	sadd.s32 @!p0 $0x88, s6;
	s7 =	simm.s32 @p2 $0x1082  }
0x22: {  	[simem:s7], [sflag:s8] =	dma.local @!p0 [hbm:s6], $0xF7A  }
0x23: {  	s9 =	sor.u32 $0xD0000000, s2;
	s6 =	simm.s32 $0x108;
	_ =	swait.ge @!p0 [sflag:s8], $0x0  }
0x24: {  	s3 =	sadd.s32 $0x88, s3;
	s6 =	simm.s32 @!p1 $0x1082;
	[sflag:s4] =	ssyncset.s32 $0xFFFFF086  }
0x25: {  	[simem:s6], [sflag:s4] =	dma.local [hbm:s3], $0xF7A  }
0x26: {  	[smem:$0x3F8F] =	sst s1;
	(tag) =	ssettag s2;
	_ =	strace s9  }
0x27: {  	s1 =	sld [smem:$0x3F9F]  }
0x28: {  	s2 =	sld [smem:$0x3FA0]  }
0x29: {  	s4 =	sld [smem:$0x3FA2]  }
0x2a: {  	p0 =	seq.s32 s5, $0x0;
	s5 =	sld [smem:$0x3FA3]  }
0x2b: {  	s6 =	sld [smem:$0x3FA4]  }
0x2c: {  	s7 =	sld [smem:$0x3FA5]  }
0x2d: {  	s3 =	simm.s32 $0x108;
	s8 =	sld [smem:$0x3FA6]  }
0x2e: {  	s3 =	simm.s32 @!p0 $0x1082;
	s9 =	sld [smem:$0x3FA7]  }
0x2f: {  	lr =	sadd.s32 s0, s3;
	s0 =	sld [smem:$0x3F9E]  }
0x30: {  	s3 =	sld [smem:$0x3FA1]  }
0x31: {  	[smem:$0x3FAA] =	sst s10  }
0x32: {  	s10 =	sld [smem:$0x3FA8];
	_ =	sdelay $0x3  }
0x33: {  	p0 =	seq.s32 s10, $0x1;
	s10 =	sld [smem:$0x3FAA];
	_ =	sdelay $0x3  }
0x34: {  	[smem:$0x3FAA] =	sst s10  }
0x35: {  	s10 =	sld [smem:$0x3FA9];
	_ =	sdelay $0x3  }
0x36: {  	p1 =	seq.s32 s10, $0x1;
	s10 =	sld [smem:$0x3FAA];
	_ =	sdelay $0x3  }
0x37: {  	[smem:$0x3FAA] =	sst s10  }
0x38: {  	s10 =	sld [smem:$0x3FAB]  }
0x39: {  	_ = 	snop;
	(pc) =	sbr.ind lr, $3  }
0x3a: {  	_ = 	snop  }
0x3b: {  	_ = 	snop  }
0x3c: {  	p2 =	seq.s32 s10, $0x1;
	s10 =	sld [smem:$0x3FAA]  }
0x3d: {  	_ =	shalt  }
0x3e: {  	_ =	shalt  }
0x3f: {  	_ =	shalt  }
0x40: {  	_ =	shalt  }
0x41: {  	_ =	shalt  }
0x42: {  	_ =	shalt  }
0x43: {  	_ =	shalt  }
0x44: {  	_ =	shalt  }
0x45: {  	_ =	shalt  }
0x46: {  	_ =	shalt  }
0x47: {  	_ =	shalt  }
0x48: {  	_ =	shalt  }
0x49: {  	_ =	shalt  }
0x4a: {  	_ =	shalt  }
0x4b: {  	_ =	shalt  }
0x4c: {  	_ =	shalt  }
0x4d: {  	_ =	shalt  }
0x4e: {  	_ =	shalt  }
0x4f: {  	_ =	shalt  }
0x50: {  	_ =	shalt  }
0x51: {  	_ =	shalt  }
0x52: {  	_ =	shalt  }
0x53: {  	_ =	shalt  }
0x54: {  	_ =	shalt  }
0x55: {  	_ =	shalt  }
0x56: {  	_ =	shalt  }
0x57: {  	_ =	shalt  }
0x58: {  	_ =	shalt  }
0x59: {  	_ =	shalt  }
0x5a: {  	_ =	shalt  }
0x5b: {  	_ =	shalt  }
0x5c: {  	_ =	shalt  }
0x5d: {  	_ =	shalt  }
0x5e: {  	_ =	shalt  }
0x5f: {  	_ =	shalt  }
0x60: {  	_ =	shalt  }
0x61: {  	_ =	shalt  }
0x62: {  	_ =	shalt  }
0x63: {  	_ =	shalt  }
0x64: {  	_ =	shalt  }
0x65: {  	_ =	shalt  }
0x66: {  	_ =	shalt  }
0x67: {  	_ =	shalt  }
0x68: {  	_ =	shalt  }
0x69: {  	_ =	shalt  }
0x6a: {  	_ =	shalt  }
0x6b: {  	_ =	shalt  }
0x6c: {  	_ =	shalt  }
0x6d: {  	_ =	shalt  }
0x6e: {  	_ =	shalt  }
0x6f: {  	_ =	shalt  }
0x70: {  	_ =	shalt  }
0x71: {  	_ =	shalt  }
0x72: {  	_ =	shalt  }
0x73: {  	_ =	shalt  }
0x74: {  	_ =	shalt  }
0x75: {  	_ =	shalt  }
0x76: {  	_ =	shalt  }
0x77: {  	_ =	shalt  }
0x78: {  	_ =	shalt  }
0x79: {  	_ =	shalt  }
0x7a: {  	_ =	shalt  }
0x7b: {  	_ =	shalt  }
0x7c: {  	_ =	shalt  }
0x7d: {  	_ =	shalt  }
0x7e: {  	_ =	shalt  }
0x7f: {  	_ =	shalt  }
0x80: {  	_ =	shalt  }
0x81: {  	_ =	shalt  }
0x82: {  	_ =	shalt  }
0x83: {  	_ =	shalt  }
0x84: {  	_ =	shalt  }
0x85: {  	_ =	shalt  }
0x86: {  	_ =	shalt  }
0x87: {  	_ =	shalt  }
.Lfunc_end0:
.L_simem_size_0:
called_computation.2_lowered:
.L_overlay_start_0:
0x88: {  	s2 =	sld [smem:$0x3FD9]  }
0x89: {  	s3 =	sld [smem:$0x3FFE];
	_ =	sdelay $0x1  }
0x8a: {  	s1 =	srdreg.scid  }
0x8b: {  	s0 =	sand.u32 $0x1, s1  }
0x8c: {  	s16 =	sshll.u32 s0, $0xA;
	s2 =	sadd.s32 s3, s2  }
0x8d: {  	s2 =	sadd.s32 s2, s16  }
0x8e: {  	[smem:$0x3FB6] =	sst s2  }
0x8f: {  	_ = 	snop  }
0x90: {  	(tm) =	ssettm $0x1  }
0x91: {  	s17 =	sld [smem:$0x3FFB];
	_ =	sdelay $0x3  }
0x92: {  	_ =	strace s17  }
0x93: {  	s2 =	sld [smem:$0x3FFC];
	_ =	sdelay $0x3  }
0x94: {  	_ =	strace s2  }
0x95: {  	s2 =	sld [smem:$0x3FFD];
	_ =	sdelay $0x3  }
0x96: {  	_ =	strace s2  }
0x97: {  	_ =	strace $0x8FFFFFFF  }
0x98: {  	s18 =	sld [smem:$0x3FDB];
	_ =	sdelay $0x1  }
0x99: {  	s19 =	simm.s32 $_scs_section_size  }
0x9a: {  	s4 =	simm.s32 $_size__tile_overlayer_lowered;
	s5 =	simm.s32 $_tile_overlayer_lowered  }
0x9b: {  	s22 =	simm.s32 $0x1BFF;
	s21 =	sshll.u32 s5, $0x1;
	s2 =	sadd.s32 s19, s18  }
0x9c: {  	s6 =	simm.s32 $0x0;
	s20 =	sshll.u32 s4, $0x1;
	s4 =	sadd.s32 s21, s2  }
0x9d: {  	[timem:s6], [sflag:s22] =	dma.local [hbm:s4], s20  }
0x9e: {  	_ =	swait.ge [sflag:s22], s20  }
0x9f: {  	s3 =	ssub.s32 $0x0, s20;
	[sflag:s22] =	ssyncset.done $0x0  }
0xa0: {  	[sflag:s22] =	ssyncadd.s32 s3;
	_ =	sdelay $0x1  }
0xa1: {  	s23 =	simm.s32 $0x1B8B  }
0xa2: {  	_ =	swait.ge [sflag:s23], $0x1  }
0xa3: {  	[sflag:s23] =	ssyncset.done $0x0  }
0xa4: {  	s25 =	simm.s32 $0x1B8E;
	s24 =	sld [smem:$0x3FFE];
	[sflag:s23] =	ssyncadd.s32 $0xFFFFFFFF  }
0xa5: {  	s26 =	simm.s32 $execute0_lowered;
	[smem:$0x3FD2] =	sst s25  }
0xa6: {  	s4 =	sshll.u32 s26, $0x1;
	_ =	strace $0x8000004C;
	[dreg:$0x1] =	wrdreg $0xFFFFFFFF  }
0xa7: {  	s28 =	simm.s32 $_size_execute0_lowered;
	s2 =	sadd.s32 s2, s4;
	[dreg:$0x0] =	wrdreg $0x0  }
0xa8: {  	s4 =	sshll.u32 s28, $0x1;
	[dreg:$0x2] =	wrdreg s2  }
0xa9: {  	[dreg:$0x3] =	wrdreg s4  }
0xaa: {  	[dreg:$0x4] =	wrdreg $0xC0  }
0xab: {  	_ =	task [dreg:s6], $0x5FFFF  }
0xac: {  	[dreg:$0x1] =	wrdreg $0xFFFFFFFF  }
0xad: {  	[dreg:$0x0] =	wrdreg $0x60  }
0xae: {  	[dreg:$0x2] =	wrdreg s24  }
0xaf: {  	[dreg:$0x3] =	wrdreg $0x9  }
0xb0: {  	_ =	task.clear_ibuf [dreg:s6], $0x4FFFF;
	_ =	strace $0x9000004C  }
0xb1: {  	s29 =	simm.s32 $0x9;
	_ =	strace $0x8000004E  }
0xb2: {  	_ =	swait.ge [sflag:s29], $0x1  }
0xb3: {  	[sflag:s29] =	ssyncadd.s32 $0xFFFFFFFF  }
0xb4: {  	_ =	strace $0x9000004E  }
0xb5: {  	_ =	sfence  }
0xb6: {  	s30 =	sld [smem:$0x0];
	_ =	sdelay $0x2  }
0xb7: {  	s31 =	sshll.u32 s1, $0xD;
	s1 =	sshrl.u32 s1, $0x2  }
0xb8: {  	s3 =	sand.u32 $0x4000, s31;
	s1 =	sadd.s32 s1, s30  }
0xb9: {  	s0 =	sor.u32 s3, s0;
	s1 =	sshll.u32 s1, $0x11  }
0xba: {  	s0 =	sor.u32 s1, s0  }
0xbb: {  	s0 =	sadd.s32 $0x8F2B, s0  }
0xbc: {  	[sflag:s0] =	ssyncadd.remote.s32 $0x1  }
0xbd: {  	_ =	sfence.sel $0xFFFF  }
0xbe: {  	[dreg:$0x0] =	wrdreg $0xFFFFFFFF;
	(pc) =	sbr.abs _section_cstart, $3  }
0xbf: {  	[dreg:$0x1] =	wrdreg $0xFFFFFFFF  }
0xc0: {  	_ =	task.clear_ibuf [dreg:s6], $0x2FFFF;
	_ =	strace $0x9FFFFFFF  }
0xc1: {  	(tm) =	ssettm $0x7FFFFFFF  }
tec
execute0_lowered:
.L_overlay_start_1:
0x0: {  	(tag) =	ssettag $0x1  }
0x1: {  	s4 =	rddreg [dreg:$0x0]  }
0x2: {  	s0 =	rddreg [dreg:$0x1]  }
0x3: {  	s2 =	simm.s32 $0x0;
	s3 =	srdreg.scid;
	s1 =	stileid.u32  }
0x4: {  	[smem:$0x7FF] =	sst s2;
	s5 =	sand.u32 $0x1, s3;
	s3 =	sadd.s32 $0x9A00, s4  }
0x5: {  	s6 =	sshll.u32 s1, $0x5;
	s8 =	sshll.u32 s1, $0xC;
	_ =	strace $0x8000004D  }
0x6: {  	s7 =	ssub.s32 $0x2, s5;
	s6 =	sadd.s32 s6, s4;
	s8 =	sadd.s32 s8, s4  }
0x7: {  	s31 =	sshll.u32 s5, $0x4;
	s10 =	sshll.u32 s5, $0xB;
	s9 =	sshrl.u32 s7, $0x1  }
0x8: {  	s4 =	sshll.u32 s1, $0x1;
	s10 =	sadd.s32 s10, s8;
	s7 =	ssub.s32 s7, s9  }
0x9: {  	s9 =	sadd.s32 s31, s6;
	s8 =	sadd.s32 $0xA5AA00, s10;
	s5 =	smax.u32 s7, $0x1  }
0xa: {  	s6 =	sadd.s32 $0x3AA00, s9;
	s7 =	sadd.s32 $0x30C00, s9;
	s9 =	sadd.s32 $0x97800, s10  }
.LBB2_1:
0xb: {  	p0 =	sgt.u32 s4, $0x9C3  }
0xc: {  	s10 =	sadd.s32 @!p0 $0x0, s7;
	s12 =	simm.s32 @!p0 $0x0;
	s11 =	simm.s32 @!p0 $0x3  }
0xd: {  	[tilespmem:s12], [sflag:$0x3] =	stream.linear.gather @!p0 [hbm4b:s10+s12], $0x80, $0x38;
	[tilespmem:$0x4080] =	vst v63  }
0xe: {  	_ =	swait.ge @!p0 [sflag:s11], $0x80;
	p0 =	por p0, p0  }
0xf: {  	[sflag:s11] =	ssyncset.done @!p0 $0x0  }
0x10: {  	s10 =	simm.s32 @!p0 $0x80;
	s14 =	simm.s32 @!p0 $0x1;
	[sflag:s11] =	ssyncadd.s32 @!p0 $0xFFFFFF80  }
0x11: {  	[tilespmem:s10], [sflag:$0x1] =	stream.indirect.gather @!p0 [hbm4b:s3+s10], $0x80, s12, s10, $0xb8;
	[tilespmem:$0x4080] =	vst v63  }
0x12: {  	_ =	swait.ge @!p0 [sflag:s14], $0x4000  }
0x13: {  	[sflag:s14] =	ssyncset.done @!p0 $0x0  }
0x14: {  	[sflag:s14] =	ssyncadd.s32 @!p0 $0xFFFFC000  }
0x15: {  	[hbm4b:s9+s12] =	stream.linear.scatter @!p0 [tilespmem:s10], [sflag:$0x3], $0x4000, $0x38;
	[tilespmem:$0x4080] =	vst v63  }
0x16: {  	_ =	swait.ge @!p0 [sflag:s11], $0x4000  }
0x17: {  	[sflag:s11] =	ssyncset.done @!p0 $0x0  }
0x18: {  	s13 =	sadd.s32 @!p0 $0x0, s6;
	[sflag:s11] =	ssyncadd.s32 @!p0 $0xFFFFC000  }
0x19: {  	[tilespmem:s12], [sflag:$0x3] =	stream.linear.gather @!p0 [hbm4b:s13+s12], $0x80, $0x38;
	[tilespmem:$0x4080] =	vst v63  }
0x1a: {  	_ =	swait.ge @!p0 [sflag:s11], $0x80  }
0x1b: {  	[sflag:s11] =	ssyncset.done @!p0 $0x0  }
0x1c: {  	[sflag:s11] =	ssyncadd.s32 @!p0 $0xFFFFFF80  }
0x1d: {  	[tilespmem:s10], [sflag:$0x1] =	stream.indirect.gather @!p0 [hbm4b:s3+s10], $0x80, s12, s10, $0xb8;
	[tilespmem:$0x4080] =	vst v63  }
0x1e: {  	_ =	swait.ge @!p0 [sflag:s14], $0x4000  }
0x1f: {  	[sflag:s14] =	ssyncset.done @!p0 $0x0  }
0x20: {  	s15 =	simm.s32 @!p0 $0x2;
	s13 =	simm.s32 $0x400;
	[sflag:s14] =	ssyncadd.s32 @!p0 $0xFFFFC000  }
0x21: {  	[hbm4b:s8+s12] =	stream.linear.scatter @!p0 [tilespmem:s10], [sflag:$0x2], $0x4000, $0x38;
	[tilespmem:$0x4080] =	vst v63  }
0x22: {  	s11 =	simm.s32 $0x200;
	s14 =	sadd.s32 $0x20, s4;
	s12 =	sadd.s32 $0x10000, s9  }
0x23: {  	p2 =	sgt.u32 s14, $0x9C3;
	s10 =	sadd.s32 $0x10000, s8;
	_ =	swait.ge @!p0 [sflag:s15], $0x4000  }
.LBB2_2:
0x24: {  	s16 =	sadd.s32 @!p2 s11, s7  }
0x25: {  	s17 =	simm.s32 @!p2 $0x0;
	[sflag:s15] =	ssyncset.done @!p0 $0x0;
	s18 =	smov.u32 s13  }
0x26: {  	s13 =	sadd.s32 $0x200, s13;
	s19 =	simm.s32 @!p2 $0x3;
	[sflag:s15] =	ssyncadd.s32 @!p0 $0xFFFFC000  }
0x27: {  	[tilespmem:s17], [sflag:$0x3] =	stream.linear.gather @!p2 [hbm4b:s16+s17], $0x80, $0x38;
	[tilespmem:$0x4080] =	vst v63  }
0x28: {  	p1 =	sne.s32 s13, $0x9E00;
	p0 =	por p2, p2;
	_ =	swait.ge @!p2 [sflag:s19], $0x80  }
0x29: {  	[sflag:s19] =	ssyncset.done @!p0 $0x0  }
0x2a: {  	s16 =	simm.s32 @!p0 $0x80;
	s15 =	simm.s32 @!p0 $0x1;
	[sflag:s19] =	ssyncadd.s32 @!p0 $0xFFFFFF80  }
0x2b: {  	[tilespmem:s16], [sflag:$0x1] =	stream.indirect.gather @!p0 [hbm4b:s3+s16], $0x80, s17, s16, $0xb8;
	[tilespmem:$0x4080] =	vst v63  }
0x2c: {  	_ =	swait.ge @!p0 [sflag:s15], $0x4000  }
0x2d: {  	[sflag:s15] =	ssyncset.done @!p0 $0x0  }
0x2e: {  	[sflag:s15] =	ssyncadd.s32 @!p0 $0xFFFFC000  }
0x2f: {  	[hbm4b:s12+s17] =	stream.linear.scatter @!p0 [tilespmem:s16], [sflag:$0x3], $0x4000, $0x38;
	[tilespmem:$0x4080] =	vst v63  }
0x30: {  	_ =	swait.ge @!p0 [sflag:s19], $0x4000  }
0x31: {  	[sflag:s19] =	ssyncset.done @!p0 $0x0  }
0x32: {  	s20 =	sadd.s32 @!p0 s11, s6;
	s11 =	smov.u32 s18;
	[sflag:s19] =	ssyncadd.s32 @!p0 $0xFFFFC000  }
0x33: {  	[tilespmem:s17], [sflag:$0x3] =	stream.linear.gather @!p0 [hbm4b:s20+s17], $0x80, $0x38;
	[tilespmem:$0x4080] =	vst v63  }
0x34: {  	_ =	swait.ge @!p0 [sflag:s19], $0x80  }
0x35: {  	[sflag:s19] =	ssyncset.done @!p0 $0x0  }
0x36: {  	[sflag:s19] =	ssyncadd.s32 @!p0 $0xFFFFFF80  }
0x37: {  	[tilespmem:s16], [sflag:$0x1] =	stream.indirect.gather @!p0 [hbm4b:s3+s16], $0x80, s17, s16, $0xb8;
	[tilespmem:$0x4080] =	vst v63  }
.Ltmp0:
0x38: {  	_ =	swait.ge @!p0 [sflag:s15], $0x4000;
	(pc) =	sbr.rel @p1 .LBB2_2-.Ltmp0, $4  }
0x39: {  	s12 =	sadd.s32 $0x10000, s12;
	[sflag:s15] =	ssyncset.done @!p0 $0x0  }
0x3a: {  	s14 =	sadd.s32 $0x20, s14;
	[sflag:s15] =	ssyncadd.s32 @!p0 $0xFFFFC000;
	s15 =	simm.s32 @!p0 $0x2  }
0x3b: {  	[hbm4b:s10+s17] =	stream.linear.scatter @!p0 [tilespmem:s16], [sflag:$0x2], $0x4000, $0x38;
	[tilespmem:$0x4080] =	vst v63  }
0x3c: {  	p2 =	sgt.u32 s14, $0x9C3;
	s10 =	sadd.s32 $0x10000, s10;
	_ =	swait.ge @!p0 [sflag:s15], $0x4000  }
0x3d: {  	s13 =	sadd.s32 @!p2 s11, s7;
	[sflag:s15] =	ssyncset.done @!p0 $0x0  }
0x3e: {  	s14 =	simm.s32 @!p2 $0x0;
	s16 =	simm.s32 @!p2 $0x3;
	[sflag:s15] =	ssyncadd.s32 @!p0 $0xFFFFC000  }
0x3f: {  	[tilespmem:s14], [sflag:$0x3] =	stream.linear.gather @!p2 [hbm4b:s13+s14], $0x80, $0x38;
	[tilespmem:$0x4080] =	vst v63  }
0x40: {  	p0 =	por p2, p2;
	_ =	swait.ge @!p2 [sflag:s16], $0x80  }
0x41: {  	[sflag:s16] =	ssyncset.done @!p0 $0x0  }
0x42: {  	s13 =	simm.s32 @!p0 $0x80;
	s15 =	simm.s32 @!p0 $0x1;
	[sflag:s16] =	ssyncadd.s32 @!p0 $0xFFFFFF80  }
0x43: {  	[tilespmem:s13], [sflag:$0x1] =	stream.indirect.gather @!p0 [hbm4b:s3+s13], $0x80, s14, s13, $0xb8;
	[tilespmem:$0x4080] =	vst v63  }
0x44: {  	_ =	swait.ge @!p0 [sflag:s15], $0x4000  }
0x45: {  	[sflag:s15] =	ssyncset.done @!p0 $0x0  }
0x46: {  	[sflag:s15] =	ssyncadd.s32 @!p0 $0xFFFFC000  }
0x47: {  	[hbm4b:s12+s14] =	stream.linear.scatter @!p0 [tilespmem:s13], [sflag:$0x3], $0x4000, $0x38;
	[tilespmem:$0x4080] =	vst v63  }
0x48: {  	_ =	swait.ge @!p0 [sflag:s16], $0x4000  }
0x49: {  	[sflag:s16] =	ssyncset.done @!p0 $0x0  }
0x4a: {  	s11 =	sadd.s32 @!p0 s11, s6;
	[sflag:s16] =	ssyncadd.s32 @!p0 $0xFFFFC000  }
0x4b: {  	[tilespmem:s14], [sflag:$0x3] =	stream.linear.gather @!p0 [hbm4b:s11+s14], $0x80, $0x38;
	[tilespmem:$0x4080] =	vst v63  }
0x4c: {  	_ =	swait.ge @!p0 [sflag:s16], $0x80  }
0x4d: {  	[sflag:s16] =	ssyncset.done @!p0 $0x0  }
0x4e: {  	[sflag:s16] =	ssyncadd.s32 @!p0 $0xFFFFFF80  }
0x4f: {  	[tilespmem:s13], [sflag:$0x1] =	stream.indirect.gather @!p0 [hbm4b:s3+s13], $0x80, s14, s13, $0xb8;
	[tilespmem:$0x4080] =	vst v63  }
0x50: {  	s2 =	sadd.s32 $0x1, s2;
	_ =	swait.ge @!p0 [sflag:s15], $0x4000  }
0x51: {  	p1 =	sne.s32 s2, s5;
	[sflag:s15] =	ssyncset.done @!p0 $0x0  }
.Ltmp1:
0x52: {  	s11 =	simm.s32 @!p0 $0x2;
	[sflag:s15] =	ssyncadd.s32 @!p0 $0xFFFFC000;
	(pc) =	sbr.rel @p1 .LBB2_1-.Ltmp1, $4  }
0x53: {  	[hbm4b:s10+s14] =	stream.linear.scatter @!p0 [tilespmem:s13], [sflag:$0x2], $0x4000, $0x38;
	[tilespmem:$0x4080] =	vst v63  }
0x54: {  	_ =	swait.ge @!p0 [sflag:s11], $0x4000  }
0x55: {  	[sflag:s11] =	ssyncset.done @!p0 $0x0  }
0x56: {  	[sflag:s11] =	ssyncadd.s32 @!p0 $0xFFFFC000  }
0x57: {  	_ =	sfence.sel $0x180000  }
0x58: {  	[bflag:$0x0] =	sbarrier.arrive $0xFFFF  }
0x59: {  	p0 =	sne.s32 s1, $0x0;
	_ =	strace $0x9000004D  }
0x5a: {  	s0 =	sadd.s32 @!p0 $0x100000, s0;
	[bflag:$0x2] =	sbarrier.arrive $0xFFFF  }
0x5b: {  	[sflag:s0] =	ssyncadd.tile.s32 @!p0 $0x1;
	_ =	shalt  }
.Lfunc_end2:
_tile_overlayer_lowered:
.L_overlay_start_2:
0x5c: {  	(tag) =	ssettag $0x2  }
0x5d: {  	s0 =	rddreg [dreg:$0x0];
	s2 =	stileid.u32  }
0x5e: {  	s1 =	rddreg [dreg:$0x1];
	p0 =	sne.s32 s2, $0x0  }
0x5f: {  	s3 =	rddreg [dreg:$0x2];
	[bflag:$0x3] =	sbarrier.arrive $0xFFFF;
	s2 =	simm.s32 @!p0 $0x1C02  }
0x60: {  	[timem:s3], [sflag:s2] =	dma.local @!p0 [hbm:s0], s1  }
0x61: {  	s0 =	simm.s32 @!p0 $0x2  }
0x62: {  	_ =	swait.ge @!p0 [sflag:s0], s1  }
0x63: {  	s1 =	ssub.s32 @!p0 $0x0, s1;
	[sflag:s0] =	ssyncset.done @!p0 $0x0  }
0x64: {  	[sflag:s0] =	ssyncadd.s32 @!p0 s1  }
0x65: {  	[bflag:$0x3] =	sbarrier.arrive $0xFFFF  }
0x66: {  	_ =	shalt  }

// kernel: kernel.25.cloned.1.call-start
scs
__scs_entry_jumppad:
0x0: {  	(pc) =	sbr.rel $0x88, $3  }
0x1: {  	(tag) =	ssettag $0x0;
	lr =	simm.s32 $0x1  }
0x2: {  	[smem:$0x3F8F] =	sst lr;
	_ =	strace $0xD0000000  }
0x3: {  	_ = 	snop  }
0x4: {  	_ = 	snop  }
0x5: {  	_ = 	snop  }
0x6: {  	_ = 	snop  }
0x7: {  	_ = 	snop  }
__scs_overlays_trampoline_lowered:
0x8: {  	[smem:$0x3F9E] =	sst s0  }
0x9: {  	[smem:$0x3F9F] =	sst s1  }
0xa: {  	[smem:$0x3FA0] =	sst s2  }
0xb: {  	[smem:$0x3FA1] =	sst s3  }
0xc: {  	[smem:$0x3FA2] =	sst s4  }
0xd: {  	[smem:$0x3FA3] =	sst s5  }
0xe: {  	[smem:$0x3FA4] =	sst s6  }
0xf: {  	[smem:$0x3FA5] =	sst s7  }
0x10: {  	[smem:$0x3FA6] =	sst s8  }
0x11: {  	[smem:$0x3FA7] =	sst s9;
	s0 =	simm.s32 @!p0 $0x0  }
0x12: {  	s1 =	sld [smem:$0x3F8D];
	s0 =	simm.s32 @p0 $0x1  }
0x13: {  	[smem:$0x3FA8] =	sst s0;
	s0 =	simm.s32 @!p1 $0x0  }
0x14: {  	s2 =	sld [smem:$0x3F8C];
	s0 =	simm.s32 @p1 $0x1  }
0x15: {  	[smem:$0x3FA9] =	sst s0;
	s0 =	simm.s32 @!p2 $0x0  }
0x16: {  	s3 =	sld [smem:$0x3FDB];
	s0 =	simm.s32 @p2 $0x1  }
0x17: {  	s4 =	simm.s32 $0x1BF5;
	[smem:$0x3FAB] =	sst s0  }
0x18: {  	s0 =	sld [smem:$0x3F8E];
	_ =	swait.ge [sflag:s4], $0x0  }
0x19: {  	s7 =	sld [smem:$0x3F8F]  }
0x1a: {  	s8 =	sadd.s32 $0xFFFFE003, lr  }
0x1b: {  	s9 =	sadd.s32 $0xFFFFFEF7, lr;
	s5 =	simm.s32 $0xFFFFFFFF;
	p2 =	slt.u32 s8, $0xFFFFF086  }
0x1c: {  	p1 =	slt.u32 s9, $0xF7A;
	s5 =	simm.s32 @!p2 $0x0  }
0x1d: {  	s5 =	simm.s32 @p1 $0x1;
	p0 =	seq.s32 s7, s2  }
0x1e: {  	s7 =	smul.u32 @!p0 $0xF7A, s2;
	p2 =	seq.s32 @!p0 s5, $0x0  }
0x1f: {  	s9 =	smul.u32 $0xF7A, s1;
	s8 =	simm.s32 @!p0 $0x1BF5;
	p2 =	por !p2, p0  }
0x20: {  	[sflag:s8] =	ssyncset.s32 @!p0 $0xFFFFF086;
	s6 =	sadd.s32 @!p0 s3, s7;
	s7 =	simm.s32 @!p0 $0x108  }
0x21: {  	s3 =	sadd.s32 s3, s9;
	s6 =	sadd.s32 @!p0 $0x88, s6;
	s7 =	simm.s32 @p2 $0x1082  }
0x22: {  	[simem:s7], [sflag:s8] =	dma.local @!p0 [hbm:s6], $0xF7A  }
0x23: {  	s9 =	sor.u32 $0xD0000000, s2;
	s6 =	simm.s32 $0x108;
	_ =	swait.ge @!p0 [sflag:s8], $0x0  }
0x24: {  	s3 =	sadd.s32 $0x88, s3;
	s6 =	simm.s32 @!p1 $0x1082;
	[sflag:s4] =	ssyncset.s32 $0xFFFFF086  }
0x25: {  	[simem:s6], [sflag:s4] =	dma.local [hbm:s3], $0xF7A  }
0x26: {  	[smem:$0x3F8F] =	sst s1;
	(tag) =	ssettag s2;
	_ =	strace s9  }
0x27: {  	s1 =	sld [smem:$0x3F9F]  }
0x28: {  	s2 =	sld [smem:$0x3FA0]  }
0x29: {  	s4 =	sld [smem:$0x3FA2]  }
0x2a: {  	p0 =	seq.s32 s5, $0x0;
	s5 =	sld [smem:$0x3FA3]  }
0x2b: {  	s6 =	sld [smem:$0x3FA4]  }
0x2c: {  	s7 =	sld [smem:$0x3FA5]  }
0x2d: {  	s3 =	simm.s32 $0x108;
	s8 =	sld [smem:$0x3FA6]  }
0x2e: {  	s3 =	simm.s32 @!p0 $0x1082;
	s9 =	sld [smem:$0x3FA7]  }
0x2f: {  	lr =	sadd.s32 s0, s3;
	s0 =	sld [smem:$0x3F9E]  }
0x30: {  	s3 =	sld [smem:$0x3FA1]  }
0x31: {  	[smem:$0x3FAA] =	sst s10  }
0x32: {  	s10 =	sld [smem:$0x3FA8];
	_ =	sdelay $0x3  }
0x33: {  	p0 =	seq.s32 s10, $0x1;
	s10 =	sld [smem:$0x3FAA];
	_ =	sdelay $0x3  }
0x34: {  	[smem:$0x3FAA] =	sst s10  }
0x35: {  	s10 =	sld [smem:$0x3FA9];
	_ =	sdelay $0x3  }
0x36: {  	p1 =	seq.s32 s10, $0x1;
	s10 =	sld [smem:$0x3FAA];
	_ =	sdelay $0x3  }
0x37: {  	[smem:$0x3FAA] =	sst s10  }
0x38: {  	s10 =	sld [smem:$0x3FAB]  }
0x39: {  	_ = 	snop;
	(pc) =	sbr.ind lr, $3  }
0x3a: {  	_ = 	snop  }
0x3b: {  	_ = 	snop  }
0x3c: {  	p2 =	seq.s32 s10, $0x1;
	s10 =	sld [smem:$0x3FAA]  }
0x3d: {  	_ =	shalt  }
0x3e: {  	_ =	shalt  }
0x3f: {  	_ =	shalt  }
0x40: {  	_ =	shalt  }
0x41: {  	_ =	shalt  }
0x42: {  	_ =	shalt  }
0x43: {  	_ =	shalt  }
0x44: {  	_ =	shalt  }
0x45: {  	_ =	shalt  }
0x46: {  	_ =	shalt  }
0x47: {  	_ =	shalt  }
0x48: {  	_ =	shalt  }
0x49: {  	_ =	shalt  }
0x4a: {  	_ =	shalt  }
0x4b: {  	_ =	shalt  }
0x4c: {  	_ =	shalt  }
0x4d: {  	_ =	shalt  }
0x4e: {  	_ =	shalt  }
0x4f: {  	_ =	shalt  }
0x50: {  	_ =	shalt  }
0x51: {  	_ =	shalt  }
0x52: {  	_ =	shalt  }
0x53: {  	_ =	shalt  }
0x54: {  	_ =	shalt  }
0x55: {  	_ =	shalt  }
0x56: {  	_ =	shalt  }
0x57: {  	_ =	shalt  }
0x58: {  	_ =	shalt  }
0x59: {  	_ =	shalt  }
0x5a: {  	_ =	shalt  }
0x5b: {  	_ =	shalt  }
0x5c: {  	_ =	shalt  }
0x5d: {  	_ =	shalt  }
0x5e: {  	_ =	shalt  }
0x5f: {  	_ =	shalt  }
0x60: {  	_ =	shalt  }
0x61: {  	_ =	shalt  }
0x62: {  	_ =	shalt  }
0x63: {  	_ =	shalt  }
0x64: {  	_ =	shalt  }
0x65: {  	_ =	shalt  }
0x66: {  	_ =	shalt  }
0x67: {  	_ =	shalt  }
0x68: {  	_ =	shalt  }
0x69: {  	_ =	shalt  }
0x6a: {  	_ =	shalt  }
0x6b: {  	_ =	shalt  }
0x6c: {  	_ =	shalt  }
0x6d: {  	_ =	shalt  }
0x6e: {  	_ =	shalt  }
0x6f: {  	_ =	shalt  }
0x70: {  	_ =	shalt  }
0x71: {  	_ =	shalt  }
0x72: {  	_ =	shalt  }
0x73: {  	_ =	shalt  }
0x74: {  	_ =	shalt  }
0x75: {  	_ =	shalt  }
0x76: {  	_ =	shalt  }
0x77: {  	_ =	shalt  }
0x78: {  	_ =	shalt  }
0x79: {  	_ =	shalt  }
0x7a: {  	_ =	shalt  }
0x7b: {  	_ =	shalt  }
0x7c: {  	_ =	shalt  }
0x7d: {  	_ =	shalt  }
0x7e: {  	_ =	shalt  }
0x7f: {  	_ =	shalt  }
0x80: {  	_ =	shalt  }
0x81: {  	_ =	shalt  }
0x82: {  	_ =	shalt  }
0x83: {  	_ =	shalt  }
0x84: {  	_ =	shalt  }
0x85: {  	_ =	shalt  }
0x86: {  	_ =	shalt  }
0x87: {  	_ =	shalt  }
.Lfunc_end0:
.L_simem_size_0:
called_computation.3_lowered:
.L_overlay_start_0:
0x88: {  	s2 =	sld [smem:$0x3FD9]  }
0x89: {  	s3 =	sld [smem:$0x3FFE];
	_ =	sdelay $0x1  }
0x8a: {  	s1 =	srdreg.scid  }
0x8b: {  	s0 =	sand.u32 $0x1, s1  }
0x8c: {  	s16 =	sshll.u32 s0, $0xA;
	s2 =	sadd.s32 s3, s2  }
0x8d: {  	s2 =	sadd.s32 s2, s16  }
0x8e: {  	[smem:$0x3FB6] =	sst s2  }
0x8f: {  	_ = 	snop  }
0x90: {  	(tm) =	ssettm $0x1  }
0x91: {  	s17 =	sld [smem:$0x3FFB];
	_ =	sdelay $0x3  }
0x92: {  	_ =	strace s17  }
0x93: {  	s2 =	sld [smem:$0x3FFC];
	_ =	sdelay $0x3  }
0x94: {  	_ =	strace s2  }
0x95: {  	s2 =	sld [smem:$0x3FFD];
	_ =	sdelay $0x3  }
0x96: {  	_ =	strace s2  }
0x97: {  	_ =	strace $0x8FFFFFFF  }
0x98: {  	s18 =	sld [smem:$0x3FDB];
	_ =	sdelay $0x1  }
0x99: {  	s19 =	simm.s32 $_scs_section_size  }
0x9a: {  	s4 =	simm.s32 $_size__tile_overlayer_lowered;
	s5 =	simm.s32 $_tile_overlayer_lowered  }
0x9b: {  	s22 =	simm.s32 $0x1BFF;
	s21 =	sshll.u32 s5, $0x1;
	s2 =	sadd.s32 s19, s18  }
0x9c: {  	s6 =	simm.s32 $0x0;
	s20 =	sshll.u32 s4, $0x1;
	s4 =	sadd.s32 s21, s2  }
0x9d: {  	[timem:s6], [sflag:s22] =	dma.local [hbm:s4], s20  }
0x9e: {  	_ =	swait.ge [sflag:s22], s20  }
0x9f: {  	s3 =	ssub.s32 $0x0, s20;
	[sflag:s22] =	ssyncset.done $0x0  }
0xa0: {  	[sflag:s22] =	ssyncadd.s32 s3;
	_ =	sdelay $0x1  }
0xa1: {  	s23 =	simm.s32 $0x1B8B  }
0xa2: {  	_ =	swait.ge [sflag:s23], $0x1  }
0xa3: {  	[sflag:s23] =	ssyncset.done $0x0  }
0xa4: {  	s25 =	simm.s32 $0x1B8E;
	s24 =	sld [smem:$0x3FFE];
	[sflag:s23] =	ssyncadd.s32 $0xFFFFFFFF  }
0xa5: {  	s26 =	simm.s32 $execute0_lowered;
	[smem:$0x3FD2] =	sst s25  }
0xa6: {  	s4 =	sshll.u32 s26, $0x1;
	_ =	strace $0x8000004F;
	[dreg:$0x1] =	wrdreg $0xFFFFFFFF  }
0xa7: {  	s28 =	simm.s32 $_size_execute0_lowered;
	s2 =	sadd.s32 s2, s4;
	[dreg:$0x0] =	wrdreg $0x0  }
0xa8: {  	s4 =	sshll.u32 s28, $0x1;
	[dreg:$0x2] =	wrdreg s2  }
0xa9: {  	[dreg:$0x3] =	wrdreg s4  }
0xaa: {  	[dreg:$0x4] =	wrdreg $0xC0  }
0xab: {  	_ =	task [dreg:s6], $0x5FFFF  }
0xac: {  	[dreg:$0x1] =	wrdreg $0xFFFFFFFF  }
0xad: {  	[dreg:$0x0] =	wrdreg $0x60  }
0xae: {  	[dreg:$0x2] =	wrdreg s24  }
0xaf: {  	[dreg:$0x3] =	wrdreg $0x40800  }
0xb0: {  	[dreg:$0x4] =	wrdreg $0x9  }
0xb1: {  	_ =	task.clear_ibuf [dreg:s6], $0x5FFFF;
	_ =	strace $0x9000004F  }
0xb2: {  	s29 =	simm.s32 $0x9;
	_ =	strace $0x80000051  }
0xb3: {  	_ =	swait.ge [sflag:s29], $0x1  }
0xb4: {  	[sflag:s29] =	ssyncadd.s32 $0xFFFFFFFF  }
0xb5: {  	_ =	strace $0x90000051  }
0xb6: {  	_ =	sfence  }
0xb7: {  	s30 =	sld [smem:$0x0];
	_ =	sdelay $0x2  }
0xb8: {  	s31 =	sshll.u32 s1, $0xD;
	s1 =	sshrl.u32 s1, $0x2  }
0xb9: {  	s3 =	sand.u32 $0x4000, s31;
	s1 =	sadd.s32 s1, s30  }
0xba: {  	s0 =	sor.u32 s3, s0;
	s1 =	sshll.u32 s1, $0x11  }
0xbb: {  	s0 =	sor.u32 s1, s0  }
0xbc: {  	s0 =	sadd.s32 $0x8F2B, s0  }
0xbd: {  	[sflag:s0] =	ssyncadd.remote.s32 $0x1  }
0xbe: {  	_ =	sfence.sel $0xFFFF  }
0xbf: {  	[dreg:$0x0] =	wrdreg $0xFFFFFFFF;
	(pc) =	sbr.abs _section_cstart, $3  }
0xc0: {  	[dreg:$0x1] =	wrdreg $0xFFFFFFFF  }
0xc1: {  	_ =	task.clear_ibuf [dreg:s6], $0x2FFFF;
	_ =	strace $0x9FFFFFFF  }
0xc2: {  	(tm) =	ssettm $0x7FFFFFFF  }
0xc3: {  	_ =	shalt  }
tec
execute0_lowered:
.L_overlay_start_1:
0x0: {  	(tag) =	ssettag $0x1  }
0x1: {  	s5 =	rddreg [dreg:$0x0]  }
0x2: {  	s1 =	rddreg [dreg:$0x1]  }
0x3: {  	s2 =	srdreg.scid;
	s0 =	rddreg [dreg:$0x2]  }
0x4: {  	s3 =	simm.s32 $0x0;
	s6 =	sand.u32 $0x1, s2;
	s2 =	stileid.u32  }
0x5: {  	[smem:$0x7FF] =	sst s3;
	s4 =	smul.u32 $0x140000, s6  }
0x6: {  	s7 =	sshll.u32 s2, $0xB;
	s8 =	smul.u32 $0x14000, s2;
	_ =	strace $0x80000050  }
0x7: {  	s26 =	sshll.u32 s2, $0x4;
	s29 =	smul.u32 $0x50000, s2;
	s11 =	ssub.s32 $0x2, s6  }
0x8: {  	s31 =	sshll.u32 s2, $0x6;
	p0 =	seq.s32 s6, $0x1;
	s10 =	sadd.s32 s7, s5  }
0x9: {  	s9 =	sadd.s32 s26, s5;
	s30 =	sshrl.u32 s11, $0x1;
	s28 =	sadd.s32 s8, s4  }
.Ltmp0:
0xa: {  	s4 =	sadd.s32 $0x44800, s5;
	s8 =	sshrl.u32 s29, $0x2;
	(pc) =	sbr.rel .LBB2_1-.Ltmp0, $4  }
0xb: {  	s7 =	sshrl.u32 s28, $0x3;
	s12 =	sadd.s32 s8, s1;
	s8 =	sadd.s32 $0x3AA00, s9  }
0xc: {  	s9 =	sadd.s32 $0xF3CA00, s10;
	s10 =	sadd.s32 $0x141EA00, s10;
	s7 =	sadd.s32 s7, s5  }
0xd: {  	s11 =	ssub.s32 s11, s30;
	s5 =	sor.u32 $0x1C01, s31;
	s6 =	sadd.s32 $0xA5AA00, s7  }
0xe: {  	s7 =	smax.u32 s11, $0x1;
	s11 =	sshrl.u32 s12, $0x3;
	s12 =	simm.s32 $0x1  }
.LBB2_7:
0xf: {  	s14 =	simm.s32 @!p2 $0x0;
	s17 =	simm.s32 @!p2 $0x2;
	[sflag:s16] =	ssyncadd.s32 @!p1 $0xFFFFC000  }
0x10: {  	[tilespmem:s14], [sflag:$0x2] =	stream.linear.gather @!p2 [hbm4b:s15+s14], $0x80, $0x38;
	[tilespmem:$0x18080] =	vst v63  }
0x11: {  	_ =	swait.ge @!p2 [sflag:s17], $0x80  }
0x12: {  	p1 =	por p2, p2;
	[sflag:s17] =	ssyncset.done @!p2 $0x0  }
0x13: {  	s15 =	simm.s32 @!p1 $0x80;
	[sflag:s17] =	ssyncadd.s32 @!p1 $0xFFFFFF80  }
0x14: {  	[tilespmem:s15], [sflag:$0x2] =	stream.linear.gather @!p1 [hbm4b:s13+s14], $0x4000, $0x38;
	[tilespmem:$0x18080] =	vst v63  }
0x15: {  	_ =	swait.ge @!p1 [sflag:s17], $0x4000  }
0x16: {  	[sflag:s17] =	ssyncset.done @!p1 $0x0  }
0x17: {  	s13 =	simm.s32 @!p1 $0x1;
	[sflag:s17] =	ssyncadd.s32 @!p1 $0xFFFFC000  }
0x18: {  	[spmem:s1] =	stream.indirect.scatter.add.f32 @!p1 [tilespmem:s15], [sflag:$0x1], $0x80, s14, s15, $0xb8;
	[tilespmem:$0x18080] =	vst v63  }
0x19: {  	_ =	swait.ge @!p1 [sflag:s13], $0x4000  }
0x1a: {  	[sflag:s13] =	ssyncset.done @!p1 $0x0  }
0x1b: {  	[sflag:s13] =	ssyncadd.s32 @!p1 $0xFFFFC000  }
.LBB2_8:
0x1c: {  	s3 =	sadd.s32 $0x1, s3  }
0x1d: {  	p1 =	sne.s32 s3, s7  }
.Ltmp1:
0x1e: {  	[bflag:$0x0] =	sbarrier.arrive $0xFFFF;
	(pc) =	sbr.rel @!p1 .LBB2_9-.Ltmp1, $4  }
0x1f: {  	[hbm:s6], [sflag:s5] =	dma.local [spmem:s11], $0x2800  }
0x20: {  	_ =	swait.ge [sflag:s12], $0x2800  }
0x21: {  	[sflag:s12] =	ssyncset.done $0x0  }
0x22: {  	[sflag:s12] =	ssyncadd.s32 $0xFFFFD800  }
.LBB2_1:
0x23: {  	[spmem:s11], [sflag:s5] =	dma.local [hbm:s4], $0x2800  }
.Ltmp2:
0x24: {  	_ =	swait.ge [sflag:s12], $0x2800;
	(pc) =	sbr.rel @!p0 .LBB2_2-.Ltmp2, $4  }
0x25: {  	[sflag:s12] =	ssyncset.done $0x0  }
0x26: {  	[sflag:s12] =	ssyncadd.s32 $0xFFFFD800  }
0x27: {  	s13 =	sadd.s32 $0x0, s2;
	[bflag:$0x0] =	sbarrier.arrive $0xFFFF  }
0x28: {  	p1 =	sgt.u32 s13, $0x9C3  }
0x29: {  	s13 =	simm.s32 @!p1 $0x0;
	s15 =	simm.s32 @!p1 $0x2  }
0x2a: {  	[tilespmem:s13], [sflag:$0x2] =	stream.linear.gather @!p1 [hbm4b:s8+s13], $0x80, $0x38;
	[tilespmem:$0x18080] =	vst v63  }
0x2b: {  	_ =	swait.ge @!p1 [sflag:s15], $0x80  }
0x2c: {  	[sflag:s15] =	ssyncset.done @!p1 $0x0;
	p1 =	por p1, p1  }
0x2d: {  	[sflag:s15] =	ssyncadd.s32 @!p1 $0xFFFFFF80;
	s17 =	simm.s32 @!p1 $0x80  }
0x2e: {  	[tilespmem:s17], [sflag:$0x2] =	stream.linear.gather @!p1 [hbm4b:s10+s13], $0x4000, $0x38;
	[tilespmem:$0x18080] =	vst v63  }
0x2f: {  	_ =	swait.ge @!p1 [sflag:s15], $0x4000  }
0x30: {  	[sflag:s15] =	ssyncset.done @!p1 $0x0  }
0x31: {  	s31 =	sadd.s32 $0x10, s2;
	s16 =	simm.s32 @!p1 $0x1;
	[sflag:s15] =	ssyncadd.s32 @!p1 $0xFFFFC000  }
0x32: {  	[spmem:s1] =	stream.indirect.scatter.add.f32 @!p1 [tilespmem:s17], [sflag:$0x1], $0x80, s13, s17, $0xb8;
	[tilespmem:$0x18080] =	vst v63  }
0x33: {  	s14 =	simm.s32 $0x20;
	p2 =	sgt.u32 s31, $0x9C3;
	_ =	swait.ge @!p1 [sflag:s16], $0x4000  }
0x34: {  	s15 =	sadd.s32 $0x100, s8;
	s13 =	sadd.s32 $0x8000, s10;
	[sflag:s16] =	ssyncset.done @!p1 $0x0  }
.LBB2_6:
0x35: {  	s17 =	simm.s32 @!p2 $0x0;
	s18 =	simm.s32 @!p2 $0x2;
	[sflag:s16] =	ssyncadd.s32 @!p1 $0xFFFFC000  }
0x36: {  	[tilespmem:s17], [sflag:$0x2] =	stream.linear.gather @!p2 [hbm4b:s15+s17], $0x80, $0x38;
	[tilespmem:$0x18080] =	vst v63  }
0x37: {  	s19 =	smov.u32 s14;
	s14 =	sadd.s32 $0x10, s14;
	_ =	swait.ge @!p2 [sflag:s18], $0x80  }
0x38: {  	p1 =	por p2, p2;
	p3 =	sne.s32 s14, $0x9D0;
	[sflag:s18] =	ssyncset.done @!p2 $0x0  }
0x39: {  	s20 =	simm.s32 @!p1 $0x80;
	[sflag:s18] =	ssyncadd.s32 @!p1 $0xFFFFFF80  }
0x3a: {  	[tilespmem:s20], [sflag:$0x2] =	stream.linear.gather @!p1 [hbm4b:s13+s17], $0x4000, $0x38;
	[tilespmem:$0x18080] =	vst v63  }
0x3b: {  	_ =	swait.ge @!p1 [sflag:s18], $0x4000  }
.Ltmp3:
0x3c: {  	[sflag:s18] =	ssyncset.done @!p1 $0x0;
	(pc) =	sbr.rel @p3 .LBB2_6-.Ltmp3, $4  }
0x3d: {  	s16 =	simm.s32 @!p1 $0x1;
	[sflag:s18] =	ssyncadd.s32 @!p1 $0xFFFFC000  }
0x3e: {  	[spmem:s1] =	stream.indirect.scatter.add.f32 @!p1 [tilespmem:s20], [sflag:$0x1], $0x80, s17, s20, $0xb8;
	[tilespmem:$0x18080] =	vst v63  }
0x3f: {  	s13 =	sadd.s32 $0x8000, s13;
	s17 =	sadd.s32 s19, s2;
	_ =	swait.ge @!p1 [sflag:s16], $0x4000  }
0x40: {  	s15 =	sadd.s32 $0x100, s15;
	p2 =	sgt.u32 s17, $0x9C3;
	[sflag:s16] =	ssyncset.done @!p1 $0x0  }
.Ltmp4:
0x41: {  	_ = 	snop;
	(pc) =	sbr.rel .LBB2_7-.Ltmp4, $1  }
0x42: {  	_ =	sdelay $0x3  }
.LBB2_2:
0x43: {  	s13 =	simm.s32 @!p1 $0x0;
	s15 =	simm.s32 @!p1 $0x2  }
0x44: {  	[tilespmem:s13], [sflag:$0x2] =	stream.linear.gather @!p1 [hbm4b:s8+s13], $0x80, $0x38;
	[tilespmem:$0x18080] =	vst v63  }
0x45: {  	_ =	swait.ge @!p1 [sflag:s15], $0x80  }
0x46: {  	[sflag:s15] =	ssyncset.done @!p1 $0x0;
	p1 =	por p1, p1  }
0x47: {  	[sflag:s15] =	ssyncadd.s32 @!p1 $0xFFFFFF80;
	s17 =	simm.s32 @!p1 $0x80  }
0x48: {  	[tilespmem:s17], [sflag:$0x2] =	stream.linear.gather @!p1 [hbm4b:s9+s13], $0x4000, $0x38;
	[tilespmem:$0x18080] =	vst v63  }
0x49: {  	_ =	swait.ge @!p1 [sflag:s15], $0x4000  }
0x4a: {  	[sflag:s15] =	ssyncset.done @!p1 $0x0  }
0x4b: {  	s31 =	sadd.s32 $0x10, s2;
	s16 =	simm.s32 @!p1 $0x1;
	[sflag:s15] =	ssyncadd.s32 @!p1 $0xFFFFC000  }
0x4c: {  	[spmem:s1] =	stream.indirect.scatter.add.f32 @!p1 [tilespmem:s17], [sflag:$0x1], $0x80, s13, s17, $0xb8;
	[tilespmem:$0x18080] =	vst v63  }
0x4d: {  	s14 =	simm.s32 $0x20;
	p2 =	sgt.u32 s31, $0x9C3;
	_ =	swait.ge @!p1 [sflag:s16], $0x4000  }
0x4e: {  	s15 =	sadd.s32 $0x100, s8;
	s13 =	sadd.s32 $0x8000, s9;
	[sflag:s16] =	ssyncset.done @!p1 $0x0  }
.LBB2_3:
0x4f: {  	s17 =	simm.s32 @!p2 $0x0;
	s18 =	simm.s32 @!p2 $0x2;
	[sflag:s16] =	ssyncadd.s32 @!p1 $0xFFFFC000  }
0x50: {  	[tilespmem:s17], [sflag:$0x2] =	stream.linear.gather @!p2 [hbm4b:s15+s17], $0x80, $0x38;
	[tilespmem:$0x18080] =	vst v63  }
0x51: {  	s19 =	smov.u32 s14;
	s14 =	sadd.s32 $0x10, s14;
	_ =	swait.ge @!p2 [sflag:s18], $0x80  }
0x52: {  	p1 =	por p2, p2;
	p3 =	seq.s32 s14, $0x9D0;
	[sflag:s18] =	ssyncset.done @!p2 $0x0  }
0x53: {  	s20 =	simm.s32 @!p1 $0x80;
	[sflag:s18] =	ssyncadd.s32 @!p1 $0xFFFFFF80  }
0x54: {  	[tilespmem:s20], [sflag:$0x2] =	stream.linear.gather @!p1 [hbm4b:s13+s17], $0x4000, $0x38;
	[tilespmem:$0x18080] =	vst v63  }
0x55: {  	_ =	swait.ge @!p1 [sflag:s18], $0x4000  }
.Ltmp5:
0x56: {  	[sflag:s18] =	ssyncset.done @!p1 $0x0;
	(pc) =	sbr.rel @!p3 .LBB2_3-.Ltmp5, $4  }
0x57: {  	s16 =	simm.s32 @!p1 $0x1;
	[sflag:s18] =	ssyncadd.s32 @!p1 $0xFFFFC000  }
0x58: {  	[spmem:s1] =	stream.indirect.scatter.add.f32 @!p1 [tilespmem:s20], [sflag:$0x1], $0x80, s17, s20, $0xb8;
	[tilespmem:$0x18080] =	vst v63  }
0x59: {  	s13 =	sadd.s32 $0x8000, s13;
	s17 =	sadd.s32 s19, s2;
	_ =	swait.ge @!p1 [sflag:s16], $0x4000  }
0x5a: {  	s15 =	sadd.s32 $0x100, s15;
	p2 =	sgt.u32 s17, $0x9C3;
	[sflag:s16] =	ssyncset.done @!p1 $0x0  }
0x5b: {  	s14 =	simm.s32 @!p2 $0x0;
	s17 =	simm.s32 @!p2 $0x2;
	[sflag:s16] =	ssyncadd.s32 @!p1 $0xFFFFC000  }
0x5c: {  	[tilespmem:s14], [sflag:$0x2] =	stream.linear.gather @!p2 [hbm4b:s15+s14], $0x80, $0x38;
	[tilespmem:$0x18080] =	vst v63  }
0x5d: {  	_ =	swait.ge @!p2 [sflag:s17], $0x80  }
0x5e: {  	p1 =	por p2, p2;
	[sflag:s17] =	ssyncset.done @!p2 $0x0  }
0x5f: {  	s15 =	simm.s32 @!p1 $0x80;
	[sflag:s17] =	ssyncadd.s32 @!p1 $0xFFFFFF80  }
0x60: {  	[tilespmem:s15], [sflag:$0x2] =	stream.linear.gather @!p1 [hbm4b:s13+s14], $0x4000, $0x38;
	[tilespmem:$0x18080] =	vst v63  }
0x61: {  	_ =	swait.ge @!p1 [sflag:s17], $0x4000  }
0x62: {  	[sflag:s17] =	ssyncset.done @!p1 $0x0  }
.Ltmp6:
0x63: {  	s13 =	simm.s32 @!p1 $0x1;
	[sflag:s17] =	ssyncadd.s32 @!p1 $0xFFFFC000;
	(pc) =	sbr.rel .LBB2_8-.Ltmp6, $4  }
0x64: {  	[spmem:s1] =	stream.indirect.scatter.add.f32 @!p1 [tilespmem:s15], [sflag:$0x1], $0x80, s14, s15, $0xb8;
	[tilespmem:$0x18080] =	vst v63  }
0x65: {  	_ =	swait.ge @!p1 [sflag:s13], $0x4000  }
0x66: {  	[sflag:s13] =	ssyncset.done @!p1 $0x0  }
0x67: {  	[sflag:s13] =	ssyncadd.s32 @!p1 $0xFFFFC000  }
.LBB2_9:
0x68: {  	_ =	sfence.sel $0x180000  }
0x69: {  	[bflag:$0x0] =	sbarrier.arrive $0xFFFF  }
0x6a: {  	p0 =	sne.s32 s2, $0x0;
	_ =	strace $0x90000050  }
0x6b: {  	s0 =	sadd.s32 @!p0 $0x100000, s0;
	[bflag:$0x2] =	sbarrier.arrive $0xFFFF  }
0x6c: {  	[sflag:s0] =	ssyncadd.tile.s32 @!p0 $0x1;
	_ =	shalt  }
.Lfunc_end2:
_tile_overlayer_lowered:
.L_overlay_start_2:
0x6d: {  	(tag) =	ssettag $0x2  }
0x6e: {  	s0 =	rddreg [dreg:$0x0];
	s2 =	stileid.u32  }
0x6f: {  	s1 =	rddreg [dreg:$0x1];
	p0 =	sne.s32 s2, $0x0  }
0x70: {  	s3 =	rddreg [dreg:$0x2];
	[bflag:$0x3] =	sbarrier.arrive $0xFFFF;
	s2 =	simm.s32 @!p0 $0x1C01  }
0x71: {  	[timem:s3], [sflag:s2] =	dma.local @!p0 [hbm:s0], s1  }
0x72: {  	s0 =	simm.s32 @!p0 $0x1  }
0x73: {  	_ =	swait.ge @!p0 [sflag:s0], s1  }
0x74: {  	s1 =	ssub.s32 @!p0 $0x0, s1;
	[sflag:s0] =	ssyncset.done @!p0 $0x0  }
0x75: {  	[sflag:s0] =	ssyncadd.s32 @!p0 s1  }
0x76: {  	[bflag:$0x3] =	sbarrier.arrive $0xFFFF  }
0x77: {  	_ =	shalt  }

// kernel: kernel.28.cloned.1.call-start
scs
__scs_entry_jumppad:
0x0: {  	(pc) =	sbr.rel $0x88, $3  }
0x1: {  	(tag) =	ssettag $0x0;
	lr =	simm.s32 $0x1  }
0x2: {  	[smem:$0x3F8F] =	sst lr;
	_ =	strace $0xD0000000  }
0x3: {  	_ = 	snop  }
0x4: {  	_ = 	snop  }
0x5: {  	_ = 	snop  }
0x6: {  	_ = 	snop  }
0x7: {  	_ = 	snop  }
__scs_overlays_trampoline_lowered:
0x8: {  	[smem:$0x3F9E] =	sst s0  }
0x9: {  	[smem:$0x3F9F] =	sst s1  }
0xa: {  	[smem:$0x3FA0] =	sst s2  }
0xb: {  	[smem:$0x3FA1] =	sst s3  }
0xc: {  	[smem:$0x3FA2] =	sst s4  }
0xd: {  	[smem:$0x3FA3] =	sst s5  }
0xe: {  	[smem:$0x3FA4] =	sst s6  }
0xf: {  	[smem:$0x3FA5] =	sst s7  }
0x10: {  	[smem:$0x3FA6] =	sst s8  }
0x11: {  	[smem:$0x3FA7] =	sst s9;
	s0 =	simm.s32 @!p0 $0x0  }
0x12: {  	s1 =	sld [smem:$0x3F8D];
	s0 =	simm.s32 @p0 $0x1  }
0x13: {  	[smem:$0x3FA8] =	sst s0;
	s0 =	simm.s32 @!p1 $0x0  }
0x14: {  	s2 =	sld [smem:$0x3F8C];
	s0 =	simm.s32 @p1 $0x1  }
0x15: {  	[smem:$0x3FA9] =	sst s0;
	s0 =	simm.s32 @!p2 $0x0  }
0x16: {  	s3 =	sld [smem:$0x3FDB];
	s0 =	simm.s32 @p2 $0x1  }
0x17: {  	s4 =	simm.s32 $0x1BF5;
	[smem:$0x3FAB] =	sst s0  }
0x18: {  	s0 =	sld [smem:$0x3F8E];
	_ =	swait.ge [sflag:s4], $0x0  }
0x19: {  	s7 =	sld [smem:$0x3F8F]  }
0x1a: {  	s8 =	sadd.s32 $0xFFFFE003, lr  }
0x1b: {  	s9 =	sadd.s32 $0xFFFFFEF7, lr;
	s5 =	simm.s32 $0xFFFFFFFF;
	p2 =	slt.u32 s8, $0xFFFFF086  }
0x1c: {  	p1 =	slt.u32 s9, $0xF7A;
	s5 =	simm.s32 @!p2 $0x0  }
0x1d: {  	s5 =	simm.s32 @p1 $0x1;
	p0 =	seq.s32 s7, s2  }
0x1e: {  	s7 =	smul.u32 @!p0 $0xF7A, s2;
	p2 =	seq.s32 @!p0 s5, $0x0  }
0x1f: {  	s9 =	smul.u32 $0xF7A, s1;
	s8 =	simm.s32 @!p0 $0x1BF5;
	p2 =	por !p2, p0  }
0x20: {  	[sflag:s8] =	ssyncset.s32 @!p0 $0xFFFFF086;
	s6 =	sadd.s32 @!p0 s3, s7;
	s7 =	simm.s32 @!p0 $0x108  }
0x21: {  	s3 =	sadd.s32 s3, s9;
	s6 =	sadd.s32 @!p0 $0x88, s6;
	s7 =	simm.s32 @p2 $0x1082  }
0x22: {  	[simem:s7], [sflag:s8] =	dma.local @!p0 [hbm:s6], $0xF7A  }
0x23: {  	s9 =	sor.u32 $0xD0000000, s2;
	s6 =	simm.s32 $0x108;
	_ =	swait.ge @!p0 [sflag:s8], $0x0  }
0x24: {  	s3 =	sadd.s32 $0x88, s3;
	s6 =	simm.s32 @!p1 $0x1082;
	[sflag:s4] =	ssyncset.s32 $0xFFFFF086  }
0x25: {  	[simem:s6], [sflag:s4] =	dma.local [hbm:s3], $0xF7A  }
0x26: {  	[smem:$0x3F8F] =	sst s1;
	(tag) =	ssettag s2;
	_ =	strace s9  }
0x27: {  	s1 =	sld [smem:$0x3F9F]  }
0x28: {  	s2 =	sld [smem:$0x3FA0]  }
0x29: {  	s4 =	sld [smem:$0x3FA2]  }
0x2a: {  	p0 =	seq.s32 s5, $0x0;
	s5 =	sld [smem:$0x3FA3]  }
0x2b: {  	s6 =	sld [smem:$0x3FA4]  }
0x2c: {  	s7 =	sld [smem:$0x3FA5]  }
0x2d: {  	s3 =	simm.s32 $0x108;
	s8 =	sld [smem:$0x3FA6]  }
0x2e: {  	s3 =	simm.s32 @!p0 $0x1082;
	s9 =	sld [smem:$0x3FA7]  }
0x2f: {  	lr =	sadd.s32 s0, s3;
	s0 =	sld [smem:$0x3F9E]  }
0x30: {  	s3 =	sld [smem:$0x3FA1]  }
0x31: {  	[smem:$0x3FAA] =	sst s10  }
0x32: {  	s10 =	sld [smem:$0x3FA8];
	_ =	sdelay $0x3  }
0x33: {  	p0 =	seq.s32 s10, $0x1;
	s10 =	sld [smem:$0x3FAA];
	_ =	sdelay $0x3  }
0x34: {  	[smem:$0x3FAA] =	sst s10  }
0x35: {  	s10 =	sld [smem:$0x3FA9];
	_ =	sdelay $0x3  }
0x36: {  	p1 =	seq.s32 s10, $0x1;
	s10 =	sld [smem:$0x3FAA];
	_ =	sdelay $0x3  }
0x37: {  	[smem:$0x3FAA] =	sst s10  }
0x38: {  	s10 =	sld [smem:$0x3FAB]  }
0x39: {  	_ = 	snop;
	(pc) =	sbr.ind lr, $3  }
0x3a: {  	_ = 	snop  }
0x3b: {  	_ = 	snop  }
0x3c: {  	p2 =	seq.s32 s10, $0x1;
	s10 =	sld [smem:$0x3FAA]  }
0x3d: {  	_ =	shalt  }
0x3e: {  	_ =	shalt  }
0x3f: {  	_ =	shalt  }
0x40: {  	_ =	shalt  }
0x41: {  	_ =	shalt  }
0x42: {  	_ =	shalt  }
0x43: {  	_ =	shalt  }
0x44: {  	_ =	shalt  }
0x45: {  	_ =	shalt  }
0x46: {  	_ =	shalt  }
0x47: {  	_ =	shalt  }
0x48: {  	_ =	shalt  }
0x49: {  	_ =	shalt  }
0x4a: {  	_ =	shalt  }
0x4b: {  	_ =	shalt  }
0x4c: {  	_ =	shalt  }
0x4d: {  	_ =	shalt  }
0x4e: {  	_ =	shalt  }
0x4f: {  	_ =	shalt  }
0x50: {  	_ =	shalt  }
0x51: {  	_ =	shalt  }
0x52: {  	_ =	shalt  }
0x53: {  	_ =	shalt  }
0x54: {  	_ =	shalt  }
0x55: {  	_ =	shalt  }
0x56: {  	_ =	shalt  }
0x57: {  	_ =	shalt  }
0x58: {  	_ =	shalt  }
0x59: {  	_ =	shalt  }
0x5a: {  	_ =	shalt  }
0x5b: {  	_ =	shalt  }
0x5c: {  	_ =	shalt  }
0x5d: {  	_ =	shalt  }
0x5e: {  	_ =	shalt  }
0x5f: {  	_ =	shalt  }
0x60: {  	_ =	shalt  }
0x61: {  	_ =	shalt  }
0x62: {  	_ =	shalt  }
0x63: {  	_ =	shalt  }
0x64: {  	_ =	shalt  }
0x65: {  	_ =	shalt  }
0x66: {  	_ =	shalt  }
0x67: {  	_ =	shalt  }
0x68: {  	_ =	shalt  }
0x69: {  	_ =	shalt  }
0x6a: {  	_ =	shalt  }
0x6b: {  	_ =	shalt  }
0x6c: {  	_ =	shalt  }
0x6d: {  	_ =	shalt  }
0x6e: {  	_ =	shalt  }
0x6f: {  	_ =	shalt  }
0x70: {  	_ =	shalt  }
0x71: {  	_ =	shalt  }
0x72: {  	_ =	shalt  }
0x73: {  	_ =	shalt  }
0x74: {  	_ =	shalt  }
0x75: {  	_ =	shalt  }
0x76: {  	_ =	shalt  }
0x77: {  	_ =	shalt  }
0x78: {  	_ =	shalt  }
0x79: {  	_ =	shalt  }
0x7a: {  	_ =	shalt  }
0x7b: {  	_ =	shalt  }
0x7c: {  	_ =	shalt  }
0x7d: {  	_ =	shalt  }
0x7e: {  	_ =	shalt  }
0x7f: {  	_ =	shalt  }
0x80: {  	_ =	shalt  }
0x81: {  	_ =	shalt  }
0x82: {  	_ =	shalt  }
0x83: {  	_ =	shalt  }
0x84: {  	_ =	shalt  }
0x85: {  	_ =	shalt  }
0x86: {  	_ =	shalt  }
0x87: {  	_ =	shalt  }
.Lfunc_end0:
.L_simem_size_0:
called_computation.4_lowered:
.L_overlay_start_0:
0x88: {  	s2 =	sld [smem:$0x3FD9]  }
0x89: {  	s3 =	sld [smem:$0x3FFE];
	_ =	sdelay $0x1  }
0x8a: {  	s1 =	srdreg.scid  }
0x8b: {  	s0 =	sand.u32 $0x1, s1  }
0x8c: {  	s16 =	sshll.u32 s0, $0xA;
	s2 =	sadd.s32 s3, s2  }
0x8d: {  	s2 =	sadd.s32 s2, s16  }
0x8e: {  	[smem:$0x3FB6] =	sst s2  }
0x8f: {  	_ = 	snop  }
0x90: {  	(tm) =	ssettm $0x1  }
0x91: {  	s17 =	sld [smem:$0x3FFB];
	_ =	sdelay $0x3  }
0x92: {  	_ =	strace s17  }
0x93: {  	s2 =	sld [smem:$0x3FFC];
	_ =	sdelay $0x3  }
0x94: {  	_ =	strace s2  }
0x95: {  	s2 =	sld [smem:$0x3FFD];
	_ =	sdelay $0x3  }
0x96: {  	_ =	strace s2  }
0x97: {  	_ =	strace $0x8FFFFFFF  }
0x98: {  	s18 =	sld [smem:$0x3FDB];
	_ =	sdelay $0x1  }
0x99: {  	s19 =	simm.s32 $_scs_section_size  }
0x9a: {  	s4 =	simm.s32 $_size__tile_overlayer_lowered;
	s5 =	simm.s32 $_tile_overlayer_lowered  }
0x9b: {  	s22 =	simm.s32 $0x1BFF;
	s21 =	sshll.u32 s5, $0x1;
	s2 =	sadd.s32 s19, s18  }
0x9c: {  	s6 =	simm.s32 $0x0;
	s20 =	sshll.u32 s4, $0x1;
	s4 =	sadd.s32 s21, s2  }
0x9d: {  	[timem:s6], [sflag:s22] =	dma.local [hbm:s4], s20  }
0x9e: {  	_ =	swait.ge [sflag:s22], s20  }
0x9f: {  	s3 =	ssub.s32 $0x0, s20;
	[sflag:s22] =	ssyncset.done $0x0  }
0xa0: {  	[sflag:s22] =	ssyncadd.s32 s3;
	_ =	sdelay $0x1  }
0xa1: {  	s23 =	simm.s32 $0x1B8B  }
0xa2: {  	_ =	swait.ge [sflag:s23], $0x1  }
0xa3: {  	[sflag:s23] =	ssyncset.done $0x0  }
0xa4: {  	s25 =	simm.s32 $0x1B8E;
	s24 =	sld [smem:$0x3FFE];
	[sflag:s23] =	ssyncadd.s32 $0xFFFFFFFF  }
0xa5: {  	s26 =	simm.s32 $execute0_lowered;
	[smem:$0x3FD2] =	sst s25  }
0xa6: {  	s4 =	sshll.u32 s26, $0x1;
	_ =	strace $0x80000052;
	[dreg:$0x1] =	wrdreg $0xFFFFFFFF  }
0xa7: {  	s28 =	simm.s32 $_size_execute0_lowered;
	s2 =	sadd.s32 s2, s4;
	[dreg:$0x0] =	wrdreg $0x0  }
0xa8: {  	s4 =	sshll.u32 s28, $0x1;
	[dreg:$0x2] =	wrdreg s2  }
0xa9: {  	[dreg:$0x3] =	wrdreg s4  }
0xaa: {  	[dreg:$0x4] =	wrdreg $0xC0  }
0xab: {  	_ =	task [dreg:s6], $0x5FFFF  }
0xac: {  	[dreg:$0x1] =	wrdreg $0xFFFFFFFF  }
0xad: {  	[dreg:$0x0] =	wrdreg $0x60  }
0xae: {  	[dreg:$0x2] =	wrdreg s24  }
0xaf: {  	[dreg:$0x3] =	wrdreg $0x9  }
0xb0: {  	_ =	task.clear_ibuf [dreg:s6], $0x4FFFF;
	_ =	strace $0x90000052  }
0xb1: {  	s29 =	simm.s32 $0x9;
	_ =	strace $0x80000054  }
0xb2: {  	_ =	swait.ge [sflag:s29], $0x1  }
0xb3: {  	[sflag:s29] =	ssyncadd.s32 $0xFFFFFFFF  }
0xb4: {  	_ =	strace $0x90000054  }
0xb5: {  	_ =	sfence  }
0xb6: {  	s30 =	sld [smem:$0x0];
	_ =	sdelay $0x2  }
0xb7: {  	s31 =	sshll.u32 s1, $0xD;
	s1 =	sshrl.u32 s1, $0x2  }
0xb8: {  	s3 =	sand.u32 $0x4000, s31;
	s1 =	sadd.s32 s1, s30  }
0xb9: {  	s0 =	sor.u32 s3, s0;
	s1 =	sshll.u32 s1, $0x11  }
0xba: {  	s0 =	sor.u32 s1, s0  }
0xbb: {  	s0 =	sadd.s32 $0x8F2B, s0  }
0xbc: {  	[sflag:s0] =	ssyncadd.remote.s32 $0x1  }
0xbd: {  	_ =	sfence.sel $0xFFFF  }
0xbe: {  	[dreg:$0x0] =	wrdreg $0xFFFFFFFF;
	(pc) =	sbr.abs _section_cstart, $3  }
0xbf: {  	[dreg:$0x1] =	wrdreg $0xFFFFFFFF  }
0xc0: {  	_ =	task.clear_ibuf [dreg:s6], $0x2FFFF;
	_ =	strace $0x9FFFFFFF  }
0xc1: {  	(tm) =	ssettm $0x7FFFFFFF  }
tec
execute0_lowered:
.L_overlay_start_1:
0x0: {  	(tag) =	ssettag $0x1  }
0x1: {  	s4 =	rddreg [dreg:$0x0]  }
0x2: {  	s0 =	rddreg [dreg:$0x1]  }
0x3: {  	s2 =	simm.s32 $0x0;
	s3 =	srdreg.scid;
	s1 =	stileid.u32  }
0x4: {  	[smem:$0x7FF] =	sst s2;
	s5 =	sand.u32 $0x1, s3;
	s3 =	sadd.s32 $0x9A00, s4  }
0x5: {  	s6 =	sshll.u32 s1, $0x5;
	s8 =	sshll.u32 s1, $0xC;
	_ =	strace $0x80000053  }
0x6: {  	s7 =	ssub.s32 $0x2, s5;
	s6 =	sadd.s32 s6, s4;
	s8 =	sadd.s32 s8, s4  }
0x7: {  	s31 =	sshll.u32 s5, $0x4;
	s10 =	sshll.u32 s5, $0xB;
	s9 =	sshrl.u32 s7, $0x1  }
0x8: {  	s4 =	sshll.u32 s1, $0x1;
	s10 =	sadd.s32 s10, s8;
	s7 =	ssub.s32 s7, s9  }
0x9: {  	s9 =	sadd.s32 s31, s6;
	s8 =	sadd.s32 $0xA5AA00, s10;
	s5 =	smax.u32 s7, $0x1  }
0xa: {  	s6 =	sadd.s32 $0x3AA00, s9;
	s7 =	sadd.s32 $0x30C00, s9;
	s9 =	sadd.s32 $0x97800, s10  }
.LBB2_1:
0xb: {  	p0 =	sgt.u32 s4, $0x9C3  }
0xc: {  	s10 =	sadd.s32 @!p0 $0x0, s7;
	s12 =	simm.s32 @!p0 $0x0;
	s11 =	simm.s32 @!p0 $0x3  }
0xd: {  	[tilespmem:s12], [sflag:$0x3] =	stream.linear.gather @!p0 [hbm4b:s10+s12], $0x80, $0x38;
	[tilespmem:$0x4080] =	vst v63  }
0xe: {  	_ =	swait.ge @!p0 [sflag:s11], $0x80;
	p0 =	por p0, p0  }
0xf: {  	[sflag:s11] =	ssyncset.done @!p0 $0x0  }
0x10: {  	s10 =	simm.s32 @!p0 $0x80;
	s14 =	simm.s32 @!p0 $0x1;
	[sflag:s11] =	ssyncadd.s32 @!p0 $0xFFFFFF80  }
0x11: {  	[tilespmem:s10], [sflag:$0x1] =	stream.indirect.gather @!p0 [hbm4b:s3+s10], $0x80, s12, s10, $0xb8;
	[tilespmem:$0x4080] =	vst v63  }
0x12: {  	_ =	swait.ge @!p0 [sflag:s14], $0x4000  }
0x13: {  	[sflag:s14] =	ssyncset.done @!p0 $0x0  }
0x14: {  	[sflag:s14] =	ssyncadd.s32 @!p0 $0xFFFFC000  }
0x15: {  	[hbm4b:s9+s12] =	stream.linear.scatter @!p0 [tilespmem:s10], [sflag:$0x3], $0x4000, $0x38;
	[tilespmem:$0x4080] =	vst v63  }
0x16: {  	_ =	swait.ge @!p0 [sflag:s11], $0x4000  }
0x17: {  	[sflag:s11] =	ssyncset.done @!p0 $0x0  }
0x18: {  	s13 =	sadd.s32 @!p0 $0x0, s6;
	[sflag:s11] =	ssyncadd.s32 @!p0 $0xFFFFC000  }
0x19: {  	[tilespmem:s12], [sflag:$0x3] =	stream.linear.gather @!p0 [hbm4b:s13+s12], $0x80, $0x38;
	[tilespmem:$0x4080] =	vst v63  }
0x1a: {  	_ =	swait.ge @!p0 [sflag:s11], $0x80  }
0x1b: {  	[sflag:s11] =	ssyncset.done @!p0 $0x0  }
0x1c: {  	[sflag:s11] =	ssyncadd.s32 @!p0 $0xFFFFFF80  }
0x1d: {  	[tilespmem:s10], [sflag:$0x1] =	stream.indirect.gather @!p0 [hbm4b:s3+s10], $0x80, s12, s10, $0xb8;
	[tilespmem:$0x4080] =	vst v63  }
0x1e: {  	_ =	swait.ge @!p0 [sflag:s14], $0x4000  }
0x1f: {  	[sflag:s14] =	ssyncset.done @!p0 $0x0  }
0x20: {  	s15 =	simm.s32 @!p0 $0x2;
	s13 =	simm.s32 $0x400;
	[sflag:s14] =	ssyncadd.s32 @!p0 $0xFFFFC000  }
0x21: {  	[hbm4b:s8+s12] =	stream.linear.scatter @!p0 [tilespmem:s10], [sflag:$0x2], $0x4000, $0x38;
	[tilespmem:$0x4080] =	vst v63  }
0x22: {  	s11 =	simm.s32 $0x200;
	s14 =	sadd.s32 $0x20, s4;
	s12 =	sadd.s32 $0x10000, s9  }
0x23: {  	p2 =	sgt.u32 s14, $0x9C3;
	s10 =	sadd.s32 $0x10000, s8;
	_ =	swait.ge @!p0 [sflag:s15], $0x4000  }
.LBB2_2:
0x24: {  	s16 =	sadd.s32 @!p2 s11, s7  }
0x25: {  	s17 =	simm.s32 @!p2 $0x0;
	[sflag:s15] =	ssyncset.done @!p0 $0x0;
	s18 =	smov.u32 s13  }
0x26: {  	s13 =	sadd.s32 $0x200, s13;
	s19 =	simm.s32 @!p2 $0x3;
	[sflag:s15] =	ssyncadd.s32 @!p0 $0xFFFFC000  }
0x27: {  	[tilespmem:s17], [sflag:$0x3] =	stream.linear.gather @!p2 [hbm4b:s16+s17], $0x80, $0x38;
	[tilespmem:$0x4080] =	vst v63  }
0x28: {  	p1 =	sne.s32 s13, $0x9E00;
	p0 =	por p2, p2;
	_ =	swait.ge @!p2 [sflag:s19], $0x80  }
0x29: {  	[sflag:s19] =	ssyncset.done @!p0 $0x0  }
0x2a: {  	s16 =	simm.s32 @!p0 $0x80;
	s15 =	simm.s32 @!p0 $0x1;
	[sflag:s19] =	ssyncadd.s32 @!p0 $0xFFFFFF80  }
0x2b: {  	[tilespmem:s16], [sflag:$0x1] =	stream.indirect.gather @!p0 [hbm4b:s3+s16], $0x80, s17, s16, $0xb8;
	[tilespmem:$0x4080] =	vst v63  }
0x2c: {  	_ =	swait.ge @!p0 [sflag:s15], $0x4000  }
0x2d: {  	[sflag:s15] =	ssyncset.done @!p0 $0x0  }
0x2e: {  	[sflag:s15] =	ssyncadd.s32 @!p0 $0xFFFFC000  }
0x2f: {  	[hbm4b:s12+s17] =	stream.linear.scatter @!p0 [tilespmem:s16], [sflag:$0x3], $0x4000, $0x38;
	[tilespmem:$0x4080] =	vst v63  }
0x30: {  	_ =	swait.ge @!p0 [sflag:s19], $0x4000  }
0x31: {  	[sflag:s19] =	ssyncset.done @!p0 $0x0  }
0x32: {  	s20 =	sadd.s32 @!p0 s11, s6;
	s11 =	smov.u32 s18;
	[sflag:s19] =	ssyncadd.s32 @!p0 $0xFFFFC000  }
0x33: {  	[tilespmem:s17], [sflag:$0x3] =	stream.linear.gather @!p0 [hbm4b:s20+s17], $0x80, $0x38;
	[tilespmem:$0x4080] =	vst v63  }
0x34: {  	_ =	swait.ge @!p0 [sflag:s19], $0x80  }
0x35: {  	[sflag:s19] =	ssyncset.done @!p0 $0x0  }
0x36: {  	[sflag:s19] =	ssyncadd.s32 @!p0 $0xFFFFFF80  }
0x37: {  	[tilespmem:s16], [sflag:$0x1] =	stream.indirect.gather @!p0 [hbm4b:s3+s16], $0x80, s17, s16, $0xb8;
	[tilespmem:$0x4080] =	vst v63  }
.Ltmp0:
0x38: {  	_ =	swait.ge @!p0 [sflag:s15], $0x4000;
	(pc) =	sbr.rel @p1 .LBB2_2-.Ltmp0, $4  }
0x39: {  	s12 =	sadd.s32 $0x10000, s12;
	[sflag:s15] =	ssyncset.done @!p0 $0x0  }
0x3a: {  	s14 =	sadd.s32 $0x20, s14;
	[sflag:s15] =	ssyncadd.s32 @!p0 $0xFFFFC000;
	s15 =	simm.s32 @!p0 $0x2  }
0x3b: {  	[hbm4b:s10+s17] =	stream.linear.scatter @!p0 [tilespmem:s16], [sflag:$0x2], $0x4000, $0x38;
	[tilespmem:$0x4080] =	vst v63  }
0x3c: {  	p2 =	sgt.u32 s14, $0x9C3;
	s10 =	sadd.s32 $0x10000, s10;
	_ =	swait.ge @!p0 [sflag:s15], $0x4000  }
0x3d: {  	s13 =	sadd.s32 @!p2 s11, s7;
	[sflag:s15] =	ssyncset.done @!p0 $0x0  }
0x3e: {  	s14 =	simm.s32 @!p2 $0x0;
	s16 =	simm.s32 @!p2 $0x3;
	[sflag:s15] =	ssyncadd.s32 @!p0 $0xFFFFC000  }
0x3f: {  	[tilespmem:s14], [sflag:$0x3] =	stream.linear.gather @!p2 [hbm4b:s13+s14], $0x80, $0x38;
	[tilespmem:$0x4080] =	vst v63  }
0x40: {  	p0 =	por p2, p2;
	_ =	swait.ge @!p2 [sflag:s16], $0x80  }
0x41: {  	[sflag:s16] =	ssyncset.done @!p0 $0x0  }
0x42: {  	s13 =	simm.s32 @!p0 $0x80;
	s15 =	simm.s32 @!p0 $0x1;
	[sflag:s16] =	ssyncadd.s32 @!p0 $0xFFFFFF80  }
0x43: {  	[tilespmem:s13], [sflag:$0x1] =	stream.indirect.gather @!p0 [hbm4b:s3+s13], $0x80, s14, s13, $0xb8;
	[tilespmem:$0x4080] =	vst v63  }
0x44: {  	_ =	swait.ge @!p0 [sflag:s15], $0x4000  }
0x45: {  	[sflag:s15] =	ssyncset.done @!p0 $0x0  }
0x46: {  	[sflag:s15] =	ssyncadd.s32 @!p0 $0xFFFFC000  }
0x47: {  	[hbm4b:s12+s14] =	stream.linear.scatter @!p0 [tilespmem:s13], [sflag:$0x3], $0x4000, $0x38;
	[tilespmem:$0x4080] =	vst v63  }
0x48: {  	_ =	swait.ge @!p0 [sflag:s16], $0x4000  }
0x49: {  	[sflag:s16] =	ssyncset.done @!p0 $0x0  }
0x4a: {  	s11 =	sadd.s32 @!p0 s11, s6;
	[sflag:s16] =	ssyncadd.s32 @!p0 $0xFFFFC000  }
0x4b: {  	[tilespmem:s14], [sflag:$0x3] =	stream.linear.gather @!p0 [hbm4b:s11+s14], $0x80, $0x38;
	[tilespmem:$0x4080] =	vst v63  }
0x4c: {  	_ =	swait.ge @!p0 [sflag:s16], $0x80  }
0x4d: {  	[sflag:s16] =	ssyncset.done @!p0 $0x0  }
0x4e: {  	[sflag:s16] =	ssyncadd.s32 @!p0 $0xFFFFFF80  }
0x4f: {  	[tilespmem:s13], [sflag:$0x1] =	stream.indirect.gather @!p0 [hbm4b:s3+s13], $0x80, s14, s13, $0xb8;
	[tilespmem:$0x4080] =	vst v63  }
0x50: {  	s2 =	sadd.s32 $0x1, s2;
	_ =	swait.ge @!p0 [sflag:s15], $0x4000  }
0x51: {  	p1 =	sne.s32 s2, s5;
	[sflag:s15] =	ssyncset.done @!p0 $0x0  }
.Ltmp1:
0x52: {  	s11 =	simm.s32 @!p0 $0x2;
	[sflag:s15] =	ssyncadd.s32 @!p0 $0xFFFFC000;
	(pc) =	sbr.rel @p1 .LBB2_1-.Ltmp1, $4  }
0x53: {  	[hbm4b:s10+s14] =	stream.linear.scatter @!p0 [tilespmem:s13], [sflag:$0x2], $0x4000, $0x38;
	[tilespmem:$0x4080] =	vst v63  }
0x54: {  	_ =	swait.ge @!p0 [sflag:s11], $0x4000  }
0x55: {  	[sflag:s11] =	ssyncset.done @!p0 $0x0  }
0x56: {  	[sflag:s11] =	ssyncadd.s32 @!p0 $0xFFFFC000  }
0x57: {  	_ =	sfence.sel $0x180000  }
0x58: {  	[bflag:$0x0] =	sbarrier.arrive $0xFFFF  }
0x59: {  	p0 =	sne.s32 s1, $0x0;
	_ =	strace $0x90000053  }
0x5a: {  	s0 =	sadd.s32 @!p0 $0x100000, s0;
	[bflag:$0x2] =	sbarrier.arrive $0xFFFF  }
0x5b: {  	[sflag:s0] =	ssyncadd.tile.s32 @!p0 $0x1;
	_ =	shalt  }
.Lfunc_end2:
_tile_overlayer_lowered:
.L_overlay_start_2:
0x5c: {  	(tag) =	ssettag $0x2  }
0x5d: {  	s0 =	rddreg [dreg:$0x0];
	s2 =	stileid.u32  }
0x5e: {  	s1 =	rddreg [dreg:$0x1];
	p0 =	sne.s32 s2, $0x0  }
0x5f: {  	s3 =	rddreg [dreg:$0x2];
	[bflag:$0x3] =	sbarrier.arrive $0xFFFF;
	s2 =	simm.s32 @!p0 $0x1C02  }
0x60: {  	[timem:s3], [sflag:s2] =	dma.local @!p0 [hbm:s0], s1  }
0x61: {  	s0 =	simm.s32 @!p0 $0x2  }
0x62: {  	_ =	swait.ge @!p0 [sflag:s0], s1  }
0x63: {  	s1 =	ssub.s32 @!p0 $0x0, s1;
	[sflag:s0] =	ssyncset.done @!p0 $0x0  }
0x64: {  	[sflag:s0] =	ssyncadd.s32 @!p0 s1  }
0x65: {  	[bflag:$0x3] =	sbarrier.arrive $0xFFFF  }
0x66: {  	_ =	shalt  }

// kernel: kernel.31.cloned.1.call-start
scs
__scs_entry_jumppad:
0x0: {  	(pc) =	sbr.rel $0x88, $3  }
0x1: {  	(tag) =	ssettag $0x0;
	lr =	simm.s32 $0x1  }
0x2: {  	[smem:$0x3F8F] =	sst lr;
	_ =	strace $0xD0000000  }
0x3: {  	_ = 	snop  }
0x4: {  	_ = 	snop  }
0x5: {  	_ = 	snop  }
0x6: {  	_ = 	snop  }
0x7: {  	_ = 	snop  }
__scs_overlays_trampoline_lowered:
0x8: {  	[smem:$0x3F9E] =	sst s0  }
0x9: {  	[smem:$0x3F9F] =	sst s1  }
0xa: {  	[smem:$0x3FA0] =	sst s2  }
0xb: {  	[smem:$0x3FA1] =	sst s3  }
0xc: {  	[smem:$0x3FA2] =	sst s4  }
0xd: {  	[smem:$0x3FA3] =	sst s5  }
0xe: {  	[smem:$0x3FA4] =	sst s6  }
0xf: {  	[smem:$0x3FA5] =	sst s7  }
0x10: {  	[smem:$0x3FA6] =	sst s8  }
0x11: {  	[smem:$0x3FA7] =	sst s9;
	s0 =	simm.s32 @!p0 $0x0  }
0x12: {  	s1 =	sld [smem:$0x3F8D];
	s0 =	simm.s32 @p0 $0x1  }
0x13: {  	[smem:$0x3FA8] =	sst s0;
	s0 =	simm.s32 @!p1 $0x0  }
0x14: {  	s2 =	sld [smem:$0x3F8C];
	s0 =	simm.s32 @p1 $0x1  }
0x15: {  	[smem:$0x3FA9] =	sst s0;
	s0 =	simm.s32 @!p2 $0x0  }
0x16: {  	s3 =	sld [smem:$0x3FDB];
	s0 =	simm.s32 @p2 $0x1  }
0x17: {  	s4 =	simm.s32 $0x1BF5;
	[smem:$0x3FAB] =	sst s0  }
0x18: {  	s0 =	sld [smem:$0x3F8E];
	_ =	swait.ge [sflag:s4], $0x0  }
0x19: {  	s7 =	sld [smem:$0x3F8F]  }
0x1a: {  	s8 =	sadd.s32 $0xFFFFE003, lr  }
0x1b: {  	s9 =	sadd.s32 $0xFFFFFEF7, lr;
	s5 =	simm.s32 $0xFFFFFFFF;
	p2 =	slt.u32 s8, $0xFFFFF086  }
0x1c: {  	p1 =	slt.u32 s9, $0xF7A;
	s5 =	simm.s32 @!p2 $0x0  }
0x1d: {  	s5 =	simm.s32 @p1 $0x1;
	p0 =	seq.s32 s7, s2  }
0x1e: {  	s7 =	smul.u32 @!p0 $0xF7A, s2;
	p2 =	seq.s32 @!p0 s5, $0x0  }
0x1f: {  	s9 =	smul.u32 $0xF7A, s1;
	s8 =	simm.s32 @!p0 $0x1BF5;
	p2 =	por !p2, p0  }
0x20: {  	[sflag:s8] =	ssyncset.s32 @!p0 $0xFFFFF086;
	s6 =	sadd.s32 @!p0 s3, s7;
	s7 =	simm.s32 @!p0 $0x108  }
0x21: {  	s3 =	sadd.s32 s3, s9;
	s6 =	sadd.s32 @!p0 $0x88, s6;
	s7 =	simm.s32 @p2 $0x1082  }
0x22: {  	[simem:s7], [sflag:s8] =	dma.local @!p0 [hbm:s6], $0xF7A  }
0x23: {  	s9 =	sor.u32 $0xD0000000, s2;
	s6 =	simm.s32 $0x108;
	_ =	swait.ge @!p0 [sflag:s8], $0x0  }
0x24: {  	s3 =	sadd.s32 $0x88, s3;
	s6 =	simm.s32 @!p1 $0x1082;
	[sflag:s4] =	ssyncset.s32 $0xFFFFF086  }
0x25: {  	[simem:s6], [sflag:s4] =	dma.local [hbm:s3], $0xF7A  }
0x26: {  	[smem:$0x3F8F] =	sst s1;
	(tag) =	ssettag s2;
	_ =	strace s9  }
0x27: {  	s1 =	sld [smem:$0x3F9F]  }
0x28: {  	s2 =	sld [smem:$0x3FA0]  }
0x29: {  	s4 =	sld [smem:$0x3FA2]  }
0x2a: {  	p0 =	seq.s32 s5, $0x0;
	s5 =	sld [smem:$0x3FA3]  }
0x2b: {  	s6 =	sld [smem:$0x3FA4]  }
0x2c: {  	s7 =	sld [smem:$0x3FA5]  }
0x2d: {  	s3 =	simm.s32 $0x108;
	s8 =	sld [smem:$0x3FA6]  }
0x2e: {  	s3 =	simm.s32 @!p0 $0x1082;
	s9 =	sld [smem:$0x3FA7]  }
0x2f: {  	lr =	sadd.s32 s0, s3;
	s0 =	sld [smem:$0x3F9E]  }
0x30: {  	s3 =	sld [smem:$0x3FA1]  }
0x31: {  	[smem:$0x3FAA] =	sst s10  }
0x32: {  	s10 =	sld [smem:$0x3FA8];
	_ =	sdelay $0x3  }
0x33: {  	p0 =	seq.s32 s10, $0x1;
	s10 =	sld [smem:$0x3FAA];
	_ =	sdelay $0x3  }
0x34: {  	[smem:$0x3FAA] =	sst s10  }
0x35: {  	s10 =	sld [smem:$0x3FA9];
	_ =	sdelay $0x3  }
0x36: {  	p1 =	seq.s32 s10, $0x1;
	s10 =	sld [smem:$0x3FAA];
	_ =	sdelay $0x3  }
0x37: {  	[smem:$0x3FAA] =	sst s10  }
0x38: {  	s10 =	sld [smem:$0x3FAB]  }
0x39: {  	_ = 	snop;
	(pc) =	sbr.ind lr, $3  }
0x3a: {  	_ = 	snop  }
0x3b: {  	_ = 	snop  }
0x3c: {  	p2 =	seq.s32 s10, $0x1;
	s10 =	sld [smem:$0x3FAA]  }
0x3d: {  	_ =	shalt  }
0x3e: {  	_ =	shalt  }
0x3f: {  	_ =	shalt  }
0x40: {  	_ =	shalt  }
0x41: {  	_ =	shalt  }
0x42: {  	_ =	shalt  }
0x43: {  	_ =	shalt  }
0x44: {  	_ =	shalt  }
0x45: {  	_ =	shalt  }
0x46: {  	_ =	shalt  }
0x47: {  	_ =	shalt  }
0x48: {  	_ =	shalt  }
0x49: {  	_ =	shalt  }
0x4a: {  	_ =	shalt  }
0x4b: {  	_ =	shalt  }
0x4c: {  	_ =	shalt  }
0x4d: {  	_ =	shalt  }
0x4e: {  	_ =	shalt  }
0x4f: {  	_ =	shalt  }
0x50: {  	_ =	shalt  }
0x51: {  	_ =	shalt  }
0x52: {  	_ =	shalt  }
0x53: {  	_ =	shalt  }
0x54: {  	_ =	shalt  }
0x55: {  	_ =	shalt  }
0x56: {  	_ =	shalt  }
0x57: {  	_ =	shalt  }
0x58: {  	_ =	shalt  }
0x59: {  	_ =	shalt  }
0x5a: {  	_ =	shalt  }
0x5b: {  	_ =	shalt  }
0x5c: {  	_ =	shalt  }
0x5d: {  	_ =	shalt  }
0x5e: {  	_ =	shalt  }
0x5f: {  	_ =	shalt  }
0x60: {  	_ =	shalt  }
0x61: {  	_ =	shalt  }
0x62: {  	_ =	shalt  }
0x63: {  	_ =	shalt  }
0x64: {  	_ =	shalt  }
0x65: {  	_ =	shalt  }
0x66: {  	_ =	shalt  }
0x67: {  	_ =	shalt  }
0x68: {  	_ =	shalt  }
0x69: {  	_ =	shalt  }
0x6a: {  	_ =	shalt  }
0x6b: {  	_ =	shalt  }
0x6c: {  	_ =	shalt  }
0x6d: {  	_ =	shalt  }
0x6e: {  	_ =	shalt  }
0x6f: {  	_ =	shalt  }
0x70: {  	_ =	shalt  }
0x71: {  	_ =	shalt  }
0x72: {  	_ =	shalt  }
0x73: {  	_ =	shalt  }
0x74: {  	_ =	shalt  }
0x75: {  	_ =	shalt  }
0x76: {  	_ =	shalt  }
0x77: {  	_ =	shalt  }
0x78: {  	_ =	shalt  }
0x79: {  	_ =	shalt  }
0x7a: {  	_ =	shalt  }
0x7b: {  	_ =	shalt  }
0x7c: {  	_ =	shalt  }
0x7d: {  	_ =	shalt  }
0x7e: {  	_ =	shalt  }
0x7f: {  	_ =	shalt  }
0x80: {  	_ =	shalt  }
0x81: {  	_ =	shalt  }
0x82: {  	_ =	shalt  }
0x83: {  	_ =	shalt  }
0x84: {  	_ =	shalt  }
0x85: {  	_ =	shalt  }
0x86: {  	_ =	shalt  }
0x87: {  	_ =	shalt  }
.Lfunc_end0:
.L_simem_size_0:
called_computation.5_lowered:
.L_overlay_start_0:
0x88: {  	s2 =	sld [smem:$0x3FD9]  }
0x89: {  	s3 =	sld [smem:$0x3FFE];
	_ =	sdelay $0x1  }
0x8a: {  	s1 =	srdreg.scid  }
0x8b: {  	s0 =	sand.u32 $0x1, s1  }
0x8c: {  	s16 =	sshll.u32 s0, $0xA;
	s2 =	sadd.s32 s3, s2  }
0x8d: {  	s2 =	sadd.s32 s2, s16  }
0x8e: {  	[smem:$0x3FB6] =	sst s2  }
0x8f: {  	_ = 	snop  }
0x90: {  	(tm) =	ssettm $0x1  }
0x91: {  	s17 =	sld [smem:$0x3FFB];
	_ =	sdelay $0x3  }
0x92: {  	_ =	strace s17  }
0x93: {  	s2 =	sld [smem:$0x3FFC];
	_ =	sdelay $0x3  }
0x94: {  	_ =	strace s2  }
0x95: {  	s2 =	sld [smem:$0x3FFD];
	_ =	sdelay $0x3  }
0x96: {  	_ =	strace s2  }
0x97: {  	_ =	strace $0x8FFFFFFF  }
0x98: {  	s18 =	sld [smem:$0x3FDB];
	_ =	sdelay $0x1  }
0x99: {  	s19 =	simm.s32 $_scs_section_size  }
0x9a: {  	s4 =	simm.s32 $_size__tile_overlayer_lowered;
	s5 =	simm.s32 $_tile_overlayer_lowered  }
0x9b: {  	s22 =	simm.s32 $0x1BFF;
	s21 =	sshll.u32 s5, $0x1;
	s2 =	sadd.s32 s19, s18  }
0x9c: {  	s6 =	simm.s32 $0x0;
	s20 =	sshll.u32 s4, $0x1;
	s4 =	sadd.s32 s21, s2  }
0x9d: {  	[timem:s6], [sflag:s22] =	dma.local [hbm:s4], s20  }
0x9e: {  	_ =	swait.ge [sflag:s22], s20  }
0x9f: {  	s3 =	ssub.s32 $0x0, s20;
	[sflag:s22] =	ssyncset.done $0x0  }
0xa0: {  	[sflag:s22] =	ssyncadd.s32 s3;
	_ =	sdelay $0x1  }
0xa1: {  	s23 =	simm.s32 $0x1B8B  }
0xa2: {  	_ =	swait.ge [sflag:s23], $0x1  }
0xa3: {  	[sflag:s23] =	ssyncset.done $0x0  }
0xa4: {  	s25 =	simm.s32 $0x1B8E;
	s24 =	sld [smem:$0x3FFE];
	[sflag:s23] =	ssyncadd.s32 $0xFFFFFFFF  }
0xa5: {  	s26 =	simm.s32 $execute0_lowered;
	[smem:$0x3FD2] =	sst s25  }
0xa6: {  	s4 =	sshll.u32 s26, $0x1;
	_ =	strace $0x80000055;
	[dreg:$0x1] =	wrdreg $0xFFFFFFFF  }
0xa7: {  	s28 =	simm.s32 $_size_execute0_lowered;
	s2 =	sadd.s32 s2, s4;
	[dreg:$0x0] =	wrdreg $0x0  }
0xa8: {  	s4 =	sshll.u32 s28, $0x1;
	[dreg:$0x2] =	wrdreg s2  }
0xa9: {  	[dreg:$0x3] =	wrdreg s4  }
0xaa: {  	[dreg:$0x4] =	wrdreg $0xC0  }
0xab: {  	_ =	task [dreg:s6], $0x5FFFF  }
0xac: {  	[dreg:$0x1] =	wrdreg $0xFFFFFFFF  }
0xad: {  	[dreg:$0x0] =	wrdreg $0x60  }
0xae: {  	[dreg:$0x2] =	wrdreg s24  }
0xaf: {  	[dreg:$0x3] =	wrdreg $0x40800  }
0xb0: {  	[dreg:$0x4] =	wrdreg $0x9  }
0xb1: {  	_ =	task.clear_ibuf [dreg:s6], $0x5FFFF;
	_ =	strace $0x90000055  }
0xb2: {  	s29 =	simm.s32 $0x9;
	_ =	strace $0x80000057  }
0xb3: {  	_ =	swait.ge [sflag:s29], $0x1  }
0xb4: {  	[sflag:s29] =	ssyncadd.s32 $0xFFFFFFFF  }
0xb5: {  	_ =	strace $0x90000057  }
0xb6: {  	_ =	sfence  }
0xb7: {  	s30 =	sld [smem:$0x0];
	_ =	sdelay $0x2  }
0xb8: {  	s31 =	sshll.u32 s1, $0xD;
	s1 =	sshrl.u32 s1, $0x2  }
0xb9: {  	s3 =	sand.u32 $0x4000, s31;
	s1 =	sadd.s32 s1, s30  }
0xba: {  	s0 =	sor.u32 s3, s0;
	s1 =	sshll.u32 s1, $0x11  }
0xbb: {  	s0 =	sor.u32 s1, s0  }
0xbc: {  	s0 =	sadd.s32 $0x8F2B, s0  }
0xbd: {  	[sflag:s0] =	ssyncadd.remote.s32 $0x1  }
0xbe: {  	_ =	sfence.sel $0xFFFF  }
0xbf: {  	[dreg:$0x0] =	wrdreg $0xFFFFFFFF;
	(pc) =	sbr.abs _section_cstart, $3  }
0xc0: {  	[dreg:$0x1] =	wrdreg $0xFFFFFFFF  }
0xc1: {  	_ =	task.clear_ibuf [dreg:s6], $0x2FFFF;
	_ =	strace $0x9FFFFFFF  }
0xc2: {  	(tm) =	ssettm $0x7FFFFFFF  }
0xc3: {  	_ =	shalt  }
tec
execute0_lowered:
.L_overlay_start_1:
0x0: {  	(tag) =	ssettag $0x1  }
0x1: {  	s5 =	rddreg [dreg:$0x0]  }
0x2: {  	s1 =	rddreg [dreg:$0x1]  }
0x3: {  	s2 =	srdreg.scid;
	s0 =	rddreg [dreg:$0x2]  }
0x4: {  	s3 =	simm.s32 $0x0;
	s6 =	sand.u32 $0x1, s2;
	s2 =	stileid.u32  }
0x5: {  	[smem:$0x7FF] =	sst s3;
	s4 =	smul.u32 $0x140000, s6  }
0x6: {  	s7 =	sshll.u32 s2, $0xB;
	s8 =	smul.u32 $0x14000, s2;
	_ =	strace $0x80000056  }
0x7: {  	s26 =	sshll.u32 s2, $0x4;
	s29 =	smul.u32 $0x50000, s2;
	s11 =	ssub.s32 $0x2, s6  }
0x8: {  	s31 =	sshll.u32 s2, $0x6;
	p0 =	seq.s32 s6, $0x1;
	s10 =	sadd.s32 s7, s5  }
0x9: {  	s9 =	sadd.s32 s26, s5;
	s30 =	sshrl.u32 s11, $0x1;
	s28 =	sadd.s32 s8, s4  }
.Ltmp0:
0xa: {  	s4 =	sadd.s32 $0x44800, s5;
	s8 =	sshrl.u32 s29, $0x2;
	(pc) =	sbr.rel .LBB2_1-.Ltmp0, $4  }
0xb: {  	s11 =	ssub.s32 s11, s30;
	s7 =	sshrl.u32 s28, $0x3;
	s12 =	sadd.s32 s8, s1  }
0xc: {  	s8 =	sadd.s32 $0x3AA00, s9;
	s9 =	sadd.s32 $0xF3CA00, s10;
	s7 =	sadd.s32 s7, s5  }
0xd: {  	s10 =	sadd.s32 $0x141EA00, s10;
	s5 =	sor.u32 $0x1C01, s31;
	s6 =	sadd.s32 $0x97800, s7  }
0xe: {  	s7 =	smax.u32 s11, $0x1;
	s11 =	sshrl.u32 s12, $0x3;
	s12 =	simm.s32 $0x1  }
.LBB2_7:
0xf: {  	s14 =	simm.s32 @!p2 $0x0;
	s17 =	simm.s32 @!p2 $0x2;
	[sflag:s16] =	ssyncadd.s32 @!p1 $0xFFFFC000  }
0x10: {  	[tilespmem:s14], [sflag:$0x2] =	stream.linear.gather @!p2 [hbm4b:s15+s14], $0x80, $0x38;
	[tilespmem:$0x18080] =	vst v63  }
0x11: {  	_ =	swait.ge @!p2 [sflag:s17], $0x80  }
0x12: {  	p1 =	por p2, p2;
	[sflag:s17] =	ssyncset.done @!p2 $0x0  }
0x13: {  	s15 =	simm.s32 @!p1 $0x80;
	[sflag:s17] =	ssyncadd.s32 @!p1 $0xFFFFFF80  }
0x14: {  	[tilespmem:s15], [sflag:$0x2] =	stream.linear.gather @!p1 [hbm4b:s13+s14], $0x4000, $0x38;
	[tilespmem:$0x18080] =	vst v63  }
0x15: {  	_ =	swait.ge @!p1 [sflag:s17], $0x4000  }
0x16: {  	[sflag:s17] =	ssyncset.done @!p1 $0x0  }
0x17: {  	s13 =	simm.s32 @!p1 $0x1;
	[sflag:s17] =	ssyncadd.s32 @!p1 $0xFFFFC000  }
0x18: {  	[spmem:s1] =	stream.indirect.scatter.add.f32 @!p1 [tilespmem:s15], [sflag:$0x1], $0x80, s14, s15, $0xb8;
	[tilespmem:$0x18080] =	vst v63  }
0x19: {  	_ =	swait.ge @!p1 [sflag:s13], $0x4000  }
0x1a: {  	[sflag:s13] =	ssyncset.done @!p1 $0x0  }
0x1b: {  	[sflag:s13] =	ssyncadd.s32 @!p1 $0xFFFFC000  }
.LBB2_8:
0x1c: {  	s3 =	sadd.s32 $0x1, s3  }
0x1d: {  	p1 =	sne.s32 s3, s7  }
.Ltmp1:
0x1e: {  	[bflag:$0x0] =	sbarrier.arrive $0xFFFF;
	(pc) =	sbr.rel @!p1 .LBB2_9-.Ltmp1, $4  }
0x1f: {  	[hbm:s6], [sflag:s5] =	dma.local [spmem:s11], $0x2800  }
0x20: {  	_ =	swait.ge [sflag:s12], $0x2800  }
0x21: {  	[sflag:s12] =	ssyncset.done $0x0  }
0x22: {  	[sflag:s12] =	ssyncadd.s32 $0xFFFFD800  }
.LBB2_1:
0x23: {  	[spmem:s11], [sflag:s5] =	dma.local [hbm:s4], $0x2800  }
.Ltmp2:
0x24: {  	_ =	swait.ge [sflag:s12], $0x2800;
	(pc) =	sbr.rel @!p0 .LBB2_2-.Ltmp2, $4  }
0x25: {  	[sflag:s12] =	ssyncset.done $0x0  }
0x26: {  	[sflag:s12] =	ssyncadd.s32 $0xFFFFD800  }
0x27: {  	s13 =	sadd.s32 $0x0, s2;
	[bflag:$0x0] =	sbarrier.arrive $0xFFFF  }
0x28: {  	p1 =	sgt.u32 s13, $0x9C3  }
0x29: {  	s13 =	simm.s32 @!p1 $0x0;
	s15 =	simm.s32 @!p1 $0x2  }
0x2a: {  	[tilespmem:s13], [sflag:$0x2] =	stream.linear.gather @!p1 [hbm4b:s8+s13], $0x80, $0x38;
	[tilespmem:$0x18080] =	vst v63  }
0x2b: {  	_ =	swait.ge @!p1 [sflag:s15], $0x80  }
0x2c: {  	[sflag:s15] =	ssyncset.done @!p1 $0x0;
	p1 =	por p1, p1  }
0x2d: {  	[sflag:s15] =	ssyncadd.s32 @!p1 $0xFFFFFF80;
	s17 =	simm.s32 @!p1 $0x80  }
0x2e: {  	[tilespmem:s17], [sflag:$0x2] =	stream.linear.gather @!p1 [hbm4b:s10+s13], $0x4000, $0x38;
	[tilespmem:$0x18080] =	vst v63  }
0x2f: {  	_ =	swait.ge @!p1 [sflag:s15], $0x4000  }
0x30: {  	[sflag:s15] =	ssyncset.done @!p1 $0x0  }
0x31: {  	s31 =	sadd.s32 $0x10, s2;
	s16 =	simm.s32 @!p1 $0x1;
	[sflag:s15] =	ssyncadd.s32 @!p1 $0xFFFFC000  }
0x32: {  	[spmem:s1] =	stream.indirect.scatter.add.f32 @!p1 [tilespmem:s17], [sflag:$0x1], $0x80, s13, s17, $0xb8;
	[tilespmem:$0x18080] =	vst v63  }
0x33: {  	s14 =	simm.s32 $0x20;
	p2 =	sgt.u32 s31, $0x9C3;
	_ =	swait.ge @!p1 [sflag:s16], $0x4000  }
0x34: {  	s15 =	sadd.s32 $0x100, s8;
	s13 =	sadd.s32 $0x8000, s10;
	[sflag:s16] =	ssyncset.done @!p1 $0x0  }
.LBB2_6:
0x35: {  	s17 =	simm.s32 @!p2 $0x0;
	s18 =	simm.s32 @!p2 $0x2;
	[sflag:s16] =	ssyncadd.s32 @!p1 $0xFFFFC000  }
0x36: {  	[tilespmem:s17], [sflag:$0x2] =	stream.linear.gather @!p2 [hbm4b:s15+s17], $0x80, $0x38;
	[tilespmem:$0x18080] =	vst v63  }
0x37: {  	s19 =	smov.u32 s14;
	s14 =	sadd.s32 $0x10, s14;
	_ =	swait.ge @!p2 [sflag:s18], $0x80  }
0x38: {  	p1 =	por p2, p2;
	p3 =	sne.s32 s14, $0x9D0;
	[sflag:s18] =	ssyncset.done @!p2 $0x0  }
0x39: {  	s20 =	simm.s32 @!p1 $0x80;
	[sflag:s18] =	ssyncadd.s32 @!p1 $0xFFFFFF80  }
0x3a: {  	[tilespmem:s20], [sflag:$0x2] =	stream.linear.gather @!p1 [hbm4b:s13+s17], $0x4000, $0x38;
	[tilespmem:$0x18080] =	vst v63  }
0x3b: {  	_ =	swait.ge @!p1 [sflag:s18], $0x4000  }
.Ltmp3:
0x3c: {  	[sflag:s18] =	ssyncset.done @!p1 $0x0;
	(pc) =	sbr.rel @p3 .LBB2_6-.Ltmp3, $4  }
0x3d: {  	s16 =	simm.s32 @!p1 $0x1;
	[sflag:s18] =	ssyncadd.s32 @!p1 $0xFFFFC000  }
0x3e: {  	[spmem:s1] =	stream.indirect.scatter.add.f32 @!p1 [tilespmem:s20], [sflag:$0x1], $0x80, s17, s20, $0xb8;
	[tilespmem:$0x18080] =	vst v63  }
0x3f: {  	s13 =	sadd.s32 $0x8000, s13;
	s17 =	sadd.s32 s19, s2;
	_ =	swait.ge @!p1 [sflag:s16], $0x4000  }
0x40: {  	s15 =	sadd.s32 $0x100, s15;
	p2 =	sgt.u32 s17, $0x9C3;
	[sflag:s16] =	ssyncset.done @!p1 $0x0  }
.Ltmp4:
0x41: {  	_ = 	snop;
	(pc) =	sbr.rel .LBB2_7-.Ltmp4, $1  }
0x42: {  	_ =	sdelay $0x3  }
.LBB2_2:
0x43: {  	s13 =	simm.s32 @!p1 $0x0;
	s15 =	simm.s32 @!p1 $0x2  }
0x44: {  	[tilespmem:s13], [sflag:$0x2] =	stream.linear.gather @!p1 [hbm4b:s8+s13], $0x80, $0x38;
	[tilespmem:$0x18080] =	vst v63  }
0x45: {  	_ =	swait.ge @!p1 [sflag:s15], $0x80  }
0x46: {  	[sflag:s15] =	ssyncset.done @!p1 $0x0;
	p1 =	por p1, p1  }
0x47: {  	[sflag:s15] =	ssyncadd.s32 @!p1 $0xFFFFFF80;
	s17 =	simm.s32 @!p1 $0x80  }
0x48: {  	[tilespmem:s17], [sflag:$0x2] =	stream.linear.gather @!p1 [hbm4b:s9+s13], $0x4000, $0x38;
	[tilespmem:$0x18080] =	vst v63  }
0x49: {  	_ =	swait.ge @!p1 [sflag:s15], $0x4000  }
0x4a: {  	[sflag:s15] =	ssyncset.done @!p1 $0x0  }
0x4b: {  	s31 =	sadd.s32 $0x10, s2;
	s16 =	simm.s32 @!p1 $0x1;
	[sflag:s15] =	ssyncadd.s32 @!p1 $0xFFFFC000  }
0x4c: {  	[spmem:s1] =	stream.indirect.scatter.add.f32 @!p1 [tilespmem:s17], [sflag:$0x1], $0x80, s13, s17, $0xb8;
	[tilespmem:$0x18080] =	vst v63  }
0x4d: {  	s14 =	simm.s32 $0x20;
	p2 =	sgt.u32 s31, $0x9C3;
	_ =	swait.ge @!p1 [sflag:s16], $0x4000  }
0x4e: {  	s15 =	sadd.s32 $0x100, s8;
	s13 =	sadd.s32 $0x8000, s9;
	[sflag:s16] =	ssyncset.done @!p1 $0x0  }
.LBB2_3:
0x4f: {  	s17 =	simm.s32 @!p2 $0x0;
	s18 =	simm.s32 @!p2 $0x2;
	[sflag:s16] =	ssyncadd.s32 @!p1 $0xFFFFC000  }
0x50: {  	[tilespmem:s17], [sflag:$0x2] =	stream.linear.gather @!p2 [hbm4b:s15+s17], $0x80, $0x38;
	[tilespmem:$0x18080] =	vst v63  }
0x51: {  	s19 =	smov.u32 s14;
	s14 =	sadd.s32 $0x10, s14;
	_ =	swait.ge @!p2 [sflag:s18], $0x80  }
0x52: {  	p1 =	por p2, p2;
	p3 =	seq.s32 s14, $0x9D0;
	[sflag:s18] =	ssyncset.done @!p2 $0x0  }
0x53: {  	s20 =	simm.s32 @!p1 $0x80;
	[sflag:s18] =	ssyncadd.s32 @!p1 $0xFFFFFF80  }
0x54: {  	[tilespmem:s20], [sflag:$0x2] =	stream.linear.gather @!p1 [hbm4b:s13+s17], $0x4000, $0x38;
	[tilespmem:$0x18080] =	vst v63  }
0x55: {  	_ =	swait.ge @!p1 [sflag:s18], $0x4000  }
.Ltmp5:
0x56: {  	[sflag:s18] =	ssyncset.done @!p1 $0x0;
	(pc) =	sbr.rel @!p3 .LBB2_3-.Ltmp5, $4  }
0x57: {  	s16 =	simm.s32 @!p1 $0x1;
	[sflag:s18] =	ssyncadd.s32 @!p1 $0xFFFFC000  }
0x58: {  	[spmem:s1] =	stream.indirect.scatter.add.f32 @!p1 [tilespmem:s20], [sflag:$0x1], $0x80, s17, s20, $0xb8;
	[tilespmem:$0x18080] =	vst v63  }
0x59: {  	s13 =	sadd.s32 $0x8000, s13;
	s17 =	sadd.s32 s19, s2;
	_ =	swait.ge @!p1 [sflag:s16], $0x4000  }
0x5a: {  	s15 =	sadd.s32 $0x100, s15;
	p2 =	sgt.u32 s17, $0x9C3;
	[sflag:s16] =	ssyncset.done @!p1 $0x0  }
0x5b: {  	s14 =	simm.s32 @!p2 $0x0;
	s17 =	simm.s32 @!p2 $0x2;
	[sflag:s16] =	ssyncadd.s32 @!p1 $0xFFFFC000  }
0x5c: {  	[tilespmem:s14], [sflag:$0x2] =	stream.linear.gather @!p2 [hbm4b:s15+s14], $0x80, $0x38;
	[tilespmem:$0x18080] =	vst v63  }
0x5d: {  	_ =	swait.ge @!p2 [sflag:s17], $0x80  }
0x5e: {  	p1 =	por p2, p2;
	[sflag:s17] =	ssyncset.done @!p2 $0x0  }
0x5f: {  	s15 =	simm.s32 @!p1 $0x80;
	[sflag:s17] =	ssyncadd.s32 @!p1 $0xFFFFFF80  }
0x60: {  	[tilespmem:s15], [sflag:$0x2] =	stream.linear.gather @!p1 [hbm4b:s13+s14], $0x4000, $0x38;
	[tilespmem:$0x18080] =	vst v63  }
0x61: {  	_ =	swait.ge @!p1 [sflag:s17], $0x4000  }
0x62: {  	[sflag:s17] =	ssyncset.done @!p1 $0x0  }
.Ltmp6:
0x63: {  	s13 =	simm.s32 @!p1 $0x1;
	[sflag:s17] =	ssyncadd.s32 @!p1 $0xFFFFC000;
	(pc) =	sbr.rel .LBB2_8-.Ltmp6, $4  }
0x64: {  	[spmem:s1] =	stream.indirect.scatter.add.f32 @!p1 [tilespmem:s15], [sflag:$0x1], $0x80, s14, s15, $0xb8;
	[tilespmem:$0x18080] =	vst v63  }
0x65: {  	_ =	swait.ge @!p1 [sflag:s13], $0x4000  }
0x66: {  	[sflag:s13] =	ssyncset.done @!p1 $0x0  }
0x67: {  	[sflag:s13] =	ssyncadd.s32 @!p1 $0xFFFFC000  }
.LBB2_9:
0x68: {  	_ =	sfence.sel $0x180000  }
0x69: {  	[bflag:$0x0] =	sbarrier.arrive $0xFFFF  }
0x6a: {  	p0 =	sne.s32 s2, $0x0;
	_ =	strace $0x90000056  }
0x6b: {  	s0 =	sadd.s32 @!p0 $0x100000, s0;
	[bflag:$0x2] =	sbarrier.arrive $0xFFFF  }
0x6c: {  	[sflag:s0] =	ssyncadd.tile.s32 @!p0 $0x1;
	_ =	shalt  }
.Lfunc_end2:
_tile_overlayer_lowered:
.L_overlay_start_2:
0x6d: {  	(tag) =	ssettag $0x2  }
0x6e: {  	s0 =	rddreg [dreg:$0x0];
	s2 =	stileid.u32  }
0x6f: {  	s1 =	rddreg [dreg:$0x1];
	p0 =	sne.s32 s2, $0x0  }
0x70: {  	s3 =	rddreg [dreg:$0x2];
	[bflag:$0x3] =	sbarrier.arrive $0xFFFF;
	s2 =	simm.s32 @!p0 $0x1C01  }
0x71: {  	[timem:s3], [sflag:s2] =	dma.local @!p0 [hbm:s0], s1  }
0x72: {  	s0 =	simm.s32 @!p0 $0x1  }
0x73: {  	_ =	swait.ge @!p0 [sflag:s0], s1  }
0x74: {  	s1 =	ssub.s32 @!p0 $0x0, s1;
	[sflag:s0] =	ssyncset.done @!p0 $0x0  }
0x75: {  	[sflag:s0] =	ssyncadd.s32 @!p0 s1  }
0x76: {  	[bflag:$0x3] =	sbarrier.arrive $0xFFFF  }
0x77: {  	_ =	shalt  }

</sc_bundles>
